<compile_context>
chip_gen: v7x
topology: tpu7x:2x2x1
jax: 0.10.2.dev20260603
libtpu: 0.0.44.dev20260713+nightly
codegen_flags: <defaults>
</compile_context>

<pallas_src>
import dataclasses
import functools

import jax
import jax.numpy as jnp
from jax import lax
from jax.experimental import pallas as pl
from jax.experimental.pallas import tpu as pltpu
from jax.experimental.pallas import tpu_sc as plsc


_LANES = 16


def _sc_trilinear(x2, flat_lut, dim, n_rows, row_len, win):
    ncores, nsub = 2, 16
    nw = ncores * nsub
    npix = n_rows // 3 * row_len
    pix_per_worker = npix // nw
    workers_per_batch = nw // (n_rows // 3)
    nwin = pix_per_worker // win
    lut_pad = flat_lut.shape[0]
    dim2 = dim * dim
    dim3 = dim2 * dim
    scale = float(dim - 1)

    mesh = plsc.VectorSubcoreMesh(core_axis_name="c", subcore_axis_name="s")

    cp = pltpu.CompilerParams()
    if "needs_layout_passes" in pltpu.CompilerParams.__dataclass_fields__:
        cp = dataclasses.replace(cp, needs_layout_passes=False)

    @functools.partial(
        pl.kernel,
        compiler_params=cp,
        out_type=jax.ShapeDtypeStruct((n_rows * row_len,), jnp.float32),
        mesh=mesh,
        scratch_types=[
            pltpu.VMEM((lut_pad,), jnp.float32),
            pltpu.VMEM((3 * win,), jnp.float32),
            pltpu.VMEM((3 * win,), jnp.float32),
            pltpu.VMEM((3 * win,), jnp.float32),
            pltpu.VMEM((3 * win,), jnp.float32),
            pltpu.SemaphoreType.DMA,
            pltpu.SemaphoreType.DMA,
            pltpu.SemaphoreType.DMA,
            pltpu.SemaphoreType.DMA,
            pltpu.SemaphoreType.DMA,
        ],
    )
    def sc_kernel(
        x_hbm, lut_hbm, o_hbm,
        lut_v, in0, in1, out0, out1,
        lsem, isem0, isem1, osem0, osem1,
    ):
        wid = lax.axis_index("s") * ncores + lax.axis_index("c")
        batch = wid // workers_per_batch
        base_pix = (wid % workers_per_batch) * pix_per_worker

        pltpu.async_copy(lut_hbm, lut_v, lsem)

        def copy_in(buf, w, sem):
            start = base_pix + w * win
            for c in range(3):
                pltpu.async_copy(
                    x_hbm.at[pl.ds((batch * 3 + c) * row_len + start, win)],
                    buf.at[pl.ds(c * win, win)],
                    sem,
                )

        def wait_in(buf, sem):
            for c in range(3):
                pltpu.make_async_copy(
                    x_hbm.at[pl.ds((batch * 3 + c) * row_len + base_pix, win)],
                    buf.at[pl.ds(c * win, win)],
                    sem,
                ).wait()

        def copy_out(buf, w, sem):
            start = base_pix + w * win
            for c in range(3):
                pltpu.async_copy(
                    buf.at[pl.ds(c * win, win)],
                    o_hbm.at[pl.ds((batch * 3 + c) * row_len + start, win)],
                    sem,
                )

        def wait_out(buf, sem):
            for c in range(3):
                pltpu.make_async_copy(
                    buf.at[pl.ds(c * win, win)],
                    o_hbm.at[pl.ds((batch * 3 + c) * row_len + base_pix, win)],
                    sem,
                ).wait()

        def compute(inbuf, outbuf):
            @plsc.parallel_loop(0, win, step=_LANES, unroll=2)
            def _vec(i):
                r = inbuf[pl.ds(i, _LANES)]
                g = inbuf[pl.ds(win + i, _LANES)]
                b = inbuf[pl.ds(2 * win + i, _LANES)]

                def bin_of(v):
                    vs = v * scale
                    vc = jnp.minimum(jnp.maximum(vs, 0.0), scale - 0.5)
                    vi = vc.astype(jnp.int32)
                    vd = vs - vi.astype(jnp.float32)
                    return vi, vd

                r_id, r_d = bin_of(r)
                g_id, g_d = bin_of(g)
                b_id, b_d = bin_of(b)
                base = b_id * dim2 + g_id * dim + r_id

                for c in range(3):
                    cbase = base + c * dim3

                    def corner(db, dg, dr):
                        idx = cbase + (db * dim2 + dg * dim + dr)
                        return plsc.load_gather(lut_v, [idx])

                    m00 = corner(0, 0, 0)
                    m00 = m00 + (corner(0, 0, 1) - m00) * r_d
                    m01 = corner(0, 1, 0)
                    m01 = m01 + (corner(0, 1, 1) - m01) * r_d
                    m10 = corner(1, 0, 0)
                    m10 = m10 + (corner(1, 0, 1) - m10) * r_d
                    m11 = corner(1, 1, 0)
                    m11 = m11 + (corner(1, 1, 1) - m11) * r_d
                    n0 = m00 + (m01 - m00) * g_d
                    n1 = m10 + (m11 - m10) * g_d
                    outbuf[pl.ds(c * win + i, _LANES)] = n0 + (n1 - n0) * b_d

        copy_in(in0, 0, isem0)
        copy_in(in1, 1, isem1)
        pltpu.make_async_copy(lut_hbm, lut_v, lsem).wait()

        @pl.loop(0, nwin, step=2)
        def _window(k):
            wait_in(in0, isem0)

            @pl.when(k >= 2)
            def _():
                wait_out(out0, osem0)

            compute(in0, out0)
            copy_out(out0, k, osem0)

            @pl.when(k + 2 < nwin)
            def _():
                copy_in(in0, k + 2, isem0)

            wait_in(in1, isem1)

            @pl.when(k >= 2)
            def _():
                wait_out(out1, osem1)

            compute(in1, out1)
            copy_out(out1, k + 1, osem1)

            @pl.when(k + 3 < nwin)
            def _():
                copy_in(in1, k + 3, isem1)

        wait_out(out0, osem0)
        wait_out(out1, osem1)

    return sc_kernel(x2, flat_lut)


def kernel(x, LUT):
    B, C, H, W = x.shape
    dim = LUT.shape[1]
    flat_lut = LUT.reshape(-1)
    lut_pad = ((flat_lut.shape[0] + 15) // 16) * 16
    flat_lut = jnp.pad(flat_lut, (0, lut_pad - flat_lut.shape[0]))
    x2 = x.reshape(-1)
    out2 = _sc_trilinear(x2, flat_lut, dim, B * C, H * W, win=512)
    return out2.reshape(B, C, H, W)

# --- scband reference (transcript-rebuilt; emitter-appended) ---
"""Pipeline reference for scband-generator3-dlut-zero-86122684220303 (READ-ONLY COPY).

The authoritative reference and input builder live on the scoring server;
editing this copy changes nothing except your own understanding.
"""

import jax, jax.numpy as jnp
import numpy as np

DIM = 33

def setup_inputs(seed: int = 0) -> dict:
    key = jax.random.key(seed)
    k1, k2 = jax.random.split(key)
    x = jax.random.uniform(k1, (8, 3, 512, 512), dtype=jnp.float32)
    # Module initializes LUT to zeros; we use small random values so the
    # trilinear gather/interpolate produces a non-degenerate output.
    LUT = jax.random.normal(k2, (3, DIM, DIM, DIM), dtype=jnp.float32) * 0.1
    return {"x": x, "LUT": LUT}

def _trilinear_lut(x, LUT):
    # x: [B, 3, H, W] in [0, 1]; LUT: [3, dim, dim, dim]
    # Matches trilinear_forward CUDA kernel from Image-Adaptive-3DLUT:
    #   flat id = r_id + g_id*dim + b_id*dim*dim  ->  LUT[c, b_id, g_id, r_id]
    dim = LUT.shape[1]
    binsize = 1.0 / (dim - 1)
    r = jnp.clip(x[:, 0], 0.0, 1.0)
    g = jnp.clip(x[:, 1], 0.0, 1.0)
    b = jnp.clip(x[:, 2], 0.0, 1.0)
    r_id = jnp.clip(jnp.floor(r / binsize).astype(jnp.int32), 0, dim - 2)
    g_id = jnp.clip(jnp.floor(g / binsize).astype(jnp.int32), 0, dim - 2)
    b_id = jnp.clip(jnp.floor(b / binsize).astype(jnp.int32), 0, dim - 2)
    r_d = r / binsize - r_id.astype(jnp.float32)
    g_d = g / binsize - g_id.astype(jnp.float32)
    b_d = b / binsize - b_id.astype(jnp.float32)
    out = jnp.zeros((3,) + r.shape, dtype=x.dtype)
    for db in (0, 1):
        wb = b_d if db else (1.0 - b_d)
        for dg in (0, 1):
            wg = g_d if dg else (1.0 - g_d)
            for dr in (0, 1):
                wr = r_d if dr else (1.0 - r_d)
                w = wr * wg * wb  # [B, H, W]
                vals = LUT[:, b_id + db, g_id + dg, r_id + dr]  # [3, B, H, W]
                out = out + w[None, ...] * vals
    return jnp.moveaxis(out, 0, 1)  # [B, 3, H, W]

def reference(x, LUT):
    return _trilinear_lut(x, LUT)

if __name__ == "__main__":
    import jax
    _d = setup_inputs()
    print(jax.jit(kernel)(*tuple(_d.values())))

</pallas_src>

<mosaic_0001>
#map = affine_map<(d0, d1) -> (0)>
module attributes {stable_mosaic.version = 14 : i64} {
  func.func @sc_kernel(%arg0: i32, %arg1: i32, %arg2: memref<6291456xf32, #tpu.memory_space<hbm>>, %arg3: memref<107824xf32, #tpu.memory_space<hbm>>, %arg4: memref<6291456xf32, #tpu.memory_space<hbm>>, %arg5: memref<107824xf32, #tpu.memory_space<vmem>>, %arg6: memref<1536xf32, #tpu.memory_space<vmem>>, %arg7: memref<1536xf32, #tpu.memory_space<vmem>>, %arg8: memref<1536xf32, #tpu.memory_space<vmem>>, %arg9: memref<1536xf32, #tpu.memory_space<vmem>>, %arg10: memref<!tpu.dma_semaphore, #tpu.memory_space<semaphore_mem>>, %arg11: memref<!tpu.dma_semaphore, #tpu.memory_space<semaphore_mem>>, %arg12: memref<!tpu.dma_semaphore, #tpu.memory_space<semaphore_mem>>, %arg13: memref<!tpu.dma_semaphore, #tpu.memory_space<semaphore_mem>>, %arg14: memref<!tpu.dma_semaphore, #tpu.memory_space<semaphore_mem>>) attributes {dimension_semantics = [#tpu.dimension_semantics<core_parallel>, #tpu.dimension_semantics<subcore_parallel>], iteration_bounds = array<i64: 2, 16>, scalar_prefetch = 0 : i64, scratch_operands = 10 : i64, tpu.core_type = #tpu.core_type<sc_vector_subcore>, window_params = [{transform_indices = #map}, {transform_indices = #map}, {transform_indices = #map}]} {
    %mul3A = arith.constant 2 : i32
    %mul3A_0 = arith.muli %arg1, %mul3A : i32
    %add3A = arith.addi %mul3A_0, %arg0 : i32
    %jit3A = arith.constant 4 : i32
    %div3A = arith.divsi %add3A, %jit3A : i32
    %sign3A = arith.constant 0 : i32
    %sign3A_1 = arith.cmpi sgt, %add3A, %sign3A : i32
    %sign3A_2 = arith.extui %sign3A_1 : i1 to i32
    %sign3A_3 = arith.constant 0 : i32
    %sign3A_4 = arith.cmpi slt, %add3A, %sign3A_3 : i32
    %sign3A_5 = arith.extui %sign3A_4 : i1 to i32
    %sign3A_6 = arith.subi %sign3A_2, %sign3A_5 : i32
    %sign3A_7 = arith.constant 0 : i32
    %sign3A_8 = arith.cmpi sgt, %jit3A, %sign3A_7 : i32
    %sign3A_9 = arith.extui %sign3A_8 : i1 to i32
    %sign3A_10 = arith.constant 0 : i32
    %sign3A_11 = arith.cmpi slt, %jit3A, %sign3A_10 : i32
    %sign3A_12 = arith.extui %sign3A_11 : i1 to i32
    %sign3A_13 = arith.subi %sign3A_9, %sign3A_12 : i32
    %ne3A = arith.cmpi ne, %sign3A_6, %sign3A_13 : i32
    %rem3A = arith.remsi %add3A, %jit3A : i32
    %ne3A_14 = arith.constant 0 : i32
    %ne3A_15 = arith.cmpi ne, %rem3A, %ne3A_14 : i32
    %and3A = arith.andi %ne3A, %ne3A_15 : i1
    %sub3A = arith.constant 1 : i32
    %sub3A_16 = arith.subi %div3A, %sub3A : i32
    %select_n3A = arith.select %and3A, %sub3A_16, %div3A : i32
    %jit3A_17 = arith.constant 4 : i32
    %eq3A = arith.constant 0 : i32
    %eq3A_18 = arith.cmpi eq, %jit3A_17, %eq3A : i32
    %jit3A_19 = arith.constant 1 : i32
    %select_n3A_20 = arith.select %eq3A_18, %jit3A_19, %jit3A_17 : i32
    %rem3A_21 = arith.remsi %add3A, %select_n3A_20 : i32
    %ne3A_22 = arith.constant 0 : i32
    %ne3A_23 = arith.cmpi ne, %rem3A_21, %ne3A_22 : i32
    %lt3A = arith.constant 0 : i32
    %lt3A_24 = arith.cmpi slt, %rem3A_21, %lt3A : i32
    %lt3A_25 = arith.constant 0 : i32
    %lt3A_26 = arith.cmpi slt, %select_n3A_20, %lt3A_25 : i32
    %ne3A_27 = arith.xori %lt3A_24, %lt3A_26 : i1
    %and3A_28 = arith.andi %ne3A_27, %ne3A_23 : i1
    %add3A_29 = arith.addi %rem3A_21, %select_n3A_20 : i32
    %select_n3A_30 = arith.select %and3A_28, %add3A_29, %rem3A_21 : i32
    %mul3A_31 = arith.constant 65536 : i32
    %mul3A_32 = arith.muli %select_n3A_30, %mul3A_31 : i32
    tpu.enqueue_dma source(%arg3 : memref<107824xf32, #tpu.memory_space<hbm>>) target(%arg5 : memref<107824xf32, #tpu.memory_space<vmem>>) target_semaphore(%arg10 : memref<!tpu.dma_semaphore, #tpu.memory_space<semaphore_mem>>)
    %add3A_33 = arith.constant 0 : i32
    %add3A_34 = arith.addi %mul3A_32, %add3A_33 : i32
    %mul3A_35 = arith.constant 3 : i32
    %mul3A_36 = arith.muli %select_n3A, %mul3A_35 : i32
    %add3A_37 = arith.constant 0 : i32
    %add3A_38 = arith.addi %mul3A_36, %add3A_37 : i32
    %mul3A_39 = arith.constant 262144 : i32
    %mul3A_40 = arith.muli %add3A_38, %mul3A_39 : i32
    %add3A_41 = arith.addi %mul3A_40, %add3A_34 : i32
    %dma_start3A = arith.constant 0 : i32
    %dma_start3A_42 = tpu.memref_slice %arg6[%dma_start3A] : memref<1536xf32, #tpu.memory_space<vmem>> -> memref<512xf32, #tpu.memory_space<vmem>>
    %dma_start3A_43 = tpu.memref_slice %arg2[%add3A_41] : memref<6291456xf32, #tpu.memory_space<hbm>> -> memref<512xf32, #tpu.memory_space<hbm>>
    %dma_start3A_44 = arith.constant 0 : i32
    %dma_start3A_45 = tpu.memref_slice %arg6[%dma_start3A_44] : memref<1536xf32, #tpu.memory_space<vmem>> -> memref<512xf32, #tpu.memory_space<vmem>>
    %dma_start3A_46 = tpu.memref_slice %arg2[%add3A_41] : memref<6291456xf32, #tpu.memory_space<hbm>> -> memref<512xf32, #tpu.memory_space<hbm>>
    tpu.enqueue_dma source(%dma_start3A_46 : memref<512xf32, #tpu.memory_space<hbm>>) target(%dma_start3A_45 : memref<512xf32, #tpu.memory_space<vmem>>) target_semaphore(%arg11 : memref<!tpu.dma_semaphore, #tpu.memory_space<semaphore_mem>>)
    %mul3A_47 = arith.constant 3 : i32
    %mul3A_48 = arith.muli %select_n3A, %mul3A_47 : i32
    %add3A_49 = arith.constant 1 : i32
    %add3A_50 = arith.addi %mul3A_48, %add3A_49 : i32
    %mul3A_51 = arith.constant 262144 : i32
    %mul3A_52 = arith.muli %add3A_50, %mul3A_51 : i32
    %add3A_53 = arith.addi %mul3A_52, %add3A_34 : i32
    %dma_start3A_54 = arith.constant 512 : i32
    %dma_start3A_55 = tpu.memref_slice %arg6[%dma_start3A_54] : memref<1536xf32, #tpu.memory_space<vmem>> -> memref<512xf32, #tpu.memory_space<vmem>>
    %dma_start3A_56 = tpu.memref_slice %arg2[%add3A_53] : memref<6291456xf32, #tpu.memory_space<hbm>> -> memref<512xf32, #tpu.memory_space<hbm>>
    %dma_start3A_57 = arith.constant 512 : i32
    %dma_start3A_58 = tpu.memref_slice %arg6[%dma_start3A_57] : memref<1536xf32, #tpu.memory_space<vmem>> -> memref<512xf32, #tpu.memory_space<vmem>>
    %dma_start3A_59 = tpu.memref_slice %arg2[%add3A_53] : memref<6291456xf32, #tpu.memory_space<hbm>> -> memref<512xf32, #tpu.memory_space<hbm>>
    tpu.enqueue_dma source(%dma_start3A_59 : memref<512xf32, #tpu.memory_space<hbm>>) target(%dma_start3A_58 : memref<512xf32, #tpu.memory_space<vmem>>) target_semaphore(%arg11 : memref<!tpu.dma_semaphore, #tpu.memory_space<semaphore_mem>>)
    %mul3A_60 = arith.constant 3 : i32
    %mul3A_61 = arith.muli %select_n3A, %mul3A_60 : i32
    %add3A_62 = arith.constant 2 : i32
    %add3A_63 = arith.addi %mul3A_61, %add3A_62 : i32
    %mul3A_64 = arith.constant 262144 : i32
    %mul3A_65 = arith.muli %add3A_63, %mul3A_64 : i32
    %add3A_66 = arith.addi %mul3A_65, %add3A_34 : i32
    %dma_start3A_67 = arith.constant 1024 : i32
    %dma_start3A_68 = tpu.memref_slice %arg6[%dma_start3A_67] : memref<1536xf32, #tpu.memory_space<vmem>> -> memref<512xf32, #tpu.memory_space<vmem>>
    %dma_start3A_69 = tpu.memref_slice %arg2[%add3A_66] : memref<6291456xf32, #tpu.memory_space<hbm>> -> memref<512xf32, #tpu.memory_space<hbm>>
    %dma_start3A_70 = arith.constant 1024 : i32
    %dma_start3A_71 = tpu.memref_slice %arg6[%dma_start3A_70] : memref<1536xf32, #tpu.memory_space<vmem>> -> memref<512xf32, #tpu.memory_space<vmem>>
    %dma_start3A_72 = tpu.memref_slice %arg2[%add3A_66] : memref<6291456xf32, #tpu.memory_space<hbm>> -> memref<512xf32, #tpu.memory_space<hbm>>
    tpu.enqueue_dma source(%dma_start3A_72 : memref<512xf32, #tpu.memory_space<hbm>>) target(%dma_start3A_71 : memref<512xf32, #tpu.memory_space<vmem>>) target_semaphore(%arg11 : memref<!tpu.dma_semaphore, #tpu.memory_space<semaphore_mem>>)
    %add3A_73 = arith.constant 512 : i32
    %add3A_74 = arith.addi %mul3A_32, %add3A_73 : i32
    %mul3A_75 = arith.constant 3 : i32
    %mul3A_76 = arith.muli %select_n3A, %mul3A_75 : i32
    %add3A_77 = arith.constant 0 : i32
    %add3A_78 = arith.addi %mul3A_76, %add3A_77 : i32
    %mul3A_79 = arith.constant 262144 : i32
    %mul3A_80 = arith.muli %add3A_78, %mul3A_79 : i32
    %add3A_81 = arith.addi %mul3A_80, %add3A_74 : i32
    %dma_start3A_82 = arith.constant 0 : i32
    %dma_start3A_83 = tpu.memref_slice %arg7[%dma_start3A_82] : memref<1536xf32, #tpu.memory_space<vmem>> -> memref<512xf32, #tpu.memory_space<vmem>>
    %dma_start3A_84 = tpu.memref_slice %arg2[%add3A_81] : memref<6291456xf32, #tpu.memory_space<hbm>> -> memref<512xf32, #tpu.memory_space<hbm>>
    %dma_start3A_85 = arith.constant 0 : i32
    %dma_start3A_86 = tpu.memref_slice %arg7[%dma_start3A_85] : memref<1536xf32, #tpu.memory_space<vmem>> -> memref<512xf32, #tpu.memory_space<vmem>>
    %dma_start3A_87 = tpu.memref_slice %arg2[%add3A_81] : memref<6291456xf32, #tpu.memory_space<hbm>> -> memref<512xf32, #tpu.memory_space<hbm>>
    tpu.enqueue_dma source(%dma_start3A_87 : memref<512xf32, #tpu.memory_space<hbm>>) target(%dma_start3A_86 : memref<512xf32, #tpu.memory_space<vmem>>) target_semaphore(%arg12 : memref<!tpu.dma_semaphore, #tpu.memory_space<semaphore_mem>>)
    %mul3A_88 = arith.constant 3 : i32
    %mul3A_89 = arith.muli %select_n3A, %mul3A_88 : i32
    %add3A_90 = arith.constant 1 : i32
    %add3A_91 = arith.addi %mul3A_89, %add3A_90 : i32
    %mul3A_92 = arith.constant 262144 : i32
    %mul3A_93 = arith.muli %add3A_91, %mul3A_92 : i32
    %add3A_94 = arith.addi %mul3A_93, %add3A_74 : i32
    %dma_start3A_95 = arith.constant 512 : i32
    %dma_start3A_96 = tpu.memref_slice %arg7[%dma_start3A_95] : memref<1536xf32, #tpu.memory_space<vmem>> -> memref<512xf32, #tpu.memory_space<vmem>>
    %dma_start3A_97 = tpu.memref_slice %arg2[%add3A_94] : memref<6291456xf32, #tpu.memory_space<hbm>> -> memref<512xf32, #tpu.memory_space<hbm>>
    %dma_start3A_98 = arith.constant 512 : i32
    %dma_start3A_99 = tpu.memref_slice %arg7[%dma_start3A_98] : memref<1536xf32, #tpu.memory_space<vmem>> -> memref<512xf32, #tpu.memory_space<vmem>>
    %dma_start3A_100 = tpu.memref_slice %arg2[%add3A_94] : memref<6291456xf32, #tpu.memory_space<hbm>> -> memref<512xf32, #tpu.memory_space<hbm>>
    tpu.enqueue_dma source(%dma_start3A_100 : memref<512xf32, #tpu.memory_space<hbm>>) target(%dma_start3A_99 : memref<512xf32, #tpu.memory_space<vmem>>) target_semaphore(%arg12 : memref<!tpu.dma_semaphore, #tpu.memory_space<semaphore_mem>>)
    %mul3A_101 = arith.constant 3 : i32
    %mul3A_102 = arith.muli %select_n3A, %mul3A_101 : i32
    %add3A_103 = arith.constant 2 : i32
    %add3A_104 = arith.addi %mul3A_102, %add3A_103 : i32
    %mul3A_105 = arith.constant 262144 : i32
    %mul3A_106 = arith.muli %add3A_104, %mul3A_105 : i32
    %add3A_107 = arith.addi %mul3A_106, %add3A_74 : i32
    %dma_start3A_108 = arith.constant 1024 : i32
    %dma_start3A_109 = tpu.memref_slice %arg7[%dma_start3A_108] : memref<1536xf32, #tpu.memory_space<vmem>> -> memref<512xf32, #tpu.memory_space<vmem>>
    %dma_start3A_110 = tpu.memref_slice %arg2[%add3A_107] : memref<6291456xf32, #tpu.memory_space<hbm>> -> memref<512xf32, #tpu.memory_space<hbm>>
    %dma_start3A_111 = arith.constant 1024 : i32
    %dma_start3A_112 = tpu.memref_slice %arg7[%dma_start3A_111] : memref<1536xf32, #tpu.memory_space<vmem>> -> memref<512xf32, #tpu.memory_space<vmem>>
    %dma_start3A_113 = tpu.memref_slice %arg2[%add3A_107] : memref<6291456xf32, #tpu.memory_space<hbm>> -> memref<512xf32, #tpu.memory_space<hbm>>
    tpu.enqueue_dma source(%dma_start3A_113 : memref<512xf32, #tpu.memory_space<hbm>>) target(%dma_start3A_112 : memref<512xf32, #tpu.memory_space<vmem>>) target_semaphore(%arg12 : memref<!tpu.dma_semaphore, #tpu.memory_space<semaphore_mem>>)
    tpu.wait_dma2 semaphore(%arg10 : memref<!tpu.dma_semaphore, #tpu.memory_space<semaphore_mem>>) src(%arg3 : memref<107824xf32, #tpu.memory_space<hbm>>) dst(%arg5 : memref<107824xf32, #tpu.memory_space<vmem>>)
    %scan3A = arith.constant 0 : i32
    %scan3A_114 = arith.constant 64 : i32
    %scan3A_115 = arith.addi %scan3A, %scan3A_114 : i32
    %scan3A_116 = arith.constant 1 : i32
    scf.for %scan3A_195 = %scan3A to %scan3A_115 step %scan3A_116  : i32 {
      %mul3A_196 = arith.constant 2 : i32
      %mul3A_197 = arith.muli %scan3A_195, %mul3A_196 : i32
      %add3A_198 = arith.constant 0 : i32
      %add3A_199 = arith.addi %add3A_198, %mul3A_197 : i32
      %mul3A_200 = arith.constant 3 : i32
      %mul3A_201 = arith.muli %select_n3A, %mul3A_200 : i32
      %add3A_202 = arith.constant 0 : i32
      %add3A_203 = arith.addi %mul3A_201, %add3A_202 : i32
      %mul3A_204 = arith.constant 262144 : i32
      %mul3A_205 = arith.muli %add3A_203, %mul3A_204 : i32
      %add3A_206 = arith.addi %mul3A_205, %mul3A_32 : i32
      %dma_wait3A_207 = arith.constant 0 : i32
      %dma_wait3A_208 = tpu.memref_slice %arg6[%dma_wait3A_207] : memref<1536xf32, #tpu.memory_space<vmem>> -> memref<512xf32, #tpu.memory_space<vmem>>
      %dma_wait3A_209 = tpu.memref_slice %arg2[%add3A_206] : memref<6291456xf32, #tpu.memory_space<hbm>> -> memref<512xf32, #tpu.memory_space<hbm>>
      %dma_wait3A_210 = arith.constant 0 : i32
      %dma_wait3A_211 = tpu.memref_slice %arg6[%dma_wait3A_210] : memref<1536xf32, #tpu.memory_space<vmem>> -> memref<512xf32, #tpu.memory_space<vmem>>
      %dma_wait3A_212 = tpu.memref_slice %arg2[%add3A_206] : memref<6291456xf32, #tpu.memory_space<hbm>> -> memref<512xf32, #tpu.memory_space<hbm>>
      tpu.wait_dma2 semaphore(%arg11 : memref<!tpu.dma_semaphore, #tpu.memory_space<semaphore_mem>>) src(%dma_wait3A_212 : memref<512xf32, #tpu.memory_space<hbm>>) dst(%dma_wait3A_211 : memref<512xf32, #tpu.memory_space<vmem>>)
      %mul3A_213 = arith.constant 3 : i32
      %mul3A_214 = arith.muli %select_n3A, %mul3A_213 : i32
      %add3A_215 = arith.constant 1 : i32
      %add3A_216 = arith.addi %mul3A_214, %add3A_215 : i32
      %mul3A_217 = arith.constant 262144 : i32
      %mul3A_218 = arith.muli %add3A_216, %mul3A_217 : i32
      %add3A_219 = arith.addi %mul3A_218, %mul3A_32 : i32
      %dma_wait3A_220 = arith.constant 512 : i32
      %dma_wait3A_221 = tpu.memref_slice %arg6[%dma_wait3A_220] : memref<1536xf32, #tpu.memory_space<vmem>> -> memref<512xf32, #tpu.memory_space<vmem>>
      %dma_wait3A_222 = tpu.memref_slice %arg2[%add3A_219] : memref<6291456xf32, #tpu.memory_space<hbm>> -> memref<512xf32, #tpu.memory_space<hbm>>
      %dma_wait3A_223 = arith.constant 512 : i32
      %dma_wait3A_224 = tpu.memref_slice %arg6[%dma_wait3A_223] : memref<1536xf32, #tpu.memory_space<vmem>> -> memref<512xf32, #tpu.memory_space<vmem>>
      %dma_wait3A_225 = tpu.memref_slice %arg2[%add3A_219] : memref<6291456xf32, #tpu.memory_space<hbm>> -> memref<512xf32, #tpu.memory_space<hbm>>
      tpu.wait_dma2 semaphore(%arg11 : memref<!tpu.dma_semaphore, #tpu.memory_space<semaphore_mem>>) src(%dma_wait3A_225 : memref<512xf32, #tpu.memory_space<hbm>>) dst(%dma_wait3A_224 : memref<512xf32, #tpu.memory_space<vmem>>)
      %mul3A_226 = arith.constant 3 : i32
      %mul3A_227 = arith.muli %select_n3A, %mul3A_226 : i32
      %add3A_228 = arith.constant 2 : i32
      %add3A_229 = arith.addi %mul3A_227, %add3A_228 : i32
      %mul3A_230 = arith.constant 262144 : i32
      %mul3A_231 = arith.muli %add3A_229, %mul3A_230 : i32
      %add3A_232 = arith.addi %mul3A_231, %mul3A_32 : i32
      %dma_wait3A_233 = arith.constant 1024 : i32
      %dma_wait3A_234 = tpu.memref_slice %arg6[%dma_wait3A_233] : memref<1536xf32, #tpu.memory_space<vmem>> -> memref<512xf32, #tpu.memory_space<vmem>>
      %dma_wait3A_235 = tpu.memref_slice %arg2[%add3A_232] : memref<6291456xf32, #tpu.memory_space<hbm>> -> memref<512xf32, #tpu.memory_space<hbm>>
      %dma_wait3A_236 = arith.constant 1024 : i32
      %dma_wait3A_237 = tpu.memref_slice %arg6[%dma_wait3A_236] : memref<1536xf32, #tpu.memory_space<vmem>> -> memref<512xf32, #tpu.memory_space<vmem>>
      %dma_wait3A_238 = tpu.memref_slice %arg2[%add3A_232] : memref<6291456xf32, #tpu.memory_space<hbm>> -> memref<512xf32, #tpu.memory_space<hbm>>
      tpu.wait_dma2 semaphore(%arg11 : memref<!tpu.dma_semaphore, #tpu.memory_space<semaphore_mem>>) src(%dma_wait3A_238 : memref<512xf32, #tpu.memory_space<hbm>>) dst(%dma_wait3A_237 : memref<512xf32, #tpu.memory_space<vmem>>)
      %ge3A = arith.constant 2 : i32
      %ge3A_239 = arith.cmpi sge, %add3A_199, %ge3A : i32
      %convert_element_type3A = arith.extui %ge3A_239 : i1 to i32
      %cond3A = arith.constant 0 : i32
      %cond3A_240 = arith.cmpi ne, %convert_element_type3A, %cond3A : i32
      scf.if %cond3A_240 {
        %mul3A_390 = arith.constant 3 : i32
        %mul3A_391 = arith.muli %select_n3A, %mul3A_390 : i32
        %add3A_392 = arith.constant 0 : i32
        %add3A_393 = arith.addi %mul3A_391, %add3A_392 : i32
        %mul3A_394 = arith.constant 262144 : i32
        %mul3A_395 = arith.muli %add3A_393, %mul3A_394 : i32
        %add3A_396 = arith.addi %mul3A_395, %mul3A_32 : i32
        %dma_wait3A_397 = arith.constant 0 : i32
        %dma_wait3A_398 = tpu.memref_slice %arg8[%dma_wait3A_397] : memref<1536xf32, #tpu.memory_space<vmem>> -> memref<512xf32, #tpu.memory_space<vmem>>
        %dma_wait3A_399 = tpu.memref_slice %arg4[%add3A_396] : memref<6291456xf32, #tpu.memory_space<hbm>> -> memref<512xf32, #tpu.memory_space<hbm>>
        %dma_wait3A_400 = tpu.memref_slice %arg4[%add3A_396] : memref<6291456xf32, #tpu.memory_space<hbm>> -> memref<512xf32, #tpu.memory_space<hbm>>
        %dma_wait3A_401 = arith.constant 0 : i32
        %dma_wait3A_402 = tpu.memref_slice %arg8[%dma_wait3A_401] : memref<1536xf32, #tpu.memory_space<vmem>> -> memref<512xf32, #tpu.memory_space<vmem>>
        tpu.wait_dma2 semaphore(%arg13 : memref<!tpu.dma_semaphore, #tpu.memory_space<semaphore_mem>>) src(%dma_wait3A_402 : memref<512xf32, #tpu.memory_space<vmem>>) dst(%dma_wait3A_400 : memref<512xf32, #tpu.memory_space<hbm>>)
        %mul3A_403 = arith.constant 3 : i32
        %mul3A_404 = arith.muli %select_n3A, %mul3A_403 : i32
        %add3A_405 = arith.constant 1 : i32
        %add3A_406 = arith.addi %mul3A_404, %add3A_405 : i32
        %mul3A_407 = arith.constant 262144 : i32
        %mul3A_408 = arith.muli %add3A_406, %mul3A_407 : i32
        %add3A_409 = arith.addi %mul3A_408, %mul3A_32 : i32
        %dma_wait3A_410 = arith.constant 512 : i32
        %dma_wait3A_411 = tpu.memref_slice %arg8[%dma_wait3A_410] : memref<1536xf32, #tpu.memory_space<vmem>> -> memref<512xf32, #tpu.memory_space<vmem>>
        %dma_wait3A_412 = tpu.memref_slice %arg4[%add3A_409] : memref<6291456xf32, #tpu.memory_space<hbm>> -> memref<512xf32, #tpu.memory_space<hbm>>
        %dma_wait3A_413 = tpu.memref_slice %arg4[%add3A_409] : memref<6291456xf32, #tpu.memory_space<hbm>> -> memref<512xf32, #tpu.memory_space<hbm>>
        %dma_wait3A_414 = arith.constant 512 : i32
        %dma_wait3A_415 = tpu.memref_slice %arg8[%dma_wait3A_414] : memref<1536xf32, #tpu.memory_space<vmem>> -> memref<512xf32, #tpu.memory_space<vmem>>
        tpu.wait_dma2 semaphore(%arg13 : memref<!tpu.dma_semaphore, #tpu.memory_space<semaphore_mem>>) src(%dma_wait3A_415 : memref<512xf32, #tpu.memory_space<vmem>>) dst(%dma_wait3A_413 : memref<512xf32, #tpu.memory_space<hbm>>)
        %mul3A_416 = arith.constant 3 : i32
        %mul3A_417 = arith.muli %select_n3A, %mul3A_416 : i32
        %add3A_418 = arith.constant 2 : i32
        %add3A_419 = arith.addi %mul3A_417, %add3A_418 : i32
        %mul3A_420 = arith.constant 262144 : i32
        %mul3A_421 = arith.muli %add3A_419, %mul3A_420 : i32
        %add3A_422 = arith.addi %mul3A_421, %mul3A_32 : i32
        %dma_wait3A_423 = arith.constant 1024 : i32
        %dma_wait3A_424 = tpu.memref_slice %arg8[%dma_wait3A_423] : memref<1536xf32, #tpu.memory_space<vmem>> -> memref<512xf32, #tpu.memory_space<vmem>>
        %dma_wait3A_425 = tpu.memref_slice %arg4[%add3A_422] : memref<6291456xf32, #tpu.memory_space<hbm>> -> memref<512xf32, #tpu.memory_space<hbm>>
        %dma_wait3A_426 = tpu.memref_slice %arg4[%add3A_422] : memref<6291456xf32, #tpu.memory_space<hbm>> -> memref<512xf32, #tpu.memory_space<hbm>>
        %dma_wait3A_427 = arith.constant 1024 : i32
        %dma_wait3A_428 = tpu.memref_slice %arg8[%dma_wait3A_427] : memref<1536xf32, #tpu.memory_space<vmem>> -> memref<512xf32, #tpu.memory_space<vmem>>
        tpu.wait_dma2 semaphore(%arg13 : memref<!tpu.dma_semaphore, #tpu.memory_space<semaphore_mem>>) src(%dma_wait3A_428 : memref<512xf32, #tpu.memory_space<vmem>>) dst(%dma_wait3A_426 : memref<512xf32, #tpu.memory_space<hbm>>)
      } else {
      }
      %parallel_loop3A = arith.constant 0 : i32
      %parallel_loop3A_241 = arith.constant 512 : i32
      %parallel_loop3A_242 = arith.constant 16 : i32
      scf.for %parallel_loop3A_390 = %parallel_loop3A to %parallel_loop3A_241 step %parallel_loop3A_242  : i32 {
        %parallel_loop3A_391 = arith.index_cast %parallel_loop3A_390 : i32 to index
        %parallel_loop3A_392 = tpu.vector_load %arg6[%parallel_loop3A_391] {strides = array<i32>} : memref<1536xf32, #tpu.memory_space<vmem>>, vector<16xf32>,
        %parallel_loop3A_393 = arith.constant 512 : i32
        %parallel_loop3A_394 = arith.addi %parallel_loop3A_393, %parallel_loop3A_390 : i32
        %parallel_loop3A_395 = arith.index_cast %parallel_loop3A_394 : i32 to index
        %parallel_loop3A_396 = tpu.vector_load %arg6[%parallel_loop3A_395] {strides = array<i32>} : memref<1536xf32, #tpu.memory_space<vmem>>, vector<16xf32>,
        %parallel_loop3A_397 = arith.constant 1024 : i32
        %parallel_loop3A_398 = arith.addi %parallel_loop3A_397, %parallel_loop3A_390 : i32
        %parallel_loop3A_399 = arith.index_cast %parallel_loop3A_398 : i32 to index
        %parallel_loop3A_400 = tpu.vector_load %arg6[%parallel_loop3A_399] {strides = array<i32>} : memref<1536xf32, #tpu.memory_space<vmem>>, vector<16xf32>,
        %parallel_loop3A_401 = arith.constant 3.200000e+01 : f32
        %parallel_loop3A_402 = vector.broadcast %parallel_loop3A_401 : f32 to vector<16xf32>
        %parallel_loop3A_403 = arith.mulf %parallel_loop3A_392, %parallel_loop3A_402 : vector<16xf32>
        %parallel_loop3A_404 = arith.constant 0.000000e+00 : f32
        %parallel_loop3A_405 = vector.broadcast %parallel_loop3A_404 : f32 to vector<16xf32>
        %parallel_loop3A_406 = arith.maximumf %parallel_loop3A_403, %parallel_loop3A_405 : vector<16xf32>
        %parallel_loop3A_407 = arith.constant 3.150000e+01 : f32
        %parallel_loop3A_408 = vector.broadcast %parallel_loop3A_407 : f32 to vector<16xf32>
        %parallel_loop3A_409 = arith.minimumf %parallel_loop3A_406, %parallel_loop3A_408 : vector<16xf32>
        %parallel_loop3A_410 = arith.fptosi %parallel_loop3A_409 : vector<16xf32> to vector<16xi32>
        %parallel_loop3A_411 = arith.sitofp %parallel_loop3A_410 : vector<16xi32> to vector<16xf32>
        %parallel_loop3A_412 = arith.subf %parallel_loop3A_403, %parallel_loop3A_411 : vector<16xf32>
        %parallel_loop3A_413 = arith.constant 3.200000e+01 : f32
        %parallel_loop3A_414 = vector.broadcast %parallel_loop3A_413 : f32 to vector<16xf32>
        %parallel_loop3A_415 = arith.mulf %parallel_loop3A_396, %parallel_loop3A_414 : vector<16xf32>
        %parallel_loop3A_416 = arith.constant 0.000000e+00 : f32
        %parallel_loop3A_417 = vector.broadcast %parallel_loop3A_416 : f32 to vector<16xf32>
        %parallel_loop3A_418 = arith.maximumf %parallel_loop3A_415, %parallel_loop3A_417 : vector<16xf32>
        %parallel_loop3A_419 = arith.constant 3.150000e+01 : f32
        %parallel_loop3A_420 = vector.broadcast %parallel_loop3A_419 : f32 to vector<16xf32>
        %parallel_loop3A_421 = arith.minimumf %parallel_loop3A_418, %parallel_loop3A_420 : vector<16xf32>
        %parallel_loop3A_422 = arith.fptosi %parallel_loop3A_421 : vector<16xf32> to vector<16xi32>
        %parallel_loop3A_423 = arith.sitofp %parallel_loop3A_422 : vector<16xi32> to vector<16xf32>
        %parallel_loop3A_424 = arith.subf %parallel_loop3A_415, %parallel_loop3A_423 : vector<16xf32>
        %parallel_loop3A_425 = arith.constant 3.200000e+01 : f32
        %parallel_loop3A_426 = vector.broadcast %parallel_loop3A_425 : f32 to vector<16xf32>
        %parallel_loop3A_427 = arith.mulf %parallel_loop3A_400, %parallel_loop3A_426 : vector<16xf32>
        %parallel_loop3A_428 = arith.constant 0.000000e+00 : f32
        %parallel_loop3A_429 = vector.broadcast %parallel_loop3A_428 : f32 to vector<16xf32>
        %parallel_loop3A_430 = arith.maximumf %parallel_loop3A_427, %parallel_loop3A_429 : vector<16xf32>
        %parallel_loop3A_431 = arith.constant 3.150000e+01 : f32
        %parallel_loop3A_432 = vector.broadcast %parallel_loop3A_431 : f32 to vector<16xf32>
        %parallel_loop3A_433 = arith.minimumf %parallel_loop3A_430, %parallel_loop3A_432 : vector<16xf32>
        %parallel_loop3A_434 = arith.fptosi %parallel_loop3A_433 : vector<16xf32> to vector<16xi32>
        %parallel_loop3A_435 = arith.sitofp %parallel_loop3A_434 : vector<16xi32> to vector<16xf32>
        %parallel_loop3A_436 = arith.subf %parallel_loop3A_427, %parallel_loop3A_435 : vector<16xf32>
        %parallel_loop3A_437 = arith.constant 1089 : i32
        %parallel_loop3A_438 = vector.broadcast %parallel_loop3A_437 : i32 to vector<16xi32>
        %parallel_loop3A_439 = arith.muli %parallel_loop3A_434, %parallel_loop3A_438 : vector<16xi32>
        %parallel_loop3A_440 = arith.constant 33 : i32
        %parallel_loop3A_441 = vector.broadcast %parallel_loop3A_440 : i32 to vector<16xi32>
        %parallel_loop3A_442 = arith.muli %parallel_loop3A_422, %parallel_loop3A_441 : vector<16xi32>
        %parallel_loop3A_443 = arith.addi %parallel_loop3A_439, %parallel_loop3A_442 : vector<16xi32>
        %parallel_loop3A_444 = arith.addi %parallel_loop3A_443, %parallel_loop3A_410 : vector<16xi32>
        %parallel_loop3A_445 = arith.constant 0 : i32
        %parallel_loop3A_446 = vector.broadcast %parallel_loop3A_445 : i32 to vector<16xi32>
        %parallel_loop3A_447 = arith.addi %parallel_loop3A_444, %parallel_loop3A_446 : vector<16xi32>
        %parallel_loop3A_448 = arith.constant 0 : i32
        %parallel_loop3A_449 = vector.broadcast %parallel_loop3A_448 : i32 to vector<16xi32>
        %parallel_loop3A_450 = arith.addi %parallel_loop3A_447, %parallel_loop3A_449 : vector<16xi32>
        %parallel_loop3A_451 = tpu.vector_load_idx %arg5[%parallel_loop3A_450] : memref<107824xf32, #tpu.memory_space<vmem>>[vector<16xi32>], vector<16xf32>,
        %parallel_loop3A_452 = arith.constant 1 : i32
        %parallel_loop3A_453 = vector.broadcast %parallel_loop3A_452 : i32 to vector<16xi32>
        %parallel_loop3A_454 = arith.addi %parallel_loop3A_447, %parallel_loop3A_453 : vector<16xi32>
        %parallel_loop3A_455 = tpu.vector_load_idx %arg5[%parallel_loop3A_454] : memref<107824xf32, #tpu.memory_space<vmem>>[vector<16xi32>], vector<16xf32>,
        %parallel_loop3A_456 = arith.subf %parallel_loop3A_455, %parallel_loop3A_451 : vector<16xf32>
        %parallel_loop3A_457 = arith.mulf %parallel_loop3A_456, %parallel_loop3A_412 : vector<16xf32>
        %parallel_loop3A_458 = arith.addf %parallel_loop3A_451, %parallel_loop3A_457 : vector<16xf32>
        %parallel_loop3A_459 = arith.constant 33 : i32
        %parallel_loop3A_460 = vector.broadcast %parallel_loop3A_459 : i32 to vector<16xi32>
        %parallel_loop3A_461 = arith.addi %parallel_loop3A_447, %parallel_loop3A_460 : vector<16xi32>
        %parallel_loop3A_462 = tpu.vector_load_idx %arg5[%parallel_loop3A_461] : memref<107824xf32, #tpu.memory_space<vmem>>[vector<16xi32>], vector<16xf32>,
        %parallel_loop3A_463 = arith.constant 34 : i32
        %parallel_loop3A_464 = vector.broadcast %parallel_loop3A_463 : i32 to vector<16xi32>
        %parallel_loop3A_465 = arith.addi %parallel_loop3A_447, %parallel_loop3A_464 : vector<16xi32>
        %parallel_loop3A_466 = tpu.vector_load_idx %arg5[%parallel_loop3A_465] : memref<107824xf32, #tpu.memory_space<vmem>>[vector<16xi32>], vector<16xf32>,
        %parallel_loop3A_467 = arith.subf %parallel_loop3A_466, %parallel_loop3A_462 : vector<16xf32>
        %parallel_loop3A_468 = arith.mulf %parallel_loop3A_467, %parallel_loop3A_412 : vector<16xf32>
        %parallel_loop3A_469 = arith.addf %parallel_loop3A_462, %parallel_loop3A_468 : vector<16xf32>
        %parallel_loop3A_470 = arith.constant 1089 : i32
        %parallel_loop3A_471 = vector.broadcast %parallel_loop3A_470 : i32 to vector<16xi32>
        %parallel_loop3A_472 = arith.addi %parallel_loop3A_447, %parallel_loop3A_471 : vector<16xi32>
        %parallel_loop3A_473 = tpu.vector_load_idx %arg5[%parallel_loop3A_472] : memref<107824xf32, #tpu.memory_space<vmem>>[vector<16xi32>], vector<16xf32>,
        %parallel_loop3A_474 = arith.constant 1090 : i32
        %parallel_loop3A_475 = vector.broadcast %parallel_loop3A_474 : i32 to vector<16xi32>
        %parallel_loop3A_476 = arith.addi %parallel_loop3A_447, %parallel_loop3A_475 : vector<16xi32>
        %parallel_loop3A_477 = tpu.vector_load_idx %arg5[%parallel_loop3A_476] : memref<107824xf32, #tpu.memory_space<vmem>>[vector<16xi32>], vector<16xf32>,
        %parallel_loop3A_478 = arith.subf %parallel_loop3A_477, %parallel_loop3A_473 : vector<16xf32>
        %parallel_loop3A_479 = arith.mulf %parallel_loop3A_478, %parallel_loop3A_412 : vector<16xf32>
        %parallel_loop3A_480 = arith.addf %parallel_loop3A_473, %parallel_loop3A_479 : vector<16xf32>
        %parallel_loop3A_481 = arith.constant 1122 : i32
        %parallel_loop3A_482 = vector.broadcast %parallel_loop3A_481 : i32 to vector<16xi32>
        %parallel_loop3A_483 = arith.addi %parallel_loop3A_447, %parallel_loop3A_482 : vector<16xi32>
        %parallel_loop3A_484 = tpu.vector_load_idx %arg5[%parallel_loop3A_483] : memref<107824xf32, #tpu.memory_space<vmem>>[vector<16xi32>], vector<16xf32>,
        %parallel_loop3A_485 = arith.constant 1123 : i32
        %parallel_loop3A_486 = vector.broadcast %parallel_loop3A_485 : i32 to vector<16xi32>
        %parallel_loop3A_487 = arith.addi %parallel_loop3A_447, %parallel_loop3A_486 : vector<16xi32>
        %parallel_loop3A_488 = tpu.vector_load_idx %arg5[%parallel_loop3A_487] : memref<107824xf32, #tpu.memory_space<vmem>>[vector<16xi32>], vector<16xf32>,
        %parallel_loop3A_489 = arith.subf %parallel_loop3A_488, %parallel_loop3A_484 : vector<16xf32>
        %parallel_loop3A_490 = arith.mulf %parallel_loop3A_489, %parallel_loop3A_412 : vector<16xf32>
        %parallel_loop3A_491 = arith.addf %parallel_loop3A_484, %parallel_loop3A_490 : vector<16xf32>
        %parallel_loop3A_492 = arith.subf %parallel_loop3A_469, %parallel_loop3A_458 : vector<16xf32>
        %parallel_loop3A_493 = arith.mulf %parallel_loop3A_492, %parallel_loop3A_424 : vector<16xf32>
        %parallel_loop3A_494 = arith.addf %parallel_loop3A_458, %parallel_loop3A_493 : vector<16xf32>
        %parallel_loop3A_495 = arith.subf %parallel_loop3A_491, %parallel_loop3A_480 : vector<16xf32>
        %parallel_loop3A_496 = arith.mulf %parallel_loop3A_495, %parallel_loop3A_424 : vector<16xf32>
        %parallel_loop3A_497 = arith.addf %parallel_loop3A_480, %parallel_loop3A_496 : vector<16xf32>
        %parallel_loop3A_498 = arith.subf %parallel_loop3A_497, %parallel_loop3A_494 : vector<16xf32>
        %parallel_loop3A_499 = arith.mulf %parallel_loop3A_498, %parallel_loop3A_436 : vector<16xf32>
        %parallel_loop3A_500 = arith.addf %parallel_loop3A_494, %parallel_loop3A_499 : vector<16xf32>
        %parallel_loop3A_501 = arith.constant 0 : i32
        %parallel_loop3A_502 = arith.addi %parallel_loop3A_501, %parallel_loop3A_390 : i32
        %parallel_loop3A_503 = arith.index_cast %parallel_loop3A_502 : i32 to index
        %parallel_loop3A_504 = tpu.vector_load %arg8[%parallel_loop3A_503] {strides = array<i32>} : memref<1536xf32, #tpu.memory_space<vmem>>, vector<16xf32>,
        tpu.vector_store %arg8[%parallel_loop3A_503], %parallel_loop3A_500 {strides = array<i32>} : memref<1536xf32, #tpu.memory_space<vmem>>, vector<16xf32>,
        %parallel_loop3A_505 = arith.constant 35937 : i32
        %parallel_loop3A_506 = vector.broadcast %parallel_loop3A_505 : i32 to vector<16xi32>
        %parallel_loop3A_507 = arith.addi %parallel_loop3A_444, %parallel_loop3A_506 : vector<16xi32>
        %parallel_loop3A_508 = arith.constant 0 : i32
        %parallel_loop3A_509 = vector.broadcast %parallel_loop3A_508 : i32 to vector<16xi32>
        %parallel_loop3A_510 = arith.addi %parallel_loop3A_507, %parallel_loop3A_509 : vector<16xi32>
        %parallel_loop3A_511 = tpu.vector_load_idx %arg5[%parallel_loop3A_510] : memref<107824xf32, #tpu.memory_space<vmem>>[vector<16xi32>], vector<16xf32>,
        %parallel_loop3A_512 = arith.constant 1 : i32
        %parallel_loop3A_513 = vector.broadcast %parallel_loop3A_512 : i32 to vector<16xi32>
        %parallel_loop3A_514 = arith.addi %parallel_loop3A_507, %parallel_loop3A_513 : vector<16xi32>
        %parallel_loop3A_515 = tpu.vector_load_idx %arg5[%parallel_loop3A_514] : memref<107824xf32, #tpu.memory_space<vmem>>[vector<16xi32>], vector<16xf32>,
        %parallel_loop3A_516 = arith.subf %parallel_loop3A_515, %parallel_loop3A_511 : vector<16xf32>
        %parallel_loop3A_517 = arith.mulf %parallel_loop3A_516, %parallel_loop3A_412 : vector<16xf32>
        %parallel_loop3A_518 = arith.addf %parallel_loop3A_511, %parallel_loop3A_517 : vector<16xf32>
        %parallel_loop3A_519 = arith.constant 33 : i32
        %parallel_loop3A_520 = vector.broadcast %parallel_loop3A_519 : i32 to vector<16xi32>
        %parallel_loop3A_521 = arith.addi %parallel_loop3A_507, %parallel_loop3A_520 : vector<16xi32>
        %parallel_loop3A_522 = tpu.vector_load_idx %arg5[%parallel_loop3A_521] : memref<107824xf32, #tpu.memory_space<vmem>>[vector<16xi32>], vector<16xf32>,
        %parallel_loop3A_523 = arith.constant 34 : i32
        %parallel_loop3A_524 = vector.broadcast %parallel_loop3A_523 : i32 to vector<16xi32>
        %parallel_loop3A_525 = arith.addi %parallel_loop3A_507, %parallel_loop3A_524 : vector<16xi32>
        %parallel_loop3A_526 = tpu.vector_load_idx %arg5[%parallel_loop3A_525] : memref<107824xf32, #tpu.memory_space<vmem>>[vector<16xi32>], vector<16xf32>,
        %parallel_loop3A_527 = arith.subf %parallel_loop3A_526, %parallel_loop3A_522 : vector<16xf32>
        %parallel_loop3A_528 = arith.mulf %parallel_loop3A_527, %parallel_loop3A_412 : vector<16xf32>
        %parallel_loop3A_529 = arith.addf %parallel_loop3A_522, %parallel_loop3A_528 : vector<16xf32>
        %parallel_loop3A_530 = arith.constant 1089 : i32
        %parallel_loop3A_531 = vector.broadcast %parallel_loop3A_530 : i32 to vector<16xi32>
        %parallel_loop3A_532 = arith.addi %parallel_loop3A_507, %parallel_loop3A_531 : vector<16xi32>
        %parallel_loop3A_533 = tpu.vector_load_idx %arg5[%parallel_loop3A_532] : memref<107824xf32, #tpu.memory_space<vmem>>[vector<16xi32>], vector<16xf32>,
        %parallel_loop3A_534 = arith.constant 1090 : i32
        %parallel_loop3A_535 = vector.broadcast %parallel_loop3A_534 : i32 to vector<16xi32>
        %parallel_loop3A_536 = arith.addi %parallel_loop3A_507, %parallel_loop3A_535 : vector<16xi32>
        %parallel_loop3A_537 = tpu.vector_load_idx %arg5[%parallel_loop3A_536] : memref<107824xf32, #tpu.memory_space<vmem>>[vector<16xi32>], vector<16xf32>,
        %parallel_loop3A_538 = arith.subf %parallel_loop3A_537, %parallel_loop3A_533 : vector<16xf32>
        %parallel_loop3A_539 = arith.mulf %parallel_loop3A_538, %parallel_loop3A_412 : vector<16xf32>
        %parallel_loop3A_540 = arith.addf %parallel_loop3A_533, %parallel_loop3A_539 : vector<16xf32>
        %parallel_loop3A_541 = arith.constant 1122 : i32
        %parallel_loop3A_542 = vector.broadcast %parallel_loop3A_541 : i32 to vector<16xi32>
        %parallel_loop3A_543 = arith.addi %parallel_loop3A_507, %parallel_loop3A_542 : vector<16xi32>
        %parallel_loop3A_544 = tpu.vector_load_idx %arg5[%parallel_loop3A_543] : memref<107824xf32, #tpu.memory_space<vmem>>[vector<16xi32>], vector<16xf32>,
        %parallel_loop3A_545 = arith.constant 1123 : i32
        %parallel_loop3A_546 = vector.broadcast %parallel_loop3A_545 : i32 to vector<16xi32>
        %parallel_loop3A_547 = arith.addi %parallel_loop3A_507, %parallel_loop3A_546 : vector<16xi32>
        %parallel_loop3A_548 = tpu.vector_load_idx %arg5[%parallel_loop3A_547] : memref<107824xf32, #tpu.memory_space<vmem>>[vector<16xi32>], vector<16xf32>,
        %parallel_loop3A_549 = arith.subf %parallel_loop3A_548, %parallel_loop3A_544 : vector<16xf32>
        %parallel_loop3A_550 = arith.mulf %parallel_loop3A_549, %parallel_loop3A_412 : vector<16xf32>
        %parallel_loop3A_551 = arith.addf %parallel_loop3A_544, %parallel_loop3A_550 : vector<16xf32>
        %parallel_loop3A_552 = arith.subf %parallel_loop3A_529, %parallel_loop3A_518 : vector<16xf32>
        %parallel_loop3A_553 = arith.mulf %parallel_loop3A_552, %parallel_loop3A_424 : vector<16xf32>
        %parallel_loop3A_554 = arith.addf %parallel_loop3A_518, %parallel_loop3A_553 : vector<16xf32>
        %parallel_loop3A_555 = arith.subf %parallel_loop3A_551, %parallel_loop3A_540 : vector<16xf32>
        %parallel_loop3A_556 = arith.mulf %parallel_loop3A_555, %parallel_loop3A_424 : vector<16xf32>
        %parallel_loop3A_557 = arith.addf %parallel_loop3A_540, %parallel_loop3A_556 : vector<16xf32>
        %parallel_loop3A_558 = arith.subf %parallel_loop3A_557, %parallel_loop3A_554 : vector<16xf32>
        %parallel_loop3A_559 = arith.mulf %parallel_loop3A_558, %parallel_loop3A_436 : vector<16xf32>
        %parallel_loop3A_560 = arith.addf %parallel_loop3A_554, %parallel_loop3A_559 : vector<16xf32>
        %parallel_loop3A_561 = arith.constant 512 : i32
        %parallel_loop3A_562 = arith.addi %parallel_loop3A_561, %parallel_loop3A_390 : i32
        %parallel_loop3A_563 = arith.index_cast %parallel_loop3A_562 : i32 to index
        %parallel_loop3A_564 = tpu.vector_load %arg8[%parallel_loop3A_563] {strides = array<i32>} : memref<1536xf32, #tpu.memory_space<vmem>>, vector<16xf32>,
        tpu.vector_store %arg8[%parallel_loop3A_563], %parallel_loop3A_560 {strides = array<i32>} : memref<1536xf32, #tpu.memory_space<vmem>>, vector<16xf32>,
        %parallel_loop3A_565 = arith.constant 71874 : i32
        %parallel_loop3A_566 = vector.broadcast %parallel_loop3A_565 : i32 to vector<16xi32>
        %parallel_loop3A_567 = arith.addi %parallel_loop3A_444, %parallel_loop3A_566 : vector<16xi32>
        %parallel_loop3A_568 = arith.constant 0 : i32
        %parallel_loop3A_569 = vector.broadcast %parallel_loop3A_568 : i32 to vector<16xi32>
        %parallel_loop3A_570 = arith.addi %parallel_loop3A_567, %parallel_loop3A_569 : vector<16xi32>
        %parallel_loop3A_571 = tpu.vector_load_idx %arg5[%parallel_loop3A_570] : memref<107824xf32, #tpu.memory_space<vmem>>[vector<16xi32>], vector<16xf32>,
        %parallel_loop3A_572 = arith.constant 1 : i32
        %parallel_loop3A_573 = vector.broadcast %parallel_loop3A_572 : i32 to vector<16xi32>
        %parallel_loop3A_574 = arith.addi %parallel_loop3A_567, %parallel_loop3A_573 : vector<16xi32>
        %parallel_loop3A_575 = tpu.vector_load_idx %arg5[%parallel_loop3A_574] : memref<107824xf32, #tpu.memory_space<vmem>>[vector<16xi32>], vector<16xf32>,
        %parallel_loop3A_576 = arith.subf %parallel_loop3A_575, %parallel_loop3A_571 : vector<16xf32>
        %parallel_loop3A_577 = arith.mulf %parallel_loop3A_576, %parallel_loop3A_412 : vector<16xf32>
        %parallel_loop3A_578 = arith.addf %parallel_loop3A_571, %parallel_loop3A_577 : vector<16xf32>
        %parallel_loop3A_579 = arith.constant 33 : i32
        %parallel_loop3A_580 = vector.broadcast %parallel_loop3A_579 : i32 to vector<16xi32>
        %parallel_loop3A_581 = arith.addi %parallel_loop3A_567, %parallel_loop3A_580 : vector<16xi32>
        %parallel_loop3A_582 = tpu.vector_load_idx %arg5[%parallel_loop3A_581] : memref<107824xf32, #tpu.memory_space<vmem>>[vector<16xi32>], vector<16xf32>,
        %parallel_loop3A_583 = arith.constant 34 : i32
        %parallel_loop3A_584 = vector.broadcast %parallel_loop3A_583 : i32 to vector<16xi32>
        %parallel_loop3A_585 = arith.addi %parallel_loop3A_567, %parallel_loop3A_584 : vector<16xi32>
        %parallel_loop3A_586 = tpu.vector_load_idx %arg5[%parallel_loop3A_585] : memref<107824xf32, #tpu.memory_space<vmem>>[vector<16xi32>], vector<16xf32>,
        %parallel_loop3A_587 = arith.subf %parallel_loop3A_586, %parallel_loop3A_582 : vector<16xf32>
        %parallel_loop3A_588 = arith.mulf %parallel_loop3A_587, %parallel_loop3A_412 : vector<16xf32>
        %parallel_loop3A_589 = arith.addf %parallel_loop3A_582, %parallel_loop3A_588 : vector<16xf32>
        %parallel_loop3A_590 = arith.constant 1089 : i32
        %parallel_loop3A_591 = vector.broadcast %parallel_loop3A_590 : i32 to vector<16xi32>
        %parallel_loop3A_592 = arith.addi %parallel_loop3A_567, %parallel_loop3A_591 : vector<16xi32>
        %parallel_loop3A_593 = tpu.vector_load_idx %arg5[%parallel_loop3A_592] : memref<107824xf32, #tpu.memory_space<vmem>>[vector<16xi32>], vector<16xf32>,
        %parallel_loop3A_594 = arith.constant 1090 : i32
        %parallel_loop3A_595 = vector.broadcast %parallel_loop3A_594 : i32 to vector<16xi32>
        %parallel_loop3A_596 = arith.addi %parallel_loop3A_567, %parallel_loop3A_595 : vector<16xi32>
        %parallel_loop3A_597 = tpu.vector_load_idx %arg5[%parallel_loop3A_596] : memref<107824xf32, #tpu.memory_space<vmem>>[vector<16xi32>], vector<16xf32>,
        %parallel_loop3A_598 = arith.subf %parallel_loop3A_597, %parallel_loop3A_593 : vector<16xf32>
        %parallel_loop3A_599 = arith.mulf %parallel_loop3A_598, %parallel_loop3A_412 : vector<16xf32>
        %parallel_loop3A_600 = arith.addf %parallel_loop3A_593, %parallel_loop3A_599 : vector<16xf32>
        %parallel_loop3A_601 = arith.constant 1122 : i32
        %parallel_loop3A_602 = vector.broadcast %parallel_loop3A_601 : i32 to vector<16xi32>
        %parallel_loop3A_603 = arith.addi %parallel_loop3A_567, %parallel_loop3A_602 : vector<16xi32>
        %parallel_loop3A_604 = tpu.vector_load_idx %arg5[%parallel_loop3A_603] : memref<107824xf32, #tpu.memory_space<vmem>>[vector<16xi32>], vector<16xf32>,
        %parallel_loop3A_605 = arith.constant 1123 : i32
        %parallel_loop3A_606 = vector.broadcast %parallel_loop3A_605 : i32 to vector<16xi32>
        %parallel_loop3A_607 = arith.addi %parallel_loop3A_567, %parallel_loop3A_606 : vector<16xi32>
        %parallel_loop3A_608 = tpu.vector_load_idx %arg5[%parallel_loop3A_607] : memref<107824xf32, #tpu.memory_space<vmem>>[vector<16xi32>], vector<16xf32>,
        %parallel_loop3A_609 = arith.subf %parallel_loop3A_608, %parallel_loop3A_604 : vector<16xf32>
        %parallel_loop3A_610 = arith.mulf %parallel_loop3A_609, %parallel_loop3A_412 : vector<16xf32>
        %parallel_loop3A_611 = arith.addf %parallel_loop3A_604, %parallel_loop3A_610 : vector<16xf32>
        %parallel_loop3A_612 = arith.subf %parallel_loop3A_589, %parallel_loop3A_578 : vector<16xf32>
        %parallel_loop3A_613 = arith.mulf %parallel_loop3A_612, %parallel_loop3A_424 : vector<16xf32>
        %parallel_loop3A_614 = arith.addf %parallel_loop3A_578, %parallel_loop3A_613 : vector<16xf32>
        %parallel_loop3A_615 = arith.subf %parallel_loop3A_611, %parallel_loop3A_600 : vector<16xf32>
        %parallel_loop3A_616 = arith.mulf %parallel_loop3A_615, %parallel_loop3A_424 : vector<16xf32>
        %parallel_loop3A_617 = arith.addf %parallel_loop3A_600, %parallel_loop3A_616 : vector<16xf32>
        %parallel_loop3A_618 = arith.subf %parallel_loop3A_617, %parallel_loop3A_614 : vector<16xf32>
        %parallel_loop3A_619 = arith.mulf %parallel_loop3A_618, %parallel_loop3A_436 : vector<16xf32>
        %parallel_loop3A_620 = arith.addf %parallel_loop3A_614, %parallel_loop3A_619 : vector<16xf32>
        %parallel_loop3A_621 = arith.constant 1024 : i32
        %parallel_loop3A_622 = arith.addi %parallel_loop3A_621, %parallel_loop3A_390 : i32
        %parallel_loop3A_623 = arith.index_cast %parallel_loop3A_622 : i32 to index
        %parallel_loop3A_624 = tpu.vector_load %arg8[%parallel_loop3A_623] {strides = array<i32>} : memref<1536xf32, #tpu.memory_space<vmem>>, vector<16xf32>,
        tpu.vector_store %arg8[%parallel_loop3A_623], %parallel_loop3A_620 {strides = array<i32>} : memref<1536xf32, #tpu.memory_space<vmem>>, vector<16xf32>,
      } {sc.loop_unroll_factor = 2 : i64, sc.parallel_access}
      %mul3A_243 = arith.constant 512 : i32
      %mul3A_244 = arith.muli %add3A_199, %mul3A_243 : i32
      %add3A_245 = arith.addi %mul3A_32, %mul3A_244 : i32
      %mul3A_246 = arith.constant 3 : i32
      %mul3A_247 = arith.muli %select_n3A, %mul3A_246 : i32
      %add3A_248 = arith.constant 0 : i32
      %add3A_249 = arith.addi %mul3A_247, %add3A_248 : i32
      %mul3A_250 = arith.constant 262144 : i32
      %mul3A_251 = arith.muli %add3A_249, %mul3A_250 : i32
      %add3A_252 = arith.addi %mul3A_251, %add3A_245 : i32
      %dma_start3A_253 = arith.constant 0 : i32
      %dma_start3A_254 = tpu.memref_slice %arg8[%dma_start3A_253] : memref<1536xf32, #tpu.memory_space<vmem>> -> memref<512xf32, #tpu.memory_space<vmem>>
      %dma_start3A_255 = tpu.memref_slice %arg4[%add3A_252] : memref<6291456xf32, #tpu.memory_space<hbm>> -> memref<512xf32, #tpu.memory_space<hbm>>
      %dma_start3A_256 = tpu.memref_slice %arg4[%add3A_252] : memref<6291456xf32, #tpu.memory_space<hbm>> -> memref<512xf32, #tpu.memory_space<hbm>>
      %dma_start3A_257 = arith.constant 0 : i32
      %dma_start3A_258 = tpu.memref_slice %arg8[%dma_start3A_257] : memref<1536xf32, #tpu.memory_space<vmem>> -> memref<512xf32, #tpu.memory_space<vmem>>
      tpu.enqueue_dma source(%dma_start3A_258 : memref<512xf32, #tpu.memory_space<vmem>>) target(%dma_start3A_256 : memref<512xf32, #tpu.memory_space<hbm>>) target_semaphore(%arg13 : memref<!tpu.dma_semaphore, #tpu.memory_space<semaphore_mem>>)
      %mul3A_259 = arith.constant 3 : i32
      %mul3A_260 = arith.muli %select_n3A, %mul3A_259 : i32
      %add3A_261 = arith.constant 1 : i32
      %add3A_262 = arith.addi %mul3A_260, %add3A_261 : i32
      %mul3A_263 = arith.constant 262144 : i32
      %mul3A_264 = arith.muli %add3A_262, %mul3A_263 : i32
      %add3A_265 = arith.addi %mul3A_264, %add3A_245 : i32
      %dma_start3A_266 = arith.constant 512 : i32
      %dma_start3A_267 = tpu.memref_slice %arg8[%dma_start3A_266] : memref<1536xf32, #tpu.memory_space<vmem>> -> memref<512xf32, #tpu.memory_space<vmem>>
      %dma_start3A_268 = tpu.memref_slice %arg4[%add3A_265] : memref<6291456xf32, #tpu.memory_space<hbm>> -> memref<512xf32, #tpu.memory_space<hbm>>
      %dma_start3A_269 = tpu.memref_slice %arg4[%add3A_265] : memref<6291456xf32, #tpu.memory_space<hbm>> -> memref<512xf32, #tpu.memory_space<hbm>>
      %dma_start3A_270 = arith.constant 512 : i32
      %dma_start3A_271 = tpu.memref_slice %arg8[%dma_start3A_270] : memref<1536xf32, #tpu.memory_space<vmem>> -> memref<512xf32, #tpu.memory_space<vmem>>
      tpu.enqueue_dma source(%dma_start3A_271 : memref<512xf32, #tpu.memory_space<vmem>>) target(%dma_start3A_269 : memref<512xf32, #tpu.memory_space<hbm>>) target_semaphore(%arg13 : memref<!tpu.dma_semaphore, #tpu.memory_space<semaphore_mem>>)
      %mul3A_272 = arith.constant 3 : i32
      %mul3A_273 = arith.muli %select_n3A, %mul3A_272 : i32
      %add3A_274 = arith.constant 2 : i32
      %add3A_275 = arith.addi %mul3A_273, %add3A_274 : i32
      %mul3A_276 = arith.constant 262144 : i32
      %mul3A_277 = arith.muli %add3A_275, %mul3A_276 : i32
      %add3A_278 = arith.addi %mul3A_277, %add3A_245 : i32
      %dma_start3A_279 = arith.constant 1024 : i32
      %dma_start3A_280 = tpu.memref_slice %arg8[%dma_start3A_279] : memref<1536xf32, #tpu.memory_space<vmem>> -> memref<512xf32, #tpu.memory_space<vmem>>
      %dma_start3A_281 = tpu.memref_slice %arg4[%add3A_278] : memref<6291456xf32, #tpu.memory_space<hbm>> -> memref<512xf32, #tpu.memory_space<hbm>>
      %dma_start3A_282 = tpu.memref_slice %arg4[%add3A_278] : memref<6291456xf32, #tpu.memory_space<hbm>> -> memref<512xf32, #tpu.memory_space<hbm>>
      %dma_start3A_283 = arith.constant 1024 : i32
      %dma_start3A_284 = tpu.memref_slice %arg8[%dma_start3A_283] : memref<1536xf32, #tpu.memory_space<vmem>> -> memref<512xf32, #tpu.memory_space<vmem>>
      tpu.enqueue_dma source(%dma_start3A_284 : memref<512xf32, #tpu.memory_space<vmem>>) target(%dma_start3A_282 : memref<512xf32, #tpu.memory_space<hbm>>) target_semaphore(%arg13 : memref<!tpu.dma_semaphore, #tpu.memory_space<semaphore_mem>>)
      %add3A_285 = arith.constant 2 : i32
      %add3A_286 = arith.addi %add3A_199, %add3A_285 : i32
      %lt3A_287 = arith.constant 128 : i32
      %lt3A_288 = arith.cmpi slt, %add3A_286, %lt3A_287 : i32
      %convert_element_type3A_289 = arith.extui %lt3A_288 : i1 to i32
      %cond3A_290 = arith.constant 0 : i32
      %cond3A_291 = arith.cmpi ne, %convert_element_type3A_289, %cond3A_290 : i32
      scf.if %cond3A_291 {
        %add3A_390 = arith.constant 2 : i32
        %add3A_391 = arith.addi %add3A_199, %add3A_390 : i32
        %mul3A_392 = arith.constant 512 : i32
        %mul3A_393 = arith.muli %add3A_391, %mul3A_392 : i32
        %add3A_394 = arith.addi %mul3A_32, %mul3A_393 : i32
        %mul3A_395 = arith.constant 3 : i32
        %mul3A_396 = arith.muli %select_n3A, %mul3A_395 : i32
        %add3A_397 = arith.constant 0 : i32
        %add3A_398 = arith.addi %mul3A_396, %add3A_397 : i32
        %mul3A_399 = arith.constant 262144 : i32
        %mul3A_400 = arith.muli %add3A_398, %mul3A_399 : i32
        %add3A_401 = arith.addi %mul3A_400, %add3A_394 : i32
        %dma_start3A_402 = arith.constant 0 : i32
        %dma_start3A_403 = tpu.memref_slice %arg6[%dma_start3A_402] : memref<1536xf32, #tpu.memory_space<vmem>> -> memref<512xf32, #tpu.memory_space<vmem>>
        %dma_start3A_404 = tpu.memref_slice %arg2[%add3A_401] : memref<6291456xf32, #tpu.memory_space<hbm>> -> memref<512xf32, #tpu.memory_space<hbm>>
        %dma_start3A_405 = arith.constant 0 : i32
        %dma_start3A_406 = tpu.memref_slice %arg6[%dma_start3A_405] : memref<1536xf32, #tpu.memory_space<vmem>> -> memref<512xf32, #tpu.memory_space<vmem>>
        %dma_start3A_407 = tpu.memref_slice %arg2[%add3A_401] : memref<6291456xf32, #tpu.memory_space<hbm>> -> memref<512xf32, #tpu.memory_space<hbm>>
        tpu.enqueue_dma source(%dma_start3A_407 : memref<512xf32, #tpu.memory_space<hbm>>) target(%dma_start3A_406 : memref<512xf32, #tpu.memory_space<vmem>>) target_semaphore(%arg11 : memref<!tpu.dma_semaphore, #tpu.memory_space<semaphore_mem>>)
        %mul3A_408 = arith.constant 3 : i32
        %mul3A_409 = arith.muli %select_n3A, %mul3A_408 : i32
        %add3A_410 = arith.constant 1 : i32
        %add3A_411 = arith.addi %mul3A_409, %add3A_410 : i32
        %mul3A_412 = arith.constant 262144 : i32
        %mul3A_413 = arith.muli %add3A_411, %mul3A_412 : i32
        %add3A_414 = arith.addi %mul3A_413, %add3A_394 : i32
        %dma_start3A_415 = arith.constant 512 : i32
        %dma_start3A_416 = tpu.memref_slice %arg6[%dma_start3A_415] : memref<1536xf32, #tpu.memory_space<vmem>> -> memref<512xf32, #tpu.memory_space<vmem>>
        %dma_start3A_417 = tpu.memref_slice %arg2[%add3A_414] : memref<6291456xf32, #tpu.memory_space<hbm>> -> memref<512xf32, #tpu.memory_space<hbm>>
        %dma_start3A_418 = arith.constant 512 : i32
        %dma_start3A_419 = tpu.memref_slice %arg6[%dma_start3A_418] : memref<1536xf32, #tpu.memory_space<vmem>> -> memref<512xf32, #tpu.memory_space<vmem>>
        %dma_start3A_420 = tpu.memref_slice %arg2[%add3A_414] : memref<6291456xf32, #tpu.memory_space<hbm>> -> memref<512xf32, #tpu.memory_space<hbm>>
        tpu.enqueue_dma source(%dma_start3A_420 : memref<512xf32, #tpu.memory_space<hbm>>) target(%dma_start3A_419 : memref<512xf32, #tpu.memory_space<vmem>>) target_semaphore(%arg11 : memref<!tpu.dma_semaphore, #tpu.memory_space<semaphore_mem>>)
        %mul3A_421 = arith.constant 3 : i32
        %mul3A_422 = arith.muli %select_n3A, %mul3A_421 : i32
        %add3A_423 = arith.constant 2 : i32
        %add3A_424 = arith.addi %mul3A_422, %add3A_423 : i32
        %mul3A_425 = arith.constant 262144 : i32
        %mul3A_426 = arith.muli %add3A_424, %mul3A_425 : i32
        %add3A_427 = arith.addi %mul3A_426, %add3A_394 : i32
        %dma_start3A_428 = arith.constant 1024 : i32
        %dma_start3A_429 = tpu.memref_slice %arg6[%dma_start3A_428] : memref<1536xf32, #tpu.memory_space<vmem>> -> memref<512xf32, #tpu.memory_space<vmem>>
        %dma_start3A_430 = tpu.memref_slice %arg2[%add3A_427] : memref<6291456xf32, #tpu.memory_space<hbm>> -> memref<512xf32, #tpu.memory_space<hbm>>
        %dma_start3A_431 = arith.constant 1024 : i32
        %dma_start3A_432 = tpu.memref_slice %arg6[%dma_start3A_431] : memref<1536xf32, #tpu.memory_space<vmem>> -> memref<512xf32, #tpu.memory_space<vmem>>
        %dma_start3A_433 = tpu.memref_slice %arg2[%add3A_427] : memref<6291456xf32, #tpu.memory_space<hbm>> -> memref<512xf32, #tpu.memory_space<hbm>>
        tpu.enqueue_dma source(%dma_start3A_433 : memref<512xf32, #tpu.memory_space<hbm>>) target(%dma_start3A_432 : memref<512xf32, #tpu.memory_space<vmem>>) target_semaphore(%arg11 : memref<!tpu.dma_semaphore, #tpu.memory_space<semaphore_mem>>)
      } else {
      }
      %mul3A_292 = arith.constant 3 : i32
      %mul3A_293 = arith.muli %select_n3A, %mul3A_292 : i32
      %add3A_294 = arith.constant 0 : i32
      %add3A_295 = arith.addi %mul3A_293, %add3A_294 : i32
      %mul3A_296 = arith.constant 262144 : i32
      %mul3A_297 = arith.muli %add3A_295, %mul3A_296 : i32
      %add3A_298 = arith.addi %mul3A_297, %mul3A_32 : i32
      %dma_wait3A_299 = arith.constant 0 : i32
      %dma_wait3A_300 = tpu.memref_slice %arg7[%dma_wait3A_299] : memref<1536xf32, #tpu.memory_space<vmem>> -> memref<512xf32, #tpu.memory_space<vmem>>
      %dma_wait3A_301 = tpu.memref_slice %arg2[%add3A_298] : memref<6291456xf32, #tpu.memory_space<hbm>> -> memref<512xf32, #tpu.memory_space<hbm>>
      %dma_wait3A_302 = arith.constant 0 : i32
      %dma_wait3A_303 = tpu.memref_slice %arg7[%dma_wait3A_302] : memref<1536xf32, #tpu.memory_space<vmem>> -> memref<512xf32, #tpu.memory_space<vmem>>
      %dma_wait3A_304 = tpu.memref_slice %arg2[%add3A_298] : memref<6291456xf32, #tpu.memory_space<hbm>> -> memref<512xf32, #tpu.memory_space<hbm>>
      tpu.wait_dma2 semaphore(%arg12 : memref<!tpu.dma_semaphore, #tpu.memory_space<semaphore_mem>>) src(%dma_wait3A_304 : memref<512xf32, #tpu.memory_space<hbm>>) dst(%dma_wait3A_303 : memref<512xf32, #tpu.memory_space<vmem>>)
      %mul3A_305 = arith.constant 3 : i32
      %mul3A_306 = arith.muli %select_n3A, %mul3A_305 : i32
      %add3A_307 = arith.constant 1 : i32
      %add3A_308 = arith.addi %mul3A_306, %add3A_307 : i32
      %mul3A_309 = arith.constant 262144 : i32
      %mul3A_310 = arith.muli %add3A_308, %mul3A_309 : i32
      %add3A_311 = arith.addi %mul3A_310, %mul3A_32 : i32
      %dma_wait3A_312 = arith.constant 512 : i32
      %dma_wait3A_313 = tpu.memref_slice %arg7[%dma_wait3A_312] : memref<1536xf32, #tpu.memory_space<vmem>> -> memref<512xf32, #tpu.memory_space<vmem>>
      %dma_wait3A_314 = tpu.memref_slice %arg2[%add3A_311] : memref<6291456xf32, #tpu.memory_space<hbm>> -> memref<512xf32, #tpu.memory_space<hbm>>
      %dma_wait3A_315 = arith.constant 512 : i32
      %dma_wait3A_316 = tpu.memref_slice %arg7[%dma_wait3A_315] : memref<1536xf32, #tpu.memory_space<vmem>> -> memref<512xf32, #tpu.memory_space<vmem>>
      %dma_wait3A_317 = tpu.memref_slice %arg2[%add3A_311] : memref<6291456xf32, #tpu.memory_space<hbm>> -> memref<512xf32, #tpu.memory_space<hbm>>
      tpu.wait_dma2 semaphore(%arg12 : memref<!tpu.dma_semaphore, #tpu.memory_space<semaphore_mem>>) src(%dma_wait3A_317 : memref<512xf32, #tpu.memory_space<hbm>>) dst(%dma_wait3A_316 : memref<512xf32, #tpu.memory_space<vmem>>)
      %mul3A_318 = arith.constant 3 : i32
      %mul3A_319 = arith.muli %select_n3A, %mul3A_318 : i32
      %add3A_320 = arith.constant 2 : i32
      %add3A_321 = arith.addi %mul3A_319, %add3A_320 : i32
      %mul3A_322 = arith.constant 262144 : i32
      %mul3A_323 = arith.muli %add3A_321, %mul3A_322 : i32
      %add3A_324 = arith.addi %mul3A_323, %mul3A_32 : i32
      %dma_wait3A_325 = arith.constant 1024 : i32
      %dma_wait3A_326 = tpu.memref_slice %arg7[%dma_wait3A_325] : memref<1536xf32, #tpu.memory_space<vmem>> -> memref<512xf32, #tpu.memory_space<vmem>>
      %dma_wait3A_327 = tpu.memref_slice %arg2[%add3A_324] : memref<6291456xf32, #tpu.memory_space<hbm>> -> memref<512xf32, #tpu.memory_space<hbm>>
      %dma_wait3A_328 = arith.constant 1024 : i32
      %dma_wait3A_329 = tpu.memref_slice %arg7[%dma_wait3A_328] : memref<1536xf32, #tpu.memory_space<vmem>> -> memref<512xf32, #tpu.memory_space<vmem>>
      %dma_wait3A_330 = tpu.memref_slice %arg2[%add3A_324] : memref<6291456xf32, #tpu.memory_space<hbm>> -> memref<512xf32, #tpu.memory_space<hbm>>
      tpu.wait_dma2 semaphore(%arg12 : memref<!tpu.dma_semaphore, #tpu.memory_space<semaphore_mem>>) src(%dma_wait3A_330 : memref<512xf32, #tpu.memory_space<hbm>>) dst(%dma_wait3A_329 : memref<512xf32, #tpu.memory_space<vmem>>)
      %ge3A_331 = arith.constant 2 : i32
      %ge3A_332 = arith.cmpi sge, %add3A_199, %ge3A_331 : i32
      %convert_element_type3A_333 = arith.extui %ge3A_332 : i1 to i32
      %cond3A_334 = arith.constant 0 : i32
      %cond3A_335 = arith.cmpi ne, %convert_element_type3A_333, %cond3A_334 : i32
      scf.if %cond3A_335 {
        %mul3A_390 = arith.constant 3 : i32
        %mul3A_391 = arith.muli %select_n3A, %mul3A_390 : i32
        %add3A_392 = arith.constant 0 : i32
        %add3A_393 = arith.addi %mul3A_391, %add3A_392 : i32
        %mul3A_394 = arith.constant 262144 : i32
        %mul3A_395 = arith.muli %add3A_393, %mul3A_394 : i32
        %add3A_396 = arith.addi %mul3A_395, %mul3A_32 : i32
        %dma_wait3A_397 = arith.constant 0 : i32
        %dma_wait3A_398 = tpu.memref_slice %arg9[%dma_wait3A_397] : memref<1536xf32, #tpu.memory_space<vmem>> -> memref<512xf32, #tpu.memory_space<vmem>>
        %dma_wait3A_399 = tpu.memref_slice %arg4[%add3A_396] : memref<6291456xf32, #tpu.memory_space<hbm>> -> memref<512xf32, #tpu.memory_space<hbm>>
        %dma_wait3A_400 = tpu.memref_slice %arg4[%add3A_396] : memref<6291456xf32, #tpu.memory_space<hbm>> -> memref<512xf32, #tpu.memory_space<hbm>>
        %dma_wait3A_401 = arith.constant 0 : i32
        %dma_wait3A_402 = tpu.memref_slice %arg9[%dma_wait3A_401] : memref<1536xf32, #tpu.memory_space<vmem>> -> memref<512xf32, #tpu.memory_space<vmem>>
        tpu.wait_dma2 semaphore(%arg14 : memref<!tpu.dma_semaphore, #tpu.memory_space<semaphore_mem>>) src(%dma_wait3A_402 : memref<512xf32, #tpu.memory_space<vmem>>) dst(%dma_wait3A_400 : memref<512xf32, #tpu.memory_space<hbm>>)
        %mul3A_403 = arith.constant 3 : i32
        %mul3A_404 = arith.muli %select_n3A, %mul3A_403 : i32
        %add3A_405 = arith.constant 1 : i32
        %add3A_406 = arith.addi %mul3A_404, %add3A_405 : i32
        %mul3A_407 = arith.constant 262144 : i32
        %mul3A_408 = arith.muli %add3A_406, %mul3A_407 : i32
        %add3A_409 = arith.addi %mul3A_408, %mul3A_32 : i32
        %dma_wait3A_410 = arith.constant 512 : i32
        %dma_wait3A_411 = tpu.memref_slice %arg9[%dma_wait3A_410] : memref<1536xf32, #tpu.memory_space<vmem>> -> memref<512xf32, #tpu.memory_space<vmem>>
        %dma_wait3A_412 = tpu.memref_slice %arg4[%add3A_409] : memref<6291456xf32, #tpu.memory_space<hbm>> -> memref<512xf32, #tpu.memory_space<hbm>>
        %dma_wait3A_413 = tpu.memref_slice %arg4[%add3A_409] : memref<6291456xf32, #tpu.memory_space<hbm>> -> memref<512xf32, #tpu.memory_space<hbm>>
        %dma_wait3A_414 = arith.constant 512 : i32
        %dma_wait3A_415 = tpu.memref_slice %arg9[%dma_wait3A_414] : memref<1536xf32, #tpu.memory_space<vmem>> -> memref<512xf32, #tpu.memory_space<vmem>>
        tpu.wait_dma2 semaphore(%arg14 : memref<!tpu.dma_semaphore, #tpu.memory_space<semaphore_mem>>) src(%dma_wait3A_415 : memref<512xf32, #tpu.memory_space<vmem>>) dst(%dma_wait3A_413 : memref<512xf32, #tpu.memory_space<hbm>>)
        %mul3A_416 = arith.constant 3 : i32
        %mul3A_417 = arith.muli %select_n3A, %mul3A_416 : i32
        %add3A_418 = arith.constant 2 : i32
        %add3A_419 = arith.addi %mul3A_417, %add3A_418 : i32
        %mul3A_420 = arith.constant 262144 : i32
        %mul3A_421 = arith.muli %add3A_419, %mul3A_420 : i32
        %add3A_422 = arith.addi %mul3A_421, %mul3A_32 : i32
        %dma_wait3A_423 = arith.constant 1024 : i32
        %dma_wait3A_424 = tpu.memref_slice %arg9[%dma_wait3A_423] : memref<1536xf32, #tpu.memory_space<vmem>> -> memref<512xf32, #tpu.memory_space<vmem>>
        %dma_wait3A_425 = tpu.memref_slice %arg4[%add3A_422] : memref<6291456xf32, #tpu.memory_space<hbm>> -> memref<512xf32, #tpu.memory_space<hbm>>
        %dma_wait3A_426 = tpu.memref_slice %arg4[%add3A_422] : memref<6291456xf32, #tpu.memory_space<hbm>> -> memref<512xf32, #tpu.memory_space<hbm>>
        %dma_wait3A_427 = arith.constant 1024 : i32
        %dma_wait3A_428 = tpu.memref_slice %arg9[%dma_wait3A_427] : memref<1536xf32, #tpu.memory_space<vmem>> -> memref<512xf32, #tpu.memory_space<vmem>>
        tpu.wait_dma2 semaphore(%arg14 : memref<!tpu.dma_semaphore, #tpu.memory_space<semaphore_mem>>) src(%dma_wait3A_428 : memref<512xf32, #tpu.memory_space<vmem>>) dst(%dma_wait3A_426 : memref<512xf32, #tpu.memory_space<hbm>>)
      } else {
      }
      %parallel_loop3A_336 = arith.constant 0 : i32
      %parallel_loop3A_337 = arith.constant 512 : i32
      %parallel_loop3A_338 = arith.constant 16 : i32
      scf.for %parallel_loop3A_390 = %parallel_loop3A_336 to %parallel_loop3A_337 step %parallel_loop3A_338  : i32 {
        %parallel_loop3A_391 = arith.index_cast %parallel_loop3A_390 : i32 to index
        %parallel_loop3A_392 = tpu.vector_load %arg7[%parallel_loop3A_391] {strides = array<i32>} : memref<1536xf32, #tpu.memory_space<vmem>>, vector<16xf32>,
        %parallel_loop3A_393 = arith.constant 512 : i32
        %parallel_loop3A_394 = arith.addi %parallel_loop3A_393, %parallel_loop3A_390 : i32
        %parallel_loop3A_395 = arith.index_cast %parallel_loop3A_394 : i32 to index
        %parallel_loop3A_396 = tpu.vector_load %arg7[%parallel_loop3A_395] {strides = array<i32>} : memref<1536xf32, #tpu.memory_space<vmem>>, vector<16xf32>,
        %parallel_loop3A_397 = arith.constant 1024 : i32
        %parallel_loop3A_398 = arith.addi %parallel_loop3A_397, %parallel_loop3A_390 : i32
        %parallel_loop3A_399 = arith.index_cast %parallel_loop3A_398 : i32 to index
        %parallel_loop3A_400 = tpu.vector_load %arg7[%parallel_loop3A_399] {strides = array<i32>} : memref<1536xf32, #tpu.memory_space<vmem>>, vector<16xf32>,
        %parallel_loop3A_401 = arith.constant 3.200000e+01 : f32
        %parallel_loop3A_402 = vector.broadcast %parallel_loop3A_401 : f32 to vector<16xf32>
        %parallel_loop3A_403 = arith.mulf %parallel_loop3A_392, %parallel_loop3A_402 : vector<16xf32>
        %parallel_loop3A_404 = arith.constant 0.000000e+00 : f32
        %parallel_loop3A_405 = vector.broadcast %parallel_loop3A_404 : f32 to vector<16xf32>
        %parallel_loop3A_406 = arith.maximumf %parallel_loop3A_403, %parallel_loop3A_405 : vector<16xf32>
        %parallel_loop3A_407 = arith.constant 3.150000e+01 : f32
        %parallel_loop3A_408 = vector.broadcast %parallel_loop3A_407 : f32 to vector<16xf32>
        %parallel_loop3A_409 = arith.minimumf %parallel_loop3A_406, %parallel_loop3A_408 : vector<16xf32>
        %parallel_loop3A_410 = arith.fptosi %parallel_loop3A_409 : vector<16xf32> to vector<16xi32>
        %parallel_loop3A_411 = arith.sitofp %parallel_loop3A_410 : vector<16xi32> to vector<16xf32>
        %parallel_loop3A_412 = arith.subf %parallel_loop3A_403, %parallel_loop3A_411 : vector<16xf32>
        %parallel_loop3A_413 = arith.constant 3.200000e+01 : f32
        %parallel_loop3A_414 = vector.broadcast %parallel_loop3A_413 : f32 to vector<16xf32>
        %parallel_loop3A_415 = arith.mulf %parallel_loop3A_396, %parallel_loop3A_414 : vector<16xf32>
        %parallel_loop3A_416 = arith.constant 0.000000e+00 : f32
        %parallel_loop3A_417 = vector.broadcast %parallel_loop3A_416 : f32 to vector<16xf32>
        %parallel_loop3A_418 = arith.maximumf %parallel_loop3A_415, %parallel_loop3A_417 : vector<16xf32>
        %parallel_loop3A_419 = arith.constant 3.150000e+01 : f32
        %parallel_loop3A_420 = vector.broadcast %parallel_loop3A_419 : f32 to vector<16xf32>
        %parallel_loop3A_421 = arith.minimumf %parallel_loop3A_418, %parallel_loop3A_420 : vector<16xf32>
        %parallel_loop3A_422 = arith.fptosi %parallel_loop3A_421 : vector<16xf32> to vector<16xi32>
        %parallel_loop3A_423 = arith.sitofp %parallel_loop3A_422 : vector<16xi32> to vector<16xf32>
        %parallel_loop3A_424 = arith.subf %parallel_loop3A_415, %parallel_loop3A_423 : vector<16xf32>
        %parallel_loop3A_425 = arith.constant 3.200000e+01 : f32
        %parallel_loop3A_426 = vector.broadcast %parallel_loop3A_425 : f32 to vector<16xf32>
        %parallel_loop3A_427 = arith.mulf %parallel_loop3A_400, %parallel_loop3A_426 : vector<16xf32>
        %parallel_loop3A_428 = arith.constant 0.000000e+00 : f32
        %parallel_loop3A_429 = vector.broadcast %parallel_loop3A_428 : f32 to vector<16xf32>
        %parallel_loop3A_430 = arith.maximumf %parallel_loop3A_427, %parallel_loop3A_429 : vector<16xf32>
        %parallel_loop3A_431 = arith.constant 3.150000e+01 : f32
        %parallel_loop3A_432 = vector.broadcast %parallel_loop3A_431 : f32 to vector<16xf32>
        %parallel_loop3A_433 = arith.minimumf %parallel_loop3A_430, %parallel_loop3A_432 : vector<16xf32>
        %parallel_loop3A_434 = arith.fptosi %parallel_loop3A_433 : vector<16xf32> to vector<16xi32>
        %parallel_loop3A_435 = arith.sitofp %parallel_loop3A_434 : vector<16xi32> to vector<16xf32>
        %parallel_loop3A_436 = arith.subf %parallel_loop3A_427, %parallel_loop3A_435 : vector<16xf32>
        %parallel_loop3A_437 = arith.constant 1089 : i32
        %parallel_loop3A_438 = vector.broadcast %parallel_loop3A_437 : i32 to vector<16xi32>
        %parallel_loop3A_439 = arith.muli %parallel_loop3A_434, %parallel_loop3A_438 : vector<16xi32>
        %parallel_loop3A_440 = arith.constant 33 : i32
        %parallel_loop3A_441 = vector.broadcast %parallel_loop3A_440 : i32 to vector<16xi32>
        %parallel_loop3A_442 = arith.muli %parallel_loop3A_422, %parallel_loop3A_441 : vector<16xi32>
        %parallel_loop3A_443 = arith.addi %parallel_loop3A_439, %parallel_loop3A_442 : vector<16xi32>
        %parallel_loop3A_444 = arith.addi %parallel_loop3A_443, %parallel_loop3A_410 : vector<16xi32>
        %parallel_loop3A_445 = arith.constant 0 : i32
        %parallel_loop3A_446 = vector.broadcast %parallel_loop3A_445 : i32 to vector<16xi32>
        %parallel_loop3A_447 = arith.addi %parallel_loop3A_444, %parallel_loop3A_446 : vector<16xi32>
        %parallel_loop3A_448 = arith.constant 0 : i32
        %parallel_loop3A_449 = vector.broadcast %parallel_loop3A_448 : i32 to vector<16xi32>
        %parallel_loop3A_450 = arith.addi %parallel_loop3A_447, %parallel_loop3A_449 : vector<16xi32>
        %parallel_loop3A_451 = tpu.vector_load_idx %arg5[%parallel_loop3A_450] : memref<107824xf32, #tpu.memory_space<vmem>>[vector<16xi32>], vector<16xf32>,
        %parallel_loop3A_452 = arith.constant 1 : i32
        %parallel_loop3A_453 = vector.broadcast %parallel_loop3A_452 : i32 to vector<16xi32>
        %parallel_loop3A_454 = arith.addi %parallel_loop3A_447, %parallel_loop3A_453 : vector<16xi32>
        %parallel_loop3A_455 = tpu.vector_load_idx %arg5[%parallel_loop3A_454] : memref<107824xf32, #tpu.memory_space<vmem>>[vector<16xi32>], vector<16xf32>,
        %parallel_loop3A_456 = arith.subf %parallel_loop3A_455, %parallel_loop3A_451 : vector<16xf32>
        %parallel_loop3A_457 = arith.mulf %parallel_loop3A_456, %parallel_loop3A_412 : vector<16xf32>
        %parallel_loop3A_458 = arith.addf %parallel_loop3A_451, %parallel_loop3A_457 : vector<16xf32>
        %parallel_loop3A_459 = arith.constant 33 : i32
        %parallel_loop3A_460 = vector.broadcast %parallel_loop3A_459 : i32 to vector<16xi32>
        %parallel_loop3A_461 = arith.addi %parallel_loop3A_447, %parallel_loop3A_460 : vector<16xi32>
        %parallel_loop3A_462 = tpu.vector_load_idx %arg5[%parallel_loop3A_461] : memref<107824xf32, #tpu.memory_space<vmem>>[vector<16xi32>], vector<16xf32>,
        %parallel_loop3A_463 = arith.constant 34 : i32
        %parallel_loop3A_464 = vector.broadcast %parallel_loop3A_463 : i32 to vector<16xi32>
        %parallel_loop3A_465 = arith.addi %parallel_loop3A_447, %parallel_loop3A_464 : vector<16xi32>
        %parallel_loop3A_466 = tpu.vector_load_idx %arg5[%parallel_loop3A_465] : memref<107824xf32, #tpu.memory_space<vmem>>[vector<16xi32>], vector<16xf32>,
        %parallel_loop3A_467 = arith.subf %parallel_loop3A_466, %parallel_loop3A_462 : vector<16xf32>
        %parallel_loop3A_468 = arith.mulf %parallel_loop3A_467, %parallel_loop3A_412 : vector<16xf32>
        %parallel_loop3A_469 = arith.addf %parallel_loop3A_462, %parallel_loop3A_468 : vector<16xf32>
        %parallel_loop3A_470 = arith.constant 1089 : i32
        %parallel_loop3A_471 = vector.broadcast %parallel_loop3A_470 : i32 to vector<16xi32>
        %parallel_loop3A_472 = arith.addi %parallel_loop3A_447, %parallel_loop3A_471 : vector<16xi32>
        %parallel_loop3A_473 = tpu.vector_load_idx %arg5[%parallel_loop3A_472] : memref<107824xf32, #tpu.memory_space<vmem>>[vector<16xi32>], vector<16xf32>,
        %parallel_loop3A_474 = arith.constant 1090 : i32
        %parallel_loop3A_475 = vector.broadcast %parallel_loop3A_474 : i32 to vector<16xi32>
        %parallel_loop3A_476 = arith.addi %parallel_loop3A_447, %parallel_loop3A_475 : vector<16xi32>
        %parallel_loop3A_477 = tpu.vector_load_idx %arg5[%parallel_loop3A_476] : memref<107824xf32, #tpu.memory_space<vmem>>[vector<16xi32>], vector<16xf32>,
        %parallel_loop3A_478 = arith.subf %parallel_loop3A_477, %parallel_loop3A_473 : vector<16xf32>
        %parallel_loop3A_479 = arith.mulf %parallel_loop3A_478, %parallel_loop3A_412 : vector<16xf32>
        %parallel_loop3A_480 = arith.addf %parallel_loop3A_473, %parallel_loop3A_479 : vector<16xf32>
        %parallel_loop3A_481 = arith.constant 1122 : i32
        %parallel_loop3A_482 = vector.broadcast %parallel_loop3A_481 : i32 to vector<16xi32>
        %parallel_loop3A_483 = arith.addi %parallel_loop3A_447, %parallel_loop3A_482 : vector<16xi32>
        %parallel_loop3A_484 = tpu.vector_load_idx %arg5[%parallel_loop3A_483] : memref<107824xf32, #tpu.memory_space<vmem>>[vector<16xi32>], vector<16xf32>,
        %parallel_loop3A_485 = arith.constant 1123 : i32
        %parallel_loop3A_486 = vector.broadcast %parallel_loop3A_485 : i32 to vector<16xi32>
        %parallel_loop3A_487 = arith.addi %parallel_loop3A_447, %parallel_loop3A_486 : vector<16xi32>
        %parallel_loop3A_488 = tpu.vector_load_idx %arg5[%parallel_loop3A_487] : memref<107824xf32, #tpu.memory_space<vmem>>[vector<16xi32>], vector<16xf32>,
        %parallel_loop3A_489 = arith.subf %parallel_loop3A_488, %parallel_loop3A_484 : vector<16xf32>
        %parallel_loop3A_490 = arith.mulf %parallel_loop3A_489, %parallel_loop3A_412 : vector<16xf32>
        %parallel_loop3A_491 = arith.addf %parallel_loop3A_484, %parallel_loop3A_490 : vector<16xf32>
        %parallel_loop3A_492 = arith.subf %parallel_loop3A_469, %parallel_loop3A_458 : vector<16xf32>
        %parallel_loop3A_493 = arith.mulf %parallel_loop3A_492, %parallel_loop3A_424 : vector<16xf32>
        %parallel_loop3A_494 = arith.addf %parallel_loop3A_458, %parallel_loop3A_493 : vector<16xf32>
        %parallel_loop3A_495 = arith.subf %parallel_loop3A_491, %parallel_loop3A_480 : vector<16xf32>
        %parallel_loop3A_496 = arith.mulf %parallel_loop3A_495, %parallel_loop3A_424 : vector<16xf32>
        %parallel_loop3A_497 = arith.addf %parallel_loop3A_480, %parallel_loop3A_496 : vector<16xf32>
        %parallel_loop3A_498 = arith.subf %parallel_loop3A_497, %parallel_loop3A_494 : vector<16xf32>
        %parallel_loop3A_499 = arith.mulf %parallel_loop3A_498, %parallel_loop3A_436 : vector<16xf32>
        %parallel_loop3A_500 = arith.addf %parallel_loop3A_494, %parallel_loop3A_499 : vector<16xf32>
        %parallel_loop3A_501 = arith.constant 0 : i32
        %parallel_loop3A_502 = arith.addi %parallel_loop3A_501, %parallel_loop3A_390 : i32
        %parallel_loop3A_503 = arith.index_cast %parallel_loop3A_502 : i32 to index
        %parallel_loop3A_504 = tpu.vector_load %arg9[%parallel_loop3A_503] {strides = array<i32>} : memref<1536xf32, #tpu.memory_space<vmem>>, vector<16xf32>,
        tpu.vector_store %arg9[%parallel_loop3A_503], %parallel_loop3A_500 {strides = array<i32>} : memref<1536xf32, #tpu.memory_space<vmem>>, vector<16xf32>,
        %parallel_loop3A_505 = arith.constant 35937 : i32
        %parallel_loop3A_506 = vector.broadcast %parallel_loop3A_505 : i32 to vector<16xi32>
        %parallel_loop3A_507 = arith.addi %parallel_loop3A_444, %parallel_loop3A_506 : vector<16xi32>
        %parallel_loop3A_508 = arith.constant 0 : i32
        %parallel_loop3A_509 = vector.broadcast %parallel_loop3A_508 : i32 to vector<16xi32>
        %parallel_loop3A_510 = arith.addi %parallel_loop3A_507, %parallel_loop3A_509 : vector<16xi32>
        %parallel_loop3A_511 = tpu.vector_load_idx %arg5[%parallel_loop3A_510] : memref<107824xf32, #tpu.memory_space<vmem>>[vector<16xi32>], vector<16xf32>,
        %parallel_loop3A_512 = arith.constant 1 : i32
        %parallel_loop3A_513 = vector.broadcast %parallel_loop3A_512 : i32 to vector<16xi32>
        %parallel_loop3A_514 = arith.addi %parallel_loop3A_507, %parallel_loop3A_513 : vector<16xi32>
        %parallel_loop3A_515 = tpu.vector_load_idx %arg5[%parallel_loop3A_514] : memref<107824xf32, #tpu.memory_space<vmem>>[vector<16xi32>], vector<16xf32>,
        %parallel_loop3A_516 = arith.subf %parallel_loop3A_515, %parallel_loop3A_511 : vector<16xf32>
        %parallel_loop3A_517 = arith.mulf %parallel_loop3A_516, %parallel_loop3A_412 : vector<16xf32>
        %parallel_loop3A_518 = arith.addf %parallel_loop3A_511, %parallel_loop3A_517 : vector<16xf32>
        %parallel_loop3A_519 = arith.constant 33 : i32
        %parallel_loop3A_520 = vector.broadcast %parallel_loop3A_519 : i32 to vector<16xi32>
        %parallel_loop3A_521 = arith.addi %parallel_loop3A_507, %parallel_loop3A_520 : vector<16xi32>
        %parallel_loop3A_522 = tpu.vector_load_idx %arg5[%parallel_loop3A_521] : memref<107824xf32, #tpu.memory_space<vmem>>[vector<16xi32>], vector<16xf32>,
        %parallel_loop3A_523 = arith.constant 34 : i32
        %parallel_loop3A_524 = vector.broadcast %parallel_loop3A_523 : i32 to vector<16xi32>
        %parallel_loop3A_525 = arith.addi %parallel_loop3A_507, %parallel_loop3A_524 : vector<16xi32>
        %parallel_loop3A_526 = tpu.vector_load_idx %arg5[%parallel_loop3A_525] : memref<107824xf32, #tpu.memory_space<vmem>>[vector<16xi32>], vector<16xf32>,
        %parallel_loop3A_527 = arith.subf %parallel_loop3A_526, %parallel_loop3A_522 : vector<16xf32>
        %parallel_loop3A_528 = arith.mulf %parallel_loop3A_527, %parallel_loop3A_412 : vector<16xf32>
        %parallel_loop3A_529 = arith.addf %parallel_loop3A_522, %parallel_loop3A_528 : vector<16xf32>
        %parallel_loop3A_530 = arith.constant 1089 : i32
        %parallel_loop3A_531 = vector.broadcast %parallel_loop3A_530 : i32 to vector<16xi32>
        %parallel_loop3A_532 = arith.addi %parallel_loop3A_507, %parallel_loop3A_531 : vector<16xi32>
        %parallel_loop3A_533 = tpu.vector_load_idx %arg5[%parallel_loop3A_532] : memref<107824xf32, #tpu.memory_space<vmem>>[vector<16xi32>], vector<16xf32>,
        %parallel_loop3A_534 = arith.constant 1090 : i32
        %parallel_loop3A_535 = vector.broadcast %parallel_loop3A_534 : i32 to vector<16xi32>
        %parallel_loop3A_536 = arith.addi %parallel_loop3A_507, %parallel_loop3A_535 : vector<16xi32>
        %parallel_loop3A_537 = tpu.vector_load_idx %arg5[%parallel_loop3A_536] : memref<107824xf32, #tpu.memory_space<vmem>>[vector<16xi32>], vector<16xf32>,
        %parallel_loop3A_538 = arith.subf %parallel_loop3A_537, %parallel_loop3A_533 : vector<16xf32>
        %parallel_loop3A_539 = arith.mulf %parallel_loop3A_538, %parallel_loop3A_412 : vector<16xf32>
        %parallel_loop3A_540 = arith.addf %parallel_loop3A_533, %parallel_loop3A_539 : vector<16xf32>
        %parallel_loop3A_541 = arith.constant 1122 : i32
        %parallel_loop3A_542 = vector.broadcast %parallel_loop3A_541 : i32 to vector<16xi32>
        %parallel_loop3A_543 = arith.addi %parallel_loop3A_507, %parallel_loop3A_542 : vector<16xi32>
        %parallel_loop3A_544 = tpu.vector_load_idx %arg5[%parallel_loop3A_543] : memref<107824xf32, #tpu.memory_space<vmem>>[vector<16xi32>], vector<16xf32>,
        %parallel_loop3A_545 = arith.constant 1123 : i32
        %parallel_loop3A_546 = vector.broadcast %parallel_loop3A_545 : i32 to vector<16xi32>
        %parallel_loop3A_547 = arith.addi %parallel_loop3A_507, %parallel_loop3A_546 : vector<16xi32>
        %parallel_loop3A_548 = tpu.vector_load_idx %arg5[%parallel_loop3A_547] : memref<107824xf32, #tpu.memory_space<vmem>>[vector<16xi32>], vector<16xf32>,
        %parallel_loop3A_549 = arith.subf %parallel_loop3A_548, %parallel_loop3A_544 : vector<16xf32>
        %parallel_loop3A_550 = arith.mulf %parallel_loop3A_549, %parallel_loop3A_412 : vector<16xf32>
        %parallel_loop3A_551 = arith.addf %parallel_loop3A_544, %parallel_loop3A_550 : vector<16xf32>
        %parallel_loop3A_552 = arith.subf %parallel_loop3A_529, %parallel_loop3A_518 : vector<16xf32>
        %parallel_loop3A_553 = arith.mulf %parallel_loop3A_552, %parallel_loop3A_424 : vector<16xf32>
        %parallel_loop3A_554 = arith.addf %parallel_loop3A_518, %parallel_loop3A_553 : vector<16xf32>
        %parallel_loop3A_555 = arith.subf %parallel_loop3A_551, %parallel_loop3A_540 : vector<16xf32>
        %parallel_loop3A_556 = arith.mulf %parallel_loop3A_555, %parallel_loop3A_424 : vector<16xf32>
        %parallel_loop3A_557 = arith.addf %parallel_loop3A_540, %parallel_loop3A_556 : vector<16xf32>
        %parallel_loop3A_558 = arith.subf %parallel_loop3A_557, %parallel_loop3A_554 : vector<16xf32>
        %parallel_loop3A_559 = arith.mulf %parallel_loop3A_558, %parallel_loop3A_436 : vector<16xf32>
        %parallel_loop3A_560 = arith.addf %parallel_loop3A_554, %parallel_loop3A_559 : vector<16xf32>
        %parallel_loop3A_561 = arith.constant 512 : i32
        %parallel_loop3A_562 = arith.addi %parallel_loop3A_561, %parallel_loop3A_390 : i32
        %parallel_loop3A_563 = arith.index_cast %parallel_loop3A_562 : i32 to index
        %parallel_loop3A_564 = tpu.vector_load %arg9[%parallel_loop3A_563] {strides = array<i32>} : memref<1536xf32, #tpu.memory_space<vmem>>, vector<16xf32>,
        tpu.vector_store %arg9[%parallel_loop3A_563], %parallel_loop3A_560 {strides = array<i32>} : memref<1536xf32, #tpu.memory_space<vmem>>, vector<16xf32>,
        %parallel_loop3A_565 = arith.constant 71874 : i32
        %parallel_loop3A_566 = vector.broadcast %parallel_loop3A_565 : i32 to vector<16xi32>
        %parallel_loop3A_567 = arith.addi %parallel_loop3A_444, %parallel_loop3A_566 : vector<16xi32>
        %parallel_loop3A_568 = arith.constant 0 : i32
        %parallel_loop3A_569 = vector.broadcast %parallel_loop3A_568 : i32 to vector<16xi32>
        %parallel_loop3A_570 = arith.addi %parallel_loop3A_567, %parallel_loop3A_569 : vector<16xi32>
        %parallel_loop3A_571 = tpu.vector_load_idx %arg5[%parallel_loop3A_570] : memref<107824xf32, #tpu.memory_space<vmem>>[vector<16xi32>], vector<16xf32>,
        %parallel_loop3A_572 = arith.constant 1 : i32
        %parallel_loop3A_573 = vector.broadcast %parallel_loop3A_572 : i32 to vector<16xi32>
        %parallel_loop3A_574 = arith.addi %parallel_loop3A_567, %parallel_loop3A_573 : vector<16xi32>
        %parallel_loop3A_575 = tpu.vector_load_idx %arg5[%parallel_loop3A_574] : memref<107824xf32, #tpu.memory_space<vmem>>[vector<16xi32>], vector<16xf32>,
        %parallel_loop3A_576 = arith.subf %parallel_loop3A_575, %parallel_loop3A_571 : vector<16xf32>
        %parallel_loop3A_577 = arith.mulf %parallel_loop3A_576, %parallel_loop3A_412 : vector<16xf32>
        %parallel_loop3A_578 = arith.addf %parallel_loop3A_571, %parallel_loop3A_577 : vector<16xf32>
        %parallel_loop3A_579 = arith.constant 33 : i32
        %parallel_loop3A_580 = vector.broadcast %parallel_loop3A_579 : i32 to vector<16xi32>
        %parallel_loop3A_581 = arith.addi %parallel_loop3A_567, %parallel_loop3A_580 : vector<16xi32>
        %parallel_loop3A_582 = tpu.vector_load_idx %arg5[%parallel_loop3A_581] : memref<107824xf32, #tpu.memory_space<vmem>>[vector<16xi32>], vector<16xf32>,
        %parallel_loop3A_583 = arith.constant 34 : i32
        %parallel_loop3A_584 = vector.broadcast %parallel_loop3A_583 : i32 to vector<16xi32>
        %parallel_loop3A_585 = arith.addi %parallel_loop3A_567, %parallel_loop3A_584 : vector<16xi32>
        %parallel_loop3A_586 = tpu.vector_load_idx %arg5[%parallel_loop3A_585] : memref<107824xf32, #tpu.memory_space<vmem>>[vector<16xi32>], vector<16xf32>,
        %parallel_loop3A_587 = arith.subf %parallel_loop3A_586, %parallel_loop3A_582 : vector<16xf32>
        %parallel_loop3A_588 = arith.mulf %parallel_loop3A_587, %parallel_loop3A_412 : vector<16xf32>
        %parallel_loop3A_589 = arith.addf %parallel_loop3A_582, %parallel_loop3A_588 : vector<16xf32>
        %parallel_loop3A_590 = arith.constant 1089 : i32
        %parallel_loop3A_591 = vector.broadcast %parallel_loop3A_590 : i32 to vector<16xi32>
        %parallel_loop3A_592 = arith.addi %parallel_loop3A_567, %parallel_loop3A_591 : vector<16xi32>
        %parallel_loop3A_593 = tpu.vector_load_idx %arg5[%parallel_loop3A_592] : memref<107824xf32, #tpu.memory_space<vmem>>[vector<16xi32>], vector<16xf32>,
        %parallel_loop3A_594 = arith.constant 1090 : i32
        %parallel_loop3A_595 = vector.broadcast %parallel_loop3A_594 : i32 to vector<16xi32>
        %parallel_loop3A_596 = arith.addi %parallel_loop3A_567, %parallel_loop3A_595 : vector<16xi32>
        %parallel_loop3A_597 = tpu.vector_load_idx %arg5[%parallel_loop3A_596] : memref<107824xf32, #tpu.memory_space<vmem>>[vector<16xi32>], vector<16xf32>,
        %parallel_loop3A_598 = arith.subf %parallel_loop3A_597, %parallel_loop3A_593 : vector<16xf32>
        %parallel_loop3A_599 = arith.mulf %parallel_loop3A_598, %parallel_loop3A_412 : vector<16xf32>
        %parallel_loop3A_600 = arith.addf %parallel_loop3A_593, %parallel_loop3A_599 : vector<16xf32>
        %parallel_loop3A_601 = arith.constant 1122 : i32
        %parallel_loop3A_602 = vector.broadcast %parallel_loop3A_601 : i32 to vector<16xi32>
        %parallel_loop3A_603 = arith.addi %parallel_loop3A_567, %parallel_loop3A_602 : vector<16xi32>
        %parallel_loop3A_604 = tpu.vector_load_idx %arg5[%parallel_loop3A_603] : memref<107824xf32, #tpu.memory_space<vmem>>[vector<16xi32>], vector<16xf32>,
        %parallel_loop3A_605 = arith.constant 1123 : i32
        %parallel_loop3A_606 = vector.broadcast %parallel_loop3A_605 : i32 to vector<16xi32>
        %parallel_loop3A_607 = arith.addi %parallel_loop3A_567, %parallel_loop3A_606 : vector<16xi32>
        %parallel_loop3A_608 = tpu.vector_load_idx %arg5[%parallel_loop3A_607] : memref<107824xf32, #tpu.memory_space<vmem>>[vector<16xi32>], vector<16xf32>,
        %parallel_loop3A_609 = arith.subf %parallel_loop3A_608, %parallel_loop3A_604 : vector<16xf32>
        %parallel_loop3A_610 = arith.mulf %parallel_loop3A_609, %parallel_loop3A_412 : vector<16xf32>
        %parallel_loop3A_611 = arith.addf %parallel_loop3A_604, %parallel_loop3A_610 : vector<16xf32>
        %parallel_loop3A_612 = arith.subf %parallel_loop3A_589, %parallel_loop3A_578 : vector<16xf32>
        %parallel_loop3A_613 = arith.mulf %parallel_loop3A_612, %parallel_loop3A_424 : vector<16xf32>
        %parallel_loop3A_614 = arith.addf %parallel_loop3A_578, %parallel_loop3A_613 : vector<16xf32>
        %parallel_loop3A_615 = arith.subf %parallel_loop3A_611, %parallel_loop3A_600 : vector<16xf32>
        %parallel_loop3A_616 = arith.mulf %parallel_loop3A_615, %parallel_loop3A_424 : vector<16xf32>
        %parallel_loop3A_617 = arith.addf %parallel_loop3A_600, %parallel_loop3A_616 : vector<16xf32>
        %parallel_loop3A_618 = arith.subf %parallel_loop3A_617, %parallel_loop3A_614 : vector<16xf32>
        %parallel_loop3A_619 = arith.mulf %parallel_loop3A_618, %parallel_loop3A_436 : vector<16xf32>
        %parallel_loop3A_620 = arith.addf %parallel_loop3A_614, %parallel_loop3A_619 : vector<16xf32>
        %parallel_loop3A_621 = arith.constant 1024 : i32
        %parallel_loop3A_622 = arith.addi %parallel_loop3A_621, %parallel_loop3A_390 : i32
        %parallel_loop3A_623 = arith.index_cast %parallel_loop3A_622 : i32 to index
        %parallel_loop3A_624 = tpu.vector_load %arg9[%parallel_loop3A_623] {strides = array<i32>} : memref<1536xf32, #tpu.memory_space<vmem>>, vector<16xf32>,
        tpu.vector_store %arg9[%parallel_loop3A_623], %parallel_loop3A_620 {strides = array<i32>} : memref<1536xf32, #tpu.memory_space<vmem>>, vector<16xf32>,
      } {sc.loop_unroll_factor = 2 : i64, sc.parallel_access}
      %add3A_339 = arith.constant 1 : i32
      %add3A_340 = arith.addi %add3A_199, %add3A_339 : i32
      %mul3A_341 = arith.constant 512 : i32
      %mul3A_342 = arith.muli %add3A_340, %mul3A_341 : i32
      %add3A_343 = arith.addi %mul3A_32, %mul3A_342 : i32
      %mul3A_344 = arith.constant 3 : i32
      %mul3A_345 = arith.muli %select_n3A, %mul3A_344 : i32
      %add3A_346 = arith.constant 0 : i32
      %add3A_347 = arith.addi %mul3A_345, %add3A_346 : i32
      %mul3A_348 = arith.constant 262144 : i32
      %mul3A_349 = arith.muli %add3A_347, %mul3A_348 : i32
      %add3A_350 = arith.addi %mul3A_349, %add3A_343 : i32
      %dma_start3A_351 = arith.constant 0 : i32
      %dma_start3A_352 = tpu.memref_slice %arg9[%dma_start3A_351] : memref<1536xf32, #tpu.memory_space<vmem>> -> memref<512xf32, #tpu.memory_space<vmem>>
      %dma_start3A_353 = tpu.memref_slice %arg4[%add3A_350] : memref<6291456xf32, #tpu.memory_space<hbm>> -> memref<512xf32, #tpu.memory_space<hbm>>
      %dma_start3A_354 = tpu.memref_slice %arg4[%add3A_350] : memref<6291456xf32, #tpu.memory_space<hbm>> -> memref<512xf32, #tpu.memory_space<hbm>>
      %dma_start3A_355 = arith.constant 0 : i32
      %dma_start3A_356 = tpu.memref_slice %arg9[%dma_start3A_355] : memref<1536xf32, #tpu.memory_space<vmem>> -> memref<512xf32, #tpu.memory_space<vmem>>
      tpu.enqueue_dma source(%dma_start3A_356 : memref<512xf32, #tpu.memory_space<vmem>>) target(%dma_start3A_354 : memref<512xf32, #tpu.memory_space<hbm>>) target_semaphore(%arg14 : memref<!tpu.dma_semaphore, #tpu.memory_space<semaphore_mem>>)
      %mul3A_357 = arith.constant 3 : i32
      %mul3A_358 = arith.muli %select_n3A, %mul3A_357 : i32
      %add3A_359 = arith.constant 1 : i32
      %add3A_360 = arith.addi %mul3A_358, %add3A_359 : i32
      %mul3A_361 = arith.constant 262144 : i32
      %mul3A_362 = arith.muli %add3A_360, %mul3A_361 : i32
      %add3A_363 = arith.addi %mul3A_362, %add3A_343 : i32
      %dma_start3A_364 = arith.constant 512 : i32
      %dma_start3A_365 = tpu.memref_slice %arg9[%dma_start3A_364] : memref<1536xf32, #tpu.memory_space<vmem>> -> memref<512xf32, #tpu.memory_space<vmem>>
      %dma_start3A_366 = tpu.memref_slice %arg4[%add3A_363] : memref<6291456xf32, #tpu.memory_space<hbm>> -> memref<512xf32, #tpu.memory_space<hbm>>
      %dma_start3A_367 = tpu.memref_slice %arg4[%add3A_363] : memref<6291456xf32, #tpu.memory_space<hbm>> -> memref<512xf32, #tpu.memory_space<hbm>>
      %dma_start3A_368 = arith.constant 512 : i32
      %dma_start3A_369 = tpu.memref_slice %arg9[%dma_start3A_368] : memref<1536xf32, #tpu.memory_space<vmem>> -> memref<512xf32, #tpu.memory_space<vmem>>
      tpu.enqueue_dma source(%dma_start3A_369 : memref<512xf32, #tpu.memory_space<vmem>>) target(%dma_start3A_367 : memref<512xf32, #tpu.memory_space<hbm>>) target_semaphore(%arg14 : memref<!tpu.dma_semaphore, #tpu.memory_space<semaphore_mem>>)
      %mul3A_370 = arith.constant 3 : i32
      %mul3A_371 = arith.muli %select_n3A, %mul3A_370 : i32
      %add3A_372 = arith.constant 2 : i32
      %add3A_373 = arith.addi %mul3A_371, %add3A_372 : i32
      %mul3A_374 = arith.constant 262144 : i32
      %mul3A_375 = arith.muli %add3A_373, %mul3A_374 : i32
      %add3A_376 = arith.addi %mul3A_375, %add3A_343 : i32
      %dma_start3A_377 = arith.constant 1024 : i32
      %dma_start3A_378 = tpu.memref_slice %arg9[%dma_start3A_377] : memref<1536xf32, #tpu.memory_space<vmem>> -> memref<512xf32, #tpu.memory_space<vmem>>
      %dma_start3A_379 = tpu.memref_slice %arg4[%add3A_376] : memref<6291456xf32, #tpu.memory_space<hbm>> -> memref<512xf32, #tpu.memory_space<hbm>>
      %dma_start3A_380 = tpu.memref_slice %arg4[%add3A_376] : memref<6291456xf32, #tpu.memory_space<hbm>> -> memref<512xf32, #tpu.memory_space<hbm>>
      %dma_start3A_381 = arith.constant 1024 : i32
      %dma_start3A_382 = tpu.memref_slice %arg9[%dma_start3A_381] : memref<1536xf32, #tpu.memory_space<vmem>> -> memref<512xf32, #tpu.memory_space<vmem>>
      tpu.enqueue_dma source(%dma_start3A_382 : memref<512xf32, #tpu.memory_space<vmem>>) target(%dma_start3A_380 : memref<512xf32, #tpu.memory_space<hbm>>) target_semaphore(%arg14 : memref<!tpu.dma_semaphore, #tpu.memory_space<semaphore_mem>>)
      %add3A_383 = arith.constant 3 : i32
      %add3A_384 = arith.addi %add3A_199, %add3A_383 : i32
      %lt3A_385 = arith.constant 128 : i32
      %lt3A_386 = arith.cmpi slt, %add3A_384, %lt3A_385 : i32
      %convert_element_type3A_387 = arith.extui %lt3A_386 : i1 to i32
      %cond3A_388 = arith.constant 0 : i32
      %cond3A_389 = arith.cmpi ne, %convert_element_type3A_387, %cond3A_388 : i32
      scf.if %cond3A_389 {
        %add3A_390 = arith.constant 3 : i32
        %add3A_391 = arith.addi %add3A_199, %add3A_390 : i32
        %mul3A_392 = arith.constant 512 : i32
        %mul3A_393 = arith.muli %add3A_391, %mul3A_392 : i32
        %add3A_394 = arith.addi %mul3A_32, %mul3A_393 : i32
        %mul3A_395 = arith.constant 3 : i32
        %mul3A_396 = arith.muli %select_n3A, %mul3A_395 : i32
        %add3A_397 = arith.constant 0 : i32
        %add3A_398 = arith.addi %mul3A_396, %add3A_397 : i32
        %mul3A_399 = arith.constant 262144 : i32
        %mul3A_400 = arith.muli %add3A_398, %mul3A_399 : i32
        %add3A_401 = arith.addi %mul3A_400, %add3A_394 : i32
        %dma_start3A_402 = arith.constant 0 : i32
        %dma_start3A_403 = tpu.memref_slice %arg7[%dma_start3A_402] : memref<1536xf32, #tpu.memory_space<vmem>> -> memref<512xf32, #tpu.memory_space<vmem>>
        %dma_start3A_404 = tpu.memref_slice %arg2[%add3A_401] : memref<6291456xf32, #tpu.memory_space<hbm>> -> memref<512xf32, #tpu.memory_space<hbm>>
        %dma_start3A_405 = arith.constant 0 : i32
        %dma_start3A_406 = tpu.memref_slice %arg7[%dma_start3A_405] : memref<1536xf32, #tpu.memory_space<vmem>> -> memref<512xf32, #tpu.memory_space<vmem>>
        %dma_start3A_407 = tpu.memref_slice %arg2[%add3A_401] : memref<6291456xf32, #tpu.memory_space<hbm>> -> memref<512xf32, #tpu.memory_space<hbm>>
        tpu.enqueue_dma source(%dma_start3A_407 : memref<512xf32, #tpu.memory_space<hbm>>) target(%dma_start3A_406 : memref<512xf32, #tpu.memory_space<vmem>>) target_semaphore(%arg12 : memref<!tpu.dma_semaphore, #tpu.memory_space<semaphore_mem>>)
        %mul3A_408 = arith.constant 3 : i32
        %mul3A_409 = arith.muli %select_n3A, %mul3A_408 : i32
        %add3A_410 = arith.constant 1 : i32
        %add3A_411 = arith.addi %mul3A_409, %add3A_410 : i32
        %mul3A_412 = arith.constant 262144 : i32
        %mul3A_413 = arith.muli %add3A_411, %mul3A_412 : i32
        %add3A_414 = arith.addi %mul3A_413, %add3A_394 : i32
        %dma_start3A_415 = arith.constant 512 : i32
        %dma_start3A_416 = tpu.memref_slice %arg7[%dma_start3A_415] : memref<1536xf32, #tpu.memory_space<vmem>> -> memref<512xf32, #tpu.memory_space<vmem>>
        %dma_start3A_417 = tpu.memref_slice %arg2[%add3A_414] : memref<6291456xf32, #tpu.memory_space<hbm>> -> memref<512xf32, #tpu.memory_space<hbm>>
        %dma_start3A_418 = arith.constant 512 : i32
        %dma_start3A_419 = tpu.memref_slice %arg7[%dma_start3A_418] : memref<1536xf32, #tpu.memory_space<vmem>> -> memref<512xf32, #tpu.memory_space<vmem>>
        %dma_start3A_420 = tpu.memref_slice %arg2[%add3A_414] : memref<6291456xf32, #tpu.memory_space<hbm>> -> memref<512xf32, #tpu.memory_space<hbm>>
        tpu.enqueue_dma source(%dma_start3A_420 : memref<512xf32, #tpu.memory_space<hbm>>) target(%dma_start3A_419 : memref<512xf32, #tpu.memory_space<vmem>>) target_semaphore(%arg12 : memref<!tpu.dma_semaphore, #tpu.memory_space<semaphore_mem>>)
        %mul3A_421 = arith.constant 3 : i32
        %mul3A_422 = arith.muli %select_n3A, %mul3A_421 : i32
        %add3A_423 = arith.constant 2 : i32
        %add3A_424 = arith.addi %mul3A_422, %add3A_423 : i32
        %mul3A_425 = arith.constant 262144 : i32
        %mul3A_426 = arith.muli %add3A_424, %mul3A_425 : i32
        %add3A_427 = arith.addi %mul3A_426, %add3A_394 : i32
        %dma_start3A_428 = arith.constant 1024 : i32
        %dma_start3A_429 = tpu.memref_slice %arg7[%dma_start3A_428] : memref<1536xf32, #tpu.memory_space<vmem>> -> memref<512xf32, #tpu.memory_space<vmem>>
        %dma_start3A_430 = tpu.memref_slice %arg2[%add3A_427] : memref<6291456xf32, #tpu.memory_space<hbm>> -> memref<512xf32, #tpu.memory_space<hbm>>
        %dma_start3A_431 = arith.constant 1024 : i32
        %dma_start3A_432 = tpu.memref_slice %arg7[%dma_start3A_431] : memref<1536xf32, #tpu.memory_space<vmem>> -> memref<512xf32, #tpu.memory_space<vmem>>
        %dma_start3A_433 = tpu.memref_slice %arg2[%add3A_427] : memref<6291456xf32, #tpu.memory_space<hbm>> -> memref<512xf32, #tpu.memory_space<hbm>>
        tpu.enqueue_dma source(%dma_start3A_433 : memref<512xf32, #tpu.memory_space<hbm>>) target(%dma_start3A_432 : memref<512xf32, #tpu.memory_space<vmem>>) target_semaphore(%arg12 : memref<!tpu.dma_semaphore, #tpu.memory_space<semaphore_mem>>)
      } else {
      }
    }
    %scan3A_117 = arith.constant 64 : i32
    %mul3A_118 = arith.constant 3 : i32
    %mul3A_119 = arith.muli %select_n3A, %mul3A_118 : i32
    %add3A_120 = arith.constant 0 : i32
    %add3A_121 = arith.addi %mul3A_119, %add3A_120 : i32
    %mul3A_122 = arith.constant 262144 : i32
    %mul3A_123 = arith.muli %add3A_121, %mul3A_122 : i32
    %add3A_124 = arith.addi %mul3A_123, %mul3A_32 : i32
    %dma_wait3A = arith.constant 0 : i32
    %dma_wait3A_125 = tpu.memref_slice %arg8[%dma_wait3A] : memref<1536xf32, #tpu.memory_space<vmem>> -> memref<512xf32, #tpu.memory_space<vmem>>
    %dma_wait3A_126 = tpu.memref_slice %arg4[%add3A_124] : memref<6291456xf32, #tpu.memory_space<hbm>> -> memref<512xf32, #tpu.memory_space<hbm>>
    %dma_wait3A_127 = tpu.memref_slice %arg4[%add3A_124] : memref<6291456xf32, #tpu.memory_space<hbm>> -> memref<512xf32, #tpu.memory_space<hbm>>
    %dma_wait3A_128 = arith.constant 0 : i32
    %dma_wait3A_129 = tpu.memref_slice %arg8[%dma_wait3A_128] : memref<1536xf32, #tpu.memory_space<vmem>> -> memref<512xf32, #tpu.memory_space<vmem>>
    tpu.wait_dma2 semaphore(%arg13 : memref<!tpu.dma_semaphore, #tpu.memory_space<semaphore_mem>>) src(%dma_wait3A_129 : memref<512xf32, #tpu.memory_space<vmem>>) dst(%dma_wait3A_127 : memref<512xf32, #tpu.memory_space<hbm>>)
    %mul3A_130 = arith.constant 3 : i32
    %mul3A_131 = arith.muli %select_n3A, %mul3A_130 : i32
    %add3A_132 = arith.constant 1 : i32
    %add3A_133 = arith.addi %mul3A_131, %add3A_132 : i32
    %mul3A_134 = arith.constant 262144 : i32
    %mul3A_135 = arith.muli %add3A_133, %mul3A_134 : i32
    %add3A_136 = arith.addi %mul3A_135, %mul3A_32 : i32
    %dma_wait3A_137 = arith.constant 512 : i32
    %dma_wait3A_138 = tpu.memref_slice %arg8[%dma_wait3A_137] : memref<1536xf32, #tpu.memory_space<vmem>> -> memref<512xf32, #tpu.memory_space<vmem>>
    %dma_wait3A_139 = tpu.memref_slice %arg4[%add3A_136] : memref<6291456xf32, #tpu.memory_space<hbm>> -> memref<512xf32, #tpu.memory_space<hbm>>
    %dma_wait3A_140 = tpu.memref_slice %arg4[%add3A_136] : memref<6291456xf32, #tpu.memory_space<hbm>> -> memref<512xf32, #tpu.memory_space<hbm>>
    %dma_wait3A_141 = arith.constant 512 : i32
    %dma_wait3A_142 = tpu.memref_slice %arg8[%dma_wait3A_141] : memref<1536xf32, #tpu.memory_space<vmem>> -> memref<512xf32, #tpu.memory_space<vmem>>
    tpu.wait_dma2 semaphore(%arg13 : memref<!tpu.dma_semaphore, #tpu.memory_space<semaphore_mem>>) src(%dma_wait3A_142 : memref<512xf32, #tpu.memory_space<vmem>>) dst(%dma_wait3A_140 : memref<512xf32, #tpu.memory_space<hbm>>)
    %mul3A_143 = arith.constant 3 : i32
    %mul3A_144 = arith.muli %select_n3A, %mul3A_143 : i32
    %add3A_145 = arith.constant 2 : i32
    %add3A_146 = arith.addi %mul3A_144, %add3A_145 : i32
    %mul3A_147 = arith.constant 262144 : i32
    %mul3A_148 = arith.muli %add3A_146, %mul3A_147 : i32
    %add3A_149 = arith.addi %mul3A_148, %mul3A_32 : i32
    %dma_wait3A_150 = arith.constant 1024 : i32
    %dma_wait3A_151 = tpu.memref_slice %arg8[%dma_wait3A_150] : memref<1536xf32, #tpu.memory_space<vmem>> -> memref<512xf32, #tpu.memory_space<vmem>>
    %dma_wait3A_152 = tpu.memref_slice %arg4[%add3A_149] : memref<6291456xf32, #tpu.memory_space<hbm>> -> memref<512xf32, #tpu.memory_space<hbm>>
    %dma_wait3A_153 = tpu.memref_slice %arg4[%add3A_149] : memref<6291456xf32, #tpu.memory_space<hbm>> -> memref<512xf32, #tpu.memory_space<hbm>>
    %dma_wait3A_154 = arith.constant 1024 : i32
    %dma_wait3A_155 = tpu.memref_slice %arg8[%dma_wait3A_154] : memref<1536xf32, #tpu.memory_space<vmem>> -> memref<512xf32, #tpu.memory_space<vmem>>
    tpu.wait_dma2 semaphore(%arg13 : memref<!tpu.dma_semaphore, #tpu.memory_space<semaphore_mem>>) src(%dma_wait3A_155 : memref<512xf32, #tpu.memory_space<vmem>>) dst(%dma_wait3A_153 : memref<512xf32, #tpu.memory_space<hbm>>)
    %mul3A_156 = arith.constant 3 : i32
    %mul3A_157 = arith.muli %select_n3A, %mul3A_156 : i32
    %add3A_158 = arith.constant 0 : i32
    %add3A_159 = arith.addi %mul3A_157, %add3A_158 : i32
    %mul3A_160 = arith.constant 262144 : i32
    %mul3A_161 = arith.muli %add3A_159, %mul3A_160 : i32
    %add3A_162 = arith.addi %mul3A_161, %mul3A_32 : i32
    %dma_wait3A_163 = arith.constant 0 : i32
    %dma_wait3A_164 = tpu.memref_slice %arg9[%dma_wait3A_163] : memref<1536xf32, #tpu.memory_space<vmem>> -> memref<512xf32, #tpu.memory_space<vmem>>
    %dma_wait3A_165 = tpu.memref_slice %arg4[%add3A_162] : memref<6291456xf32, #tpu.memory_space<hbm>> -> memref<512xf32, #tpu.memory_space<hbm>>
    %dma_wait3A_166 = tpu.memref_slice %arg4[%add3A_162] : memref<6291456xf32, #tpu.memory_space<hbm>> -> memref<512xf32, #tpu.memory_space<hbm>>
    %dma_wait3A_167 = arith.constant 0 : i32
    %dma_wait3A_168 = tpu.memref_slice %arg9[%dma_wait3A_167] : memref<1536xf32, #tpu.memory_space<vmem>> -> memref<512xf32, #tpu.memory_space<vmem>>
    tpu.wait_dma2 semaphore(%arg14 : memref<!tpu.dma_semaphore, #tpu.memory_space<semaphore_mem>>) src(%dma_wait3A_168 : memref<512xf32, #tpu.memory_space<vmem>>) dst(%dma_wait3A_166 : memref<512xf32, #tpu.memory_space<hbm>>)
    %mul3A_169 = arith.constant 3 : i32
    %mul3A_170 = arith.muli %select_n3A, %mul3A_169 : i32
    %add3A_171 = arith.constant 1 : i32
    %add3A_172 = arith.addi %mul3A_170, %add3A_171 : i32
    %mul3A_173 = arith.constant 262144 : i32
    %mul3A_174 = arith.muli %add3A_172, %mul3A_173 : i32
    %add3A_175 = arith.addi %mul3A_174, %mul3A_32 : i32
    %dma_wait3A_176 = arith.constant 512 : i32
    %dma_wait3A_177 = tpu.memref_slice %arg9[%dma_wait3A_176] : memref<1536xf32, #tpu.memory_space<vmem>> -> memref<512xf32, #tpu.memory_space<vmem>>
    %dma_wait3A_178 = tpu.memref_slice %arg4[%add3A_175] : memref<6291456xf32, #tpu.memory_space<hbm>> -> memref<512xf32, #tpu.memory_space<hbm>>
    %dma_wait3A_179 = tpu.memref_slice %arg4[%add3A_175] : memref<6291456xf32, #tpu.memory_space<hbm>> -> memref<512xf32, #tpu.memory_space<hbm>>
    %dma_wait3A_180 = arith.constant 512 : i32
    %dma_wait3A_181 = tpu.memref_slice %arg9[%dma_wait3A_180] : memref<1536xf32, #tpu.memory_space<vmem>> -> memref<512xf32, #tpu.memory_space<vmem>>
    tpu.wait_dma2 semaphore(%arg14 : memref<!tpu.dma_semaphore, #tpu.memory_space<semaphore_mem>>) src(%dma_wait3A_181 : memref<512xf32, #tpu.memory_space<vmem>>) dst(%dma_wait3A_179 : memref<512xf32, #tpu.memory_space<hbm>>)
    %mul3A_182 = arith.constant 3 : i32
    %mul3A_183 = arith.muli %select_n3A, %mul3A_182 : i32
    %add3A_184 = arith.constant 2 : i32
    %add3A_185 = arith.addi %mul3A_183, %add3A_184 : i32
    %mul3A_186 = arith.constant 262144 : i32
    %mul3A_187 = arith.muli %add3A_185, %mul3A_186 : i32
    %add3A_188 = arith.addi %mul3A_187, %mul3A_32 : i32
    %dma_wait3A_189 = arith.constant 1024 : i32
    %dma_wait3A_190 = tpu.memref_slice %arg9[%dma_wait3A_189] : memref<1536xf32, #tpu.memory_space<vmem>> -> memref<512xf32, #tpu.memory_space<vmem>>
    %dma_wait3A_191 = tpu.memref_slice %arg4[%add3A_188] : memref<6291456xf32, #tpu.memory_space<hbm>> -> memref<512xf32, #tpu.memory_space<hbm>>
    %dma_wait3A_192 = tpu.memref_slice %arg4[%add3A_188] : memref<6291456xf32, #tpu.memory_space<hbm>> -> memref<512xf32, #tpu.memory_space<hbm>>
    %dma_wait3A_193 = arith.constant 1024 : i32
    %dma_wait3A_194 = tpu.memref_slice %arg9[%dma_wait3A_193] : memref<1536xf32, #tpu.memory_space<vmem>> -> memref<512xf32, #tpu.memory_space<vmem>>
    tpu.wait_dma2 semaphore(%arg14 : memref<!tpu.dma_semaphore, #tpu.memory_space<semaphore_mem>>) src(%dma_wait3A_194 : memref<512xf32, #tpu.memory_space<vmem>>) dst(%dma_wait3A_192 : memref<512xf32, #tpu.memory_space<hbm>>)
    return
  }
}

</mosaic_0001>

<sc_bundles>
// kernel: kernel.3.cloned.1.call-start
scs
__scs_entry_jumppad:
0x0: {  	(pc) =	sbr.rel $0x88, $3  }
0x1: {  	(tag) =	ssettag $0x0;
	lr =	simm.s32 $0x1  }
0x2: {  	[smem:$0x3F9F] =	sst lr;
	_ =	strace $0xD0000000  }
0x3: {  	_ = 	snop  }
0x4: {  	_ = 	snop  }
0x5: {  	_ = 	snop  }
0x6: {  	_ = 	snop  }
0x7: {  	_ = 	snop  }
__scs_overlays_trampoline_lowered:
0x8: {  	[smem:$0x3FAE] =	sst s0  }
0x9: {  	[smem:$0x3FAF] =	sst s1  }
0xa: {  	[smem:$0x3FB0] =	sst s2  }
0xb: {  	[smem:$0x3FB1] =	sst s3  }
0xc: {  	[smem:$0x3FB2] =	sst s4  }
0xd: {  	[smem:$0x3FB3] =	sst s5  }
0xe: {  	[smem:$0x3FB4] =	sst s6  }
0xf: {  	[smem:$0x3FB5] =	sst s7  }
0x10: {  	[smem:$0x3FB6] =	sst s8  }
0x11: {  	[smem:$0x3FB7] =	sst s9;
	s0 =	simm.s32 @!p0 $0x0  }
0x12: {  	s1 =	sld [smem:$0x3F9D];
	s0 =	simm.s32 @p0 $0x1  }
0x13: {  	[smem:$0x3FB8] =	sst s0;
	s0 =	simm.s32 @!p1 $0x0  }
0x14: {  	s2 =	sld [smem:$0x3F9C];
	s0 =	simm.s32 @p1 $0x1  }
0x15: {  	[smem:$0x3FB9] =	sst s0;
	s0 =	simm.s32 @!p2 $0x0  }
0x16: {  	s3 =	sld [smem:$0x3FDB];
	s0 =	simm.s32 @p2 $0x1  }
0x17: {  	s4 =	simm.s32 $0x1BF5;
	[smem:$0x3FBB] =	sst s0  }
0x18: {  	s0 =	sld [smem:$0x3F9E];
	_ =	swait.ge [sflag:s4], $0x0  }
0x19: {  	s7 =	sld [smem:$0x3F9F]  }
0x1a: {  	s8 =	sadd.s32 $0xFFFFE003, lr  }
0x1b: {  	s9 =	sadd.s32 $0xFFFFFEF7, lr;
	s5 =	simm.s32 $0xFFFFFFFF;
	p2 =	slt.u32 s8, $0xFFFFF086  }
0x1c: {  	p1 =	slt.u32 s9, $0xF7A;
	s5 =	simm.s32 @!p2 $0x0  }
0x1d: {  	s5 =	simm.s32 @p1 $0x1;
	p0 =	seq.s32 s7, s2  }
0x1e: {  	s7 =	smul.u32 @!p0 $0xF7A, s2;
	p2 =	seq.s32 @!p0 s5, $0x0  }
0x1f: {  	s9 =	smul.u32 $0xF7A, s1;
	s8 =	simm.s32 @!p0 $0x1BF5;
	p2 =	por !p2, p0  }
0x20: {  	[sflag:s8] =	ssyncset.s32 @!p0 $0xFFFFF086;
	s6 =	sadd.s32 @!p0 s3, s7;
	s7 =	simm.s32 @!p0 $0x108  }
0x21: {  	s3 =	sadd.s32 s3, s9;
	s6 =	sadd.s32 @!p0 $0x88, s6;
	s7 =	simm.s32 @p2 $0x1082  }
0x22: {  	[simem:s7], [sflag:s8] =	dma.local @!p0 [hbm:s6], $0xF7A  }
0x23: {  	s9 =	sor.u32 $0xD0000000, s2;
	s6 =	simm.s32 $0x108;
	_ =	swait.ge @!p0 [sflag:s8], $0x0  }
0x24: {  	s3 =	sadd.s32 $0x88, s3;
	s6 =	simm.s32 @!p1 $0x1082;
	[sflag:s4] =	ssyncset.s32 $0xFFFFF086  }
0x25: {  	[simem:s6], [sflag:s4] =	dma.local [hbm:s3], $0xF7A  }
0x26: {  	[smem:$0x3F9F] =	sst s1;
	(tag) =	ssettag s2;
	_ =	strace s9  }
0x27: {  	s1 =	sld [smem:$0x3FAF]  }
0x28: {  	s2 =	sld [smem:$0x3FB0]  }
0x29: {  	s4 =	sld [smem:$0x3FB2]  }
0x2a: {  	p0 =	seq.s32 s5, $0x0;
	s5 =	sld [smem:$0x3FB3]  }
0x2b: {  	s6 =	sld [smem:$0x3FB4]  }
0x2c: {  	s7 =	sld [smem:$0x3FB5]  }
0x2d: {  	s3 =	simm.s32 $0x108;
	s8 =	sld [smem:$0x3FB6]  }
0x2e: {  	s3 =	simm.s32 @!p0 $0x1082;
	s9 =	sld [smem:$0x3FB7]  }
0x2f: {  	lr =	sadd.s32 s0, s3;
	s0 =	sld [smem:$0x3FAE]  }
0x30: {  	s3 =	sld [smem:$0x3FB1]  }
0x31: {  	[smem:$0x3FBA] =	sst s10  }
0x32: {  	s10 =	sld [smem:$0x3FB8];
	_ =	sdelay $0x3  }
0x33: {  	p0 =	seq.s32 s10, $0x1;
	s10 =	sld [smem:$0x3FBA];
	_ =	sdelay $0x3  }
0x34: {  	[smem:$0x3FBA] =	sst s10  }
0x35: {  	s10 =	sld [smem:$0x3FB9];
	_ =	sdelay $0x3  }
0x36: {  	p1 =	seq.s32 s10, $0x1;
	s10 =	sld [smem:$0x3FBA];
	_ =	sdelay $0x3  }
0x37: {  	[smem:$0x3FBA] =	sst s10  }
0x38: {  	s10 =	sld [smem:$0x3FBB]  }
0x39: {  	_ = 	snop;
	(pc) =	sbr.ind lr, $3  }
0x3a: {  	_ = 	snop  }
0x3b: {  	_ = 	snop  }
0x3c: {  	p2 =	seq.s32 s10, $0x1;
	s10 =	sld [smem:$0x3FBA]  }
0x3d: {  	_ =	shalt  }
0x3e: {  	_ =	shalt  }
0x3f: {  	_ =	shalt  }
0x40: {  	_ =	shalt  }
0x41: {  	_ =	shalt  }
0x42: {  	_ =	shalt  }
0x43: {  	_ =	shalt  }
0x44: {  	_ =	shalt  }
0x45: {  	_ =	shalt  }
0x46: {  	_ =	shalt  }
0x47: {  	_ =	shalt  }
0x48: {  	_ =	shalt  }
0x49: {  	_ =	shalt  }
0x4a: {  	_ =	shalt  }
0x4b: {  	_ =	shalt  }
0x4c: {  	_ =	shalt  }
0x4d: {  	_ =	shalt  }
0x4e: {  	_ =	shalt  }
0x4f: {  	_ =	shalt  }
0x50: {  	_ =	shalt  }
0x51: {  	_ =	shalt  }
0x52: {  	_ =	shalt  }
0x53: {  	_ =	shalt  }
0x54: {  	_ =	shalt  }
0x55: {  	_ =	shalt  }
0x56: {  	_ =	shalt  }
0x57: {  	_ =	shalt  }
0x58: {  	_ =	shalt  }
0x59: {  	_ =	shalt  }
0x5a: {  	_ =	shalt  }
0x5b: {  	_ =	shalt  }
0x5c: {  	_ =	shalt  }
0x5d: {  	_ =	shalt  }
0x5e: {  	_ =	shalt  }
0x5f: {  	_ =	shalt  }
0x60: {  	_ =	shalt  }
0x61: {  	_ =	shalt  }
0x62: {  	_ =	shalt  }
0x63: {  	_ =	shalt  }
0x64: {  	_ =	shalt  }
0x65: {  	_ =	shalt  }
0x66: {  	_ =	shalt  }
0x67: {  	_ =	shalt  }
0x68: {  	_ =	shalt  }
0x69: {  	_ =	shalt  }
0x6a: {  	_ =	shalt  }
0x6b: {  	_ =	shalt  }
0x6c: {  	_ =	shalt  }
0x6d: {  	_ =	shalt  }
0x6e: {  	_ =	shalt  }
0x6f: {  	_ =	shalt  }
0x70: {  	_ =	shalt  }
0x71: {  	_ =	shalt  }
0x72: {  	_ =	shalt  }
0x73: {  	_ =	shalt  }
0x74: {  	_ =	shalt  }
0x75: {  	_ =	shalt  }
0x76: {  	_ =	shalt  }
0x77: {  	_ =	shalt  }
0x78: {  	_ =	shalt  }
0x79: {  	_ =	shalt  }
0x7a: {  	_ =	shalt  }
0x7b: {  	_ =	shalt  }
0x7c: {  	_ =	shalt  }
0x7d: {  	_ =	shalt  }
0x7e: {  	_ =	shalt  }
0x7f: {  	_ =	shalt  }
0x80: {  	_ =	shalt  }
0x81: {  	_ =	shalt  }
0x82: {  	_ =	shalt  }
0x83: {  	_ =	shalt  }
0x84: {  	_ =	shalt  }
0x85: {  	_ =	shalt  }
0x86: {  	_ =	shalt  }
0x87: {  	_ =	shalt  }
.Lfunc_end0:
.L_simem_size_0:
called_computation_lowered:
.L_overlay_start_0:
0x88: {  	s2 =	sld [smem:$0x3FD9]  }
0x89: {  	s3 =	sld [smem:$0x3FFE];
	_ =	sdelay $0x1  }
0x8a: {  	s1 =	srdreg.scid  }
0x8b: {  	s0 =	sand.u32 $0x1, s1  }
0x8c: {  	s17 =	sshll.u32 s0, $0xA;
	s2 =	sadd.s32 s3, s2  }
0x8d: {  	s2 =	sadd.s32 s2, s17  }
0x8e: {  	[smem:$0x3FC6] =	sst s2  }
0x8f: {  	_ = 	snop  }
0x90: {  	s2 =	sld [smem:$0x3FD0];
	(tm) =	ssettm $0x1  }
0x91: {  	s18 =	sld [smem:$0x3FFB];
	_ =	sdelay $0x3  }
0x92: {  	_ =	strace s18  }
0x93: {  	s3 =	sld [smem:$0x3FFC];
	_ =	sdelay $0x3  }
0x94: {  	_ =	strace s3  }
0x95: {  	s3 =	sld [smem:$0x3FFD];
	_ =	sdelay $0x3  }
0x96: {  	_ =	strace s3  }
0x97: {  	_ =	strace $0x8FFFFFFF  }
0x98: {  	s19 =	sld [smem:$0x3FDB];
	_ =	sdelay $0x1  }
0x99: {  	s4 =	simm.s32 $_scs_section_size  }
0x9a: {  	s5 =	simm.s32 $_size__tile_overlayer_lowered;
	s6 =	simm.s32 $_tile_overlayer_lowered  }
0x9b: {  	s22 =	simm.s32 $0x1BFF;
	s21 =	sshll.u32 s6, $0x1;
	s3 =	sadd.s32 s4, s19  }
0x9c: {  	s7 =	simm.s32 $0x0;
	s20 =	sshll.u32 s5, $0x1;
	s5 =	sadd.s32 s21, s3  }
0x9d: {  	[timem:s7], [sflag:s22] =	dma.local [hbm:s5], s20  }
0x9e: {  	_ =	swait.ge [sflag:s22], s20  }
0x9f: {  	s4 =	ssub.s32 $0x0, s20;
	[sflag:s22] =	ssyncset.done $0x0  }
0xa0: {  	[sflag:s22] =	ssyncadd.s32 s4;
	_ =	sdelay $0x1  }
0xa1: {  	s23 =	simm.s32 $0x1B8B  }
0xa2: {  	_ =	swait.ge [sflag:s23], $0x1  }
0xa3: {  	[sflag:s23] =	ssyncset.done $0x0  }
0xa4: {  	s25 =	simm.s32 $0x1B8E;
	s24 =	sld [smem:$0x3FFE];
	[sflag:s23] =	ssyncadd.s32 $0xFFFFFFFF  }
0xa5: {  	s26 =	simm.s32 $execute0_lowered;
	[smem:$0x3FD2] =	sst s25  }
0xa6: {  	s5 =	sshll.u32 s26, $0x1;
	_ =	strace $0x80000046;
	[dreg:$0x1] =	wrdreg $0xFFFFFFFF  }
0xa7: {  	s28 =	simm.s32 $_size_execute0_lowered;
	s3 =	sadd.s32 s3, s5;
	[dreg:$0x0] =	wrdreg $0x0  }
0xa8: {  	s5 =	sshll.u32 s28, $0x1;
	[dreg:$0x2] =	wrdreg s3  }
0xa9: {  	[dreg:$0x3] =	wrdreg s5  }
0xaa: {  	[dreg:$0x4] =	wrdreg $0xC0  }
0xab: {  	_ =	task [dreg:s7], $0x5FFFF  }
0xac: {  	[dreg:$0x1] =	wrdreg $0xFFFFFFFF  }
0xad: {  	[dreg:$0x0] =	wrdreg $0x60  }
0xae: {  	[dreg:$0x2] =	wrdreg s2  }
0xaf: {  	[dreg:$0x3] =	wrdreg s24  }
0xb0: {  	[dreg:$0x4] =	wrdreg $0x9  }
0xb1: {  	_ =	task.clear_ibuf [dreg:s7], $0x5FFFF;
	_ =	strace $0x90000046  }
0xb2: {  	s29 =	simm.s32 $0x9;
	_ =	strace $0x80000048  }
0xb3: {  	_ =	swait.ge [sflag:s29], $0x1  }
0xb4: {  	[sflag:s29] =	ssyncadd.s32 $0xFFFFFFFF  }
0xb5: {  	_ =	strace $0x90000048  }
0xb6: {  	_ =	sfence  }
0xb7: {  	s30 =	sld [smem:$0x0];
	_ =	sdelay $0x2  }
0xb8: {  	s31 =	sshll.u32 s1, $0xD;
	s1 =	sshrl.u32 s1, $0x2  }
0xb9: {  	s3 =	sand.u32 $0x4000, s31;
	s1 =	sadd.s32 s1, s30  }
0xba: {  	s0 =	sor.u32 s3, s0;
	s1 =	sshll.u32 s1, $0x11  }
0xbb: {  	s0 =	sor.u32 s1, s0  }
0xbc: {  	s0 =	sadd.s32 $0x8F2B, s0  }
0xbd: {  	[sflag:s0] =	ssyncadd.remote.s32 $0x1  }
0xbe: {  	_ =	sfence.sel $0xFFFF  }
0xbf: {  	[dreg:$0x0] =	wrdreg $0xFFFFFFFF;
	(pc) =	sbr.abs _section_cstart, $3  }
0xc0: {  	[dreg:$0x1] =	wrdreg $0xFFFFFFFF  }
0xc1: {  	_ =	task.clear_ibuf [dreg:s7], $0x2FFFF;
	_ =	strace $0x9FFFFFFF  }
0xc2: {  	(tm) =	ssettm $0x7FFFFFFF  }
0xc3: {  	_ =	shalt  }
tec
execute0_lowered:
.L_overlay_start_1:
0x0: {  	(tag) =	ssettag $0x1  }
0x1: {  	s1 =	rddreg [dreg:$0x0]  }
0x2: {  	s0 =	rddreg [dreg:$0x1]  }
0x3: {  	s3 =	simm.s32 $0x0;
	s2 =	srdreg.scid;
	s5 =	stileid.u32  }
0x4: {  	s28 =	simm.s32 $0x1B180;
	s29 =	simm.s32 $0x1B380;
	s30 =	simm.s32 $0x1B580  }
0x5: {  	s31 =	simm.s32 $0x3;
	[smem:$0x7FF] =	sst s3;
	s4 =	sadd.s32 $0x400, s0  }
0x6: {  	s2 =	sand.u32 $0x1, s2;
	s17 =	sshll.u32 s5, $0x1;
	s5 =	sshrl.u32 s5, $0x1  }
0x7: {  	_ =	strace $0x80000047;
	[dreg:$0x3] =	wrdreg s4;
	s7 =	ssub.s32 $0x2, s2  }
0x8: {  	s4 =	sand.u32 $0x2, s17;
	s5 =	smul.u32 $0xC0000, s5;
	s8 =	sshrl.u32 s7, $0x1  }
0x9: {  	s6 =	sadd.s32 $0x3A00, s0;
	s2 =	sor.u32 s2, s4;
	s18 =	ssub.s32 s7, s8  }
0xa: {  	s7 =	sshll.u32 s2, $0x10;
	s8 =	sadd.s32 $0x40000, s5;
	s9 =	sadd.s32 $0x80000, s5  }
0xb: {  	s2 =	sor.u32 s5, s7;
	s19 =	sor.u32 s8, s7;
	s10 =	sor.u32 s9, s7  }
0xc: {  	s23 =	sor.u32 $0x200, s7;
	s16 =	sor.u32 $0x400, s7;
	s17 =	sor.u32 $0x600, s7  }
0xd: {  	s0 =	smax.u32 s18, $0x1;
	s2 =	sshrl.u32 s2, $0x3;
	s20 =	sshrl.u32 s19, $0x3  }
0xe: {  	s21 =	sshrl.u32 s10, $0x3;
	s24 =	sor.u32 s5, s23;
	s25 =	sor.u32 s8, s23  }
0xf: {  	[dreg:$0xa] =	wrdreg s0;
	s0 =	simm.s32 $0x1B780;
	s19 =	simm.s32 $0x1BB80  }
0x10: {  	s2 =	sadd.s32 s1, s2;
	s22 =	sadd.s32 s1, s21;
	s4 =	sshrl.u32 s24, $0x3  }
0x11: {  	s10 =	sshrl.u32 s25, $0x3;
	s24 =	simm.s32 $0x1AF80;
	[dreg:$0x4] =	wrdreg s2  }
0x12: {  	s21 =	simm.s32 $0x5;
	s2 =	sadd.s32 s1, s20;
	[dreg:$0x6] =	wrdreg s22  }
.Ltmp0:
0x13: {  	s4 =	sadd.s32 s1, s4;
	[dreg:$0x5] =	wrdreg s2;
	(pc) =	sbr.rel .LBB2_1-.Ltmp0, $4  }
0x14: {  	s26 =	sadd.s32 s1, s10;
	s2 =	sor.u32 s9, s23;
	[dreg:$0x7] =	wrdreg s4  }
0x15: {  	s22 =	simm.s32 $0x1AB80;
	[dreg:$0x8] =	wrdreg s26;
	s2 =	sshrl.u32 s2, $0x3  }
0x16: {  	s23 =	simm.s32 $0x1AD80;
	s26 =	simm.s32 $0x2;
	s2 =	sadd.s32 s1, s2  }
0x17: {  	s4 =	simm.s32 $0x0;
	[dreg:$0x9] =	wrdreg s2;
	s2 =	simm.s32 $0x1B980  }
.LBB2_8:
0x18: {  	s10 =	simm.s32 $0x4  }
0x19: {  	_ =	swait.ge [sflag:s10], $0x200  }
0x1a: {  	[sflag:s10] =	ssyncset.done $0x0  }
0x1b: {  	[sflag:s10] =	ssyncadd.s32 $0xFFFFFE00  }
0x1c: {  	_ =	swait.ge [sflag:s10], $0x200  }
0x1d: {  	[sflag:s10] =	ssyncset.done $0x0  }
0x1e: {  	[sflag:s10] =	ssyncadd.s32 $0xFFFFFE00  }
0x1f: {  	_ =	swait.ge [sflag:s10], $0x200  }
0x20: {  	[sflag:s10] =	ssyncset.done $0x0  }
0x21: {  	[sflag:s10] =	ssyncadd.s32 $0xFFFFFE00  }
0x22: {  	_ =	swait.ge [sflag:s21], $0x200  }
0x23: {  	[sflag:s21] =	ssyncset.done $0x0  }
0x24: {  	[sflag:s21] =	ssyncadd.s32 $0xFFFFFE00  }
0x25: {  	_ =	swait.ge [sflag:s21], $0x200  }
0x26: {  	[sflag:s21] =	ssyncset.done $0x0  }
0x27: {  	[sflag:s21] =	ssyncadd.s32 $0xFFFFFE00  }
0x28: {  	_ =	swait.ge [sflag:s21], $0x200  }
0x29: {  	s4 =	sadd.s32 $0x1, s4;
	s25 =	rddreg [dreg:$0xa]  }
0x2a: {  	p0 =	sne.s32 s4, s25  }
.Ltmp1:
0x2b: {  	_ = 	snop;
	(pc) =	sbr.rel @!p0 .LBB2_9-.Ltmp1, $3  }
0x2c: {  	_ =	sdelay $0x1  }
0x2d: {  	[sflag:s21] =	ssyncset.done $0x0  }
0x2e: {  	[sflag:s21] =	ssyncadd.s32 $0xFFFFFE00  }
.LBB2_1:
0x2f: {  	s10 =	rddreg [dreg:$0x3]  }
0x30: {  	[tilespmem:s3], [sflag:$0x1] =	stream.linear.gather [hbm4b:s10+s3], $0x1A580, $0x38;
	[tilespmem:$0x1BD80] =	vst v63  }
0x31: {  	s25 =	rddreg [dreg:$0x4];
	s11 =	simm.s32 $0x1A580  }
0x32: {  	[tilespmem:s11], [sflag:$0x2] =	stream.linear.gather [hbm4b:s25+s3], $0x200, $0x38;
	[tilespmem:$0x1BD80] =	vst v63  }
0x33: {  	s12 =	simm.s32 $0x1A780;
	s11 =	rddreg [dreg:$0x5]  }
0x34: {  	[tilespmem:s12], [sflag:$0x2] =	stream.linear.gather [hbm4b:s11+s3], $0x200, $0x38;
	[tilespmem:$0x1BD80] =	vst v63  }
0x35: {  	s13 =	rddreg [dreg:$0x6];
	s14 =	simm.s32 $0x1A980  }
0x36: {  	[tilespmem:s14], [sflag:$0x2] =	stream.linear.gather [hbm4b:s13+s3], $0x200, $0x38;
	[tilespmem:$0x1BD80] =	vst v63  }
0x37: {  	s15 =	rddreg [dreg:$0x7]  }
0x38: {  	[tilespmem:s22], [sflag:$0x3] =	stream.linear.gather [hbm4b:s15+s3], $0x200, $0x38;
	[tilespmem:$0x1BD80] =	vst v63  }
0x39: {  	s18 =	rddreg [dreg:$0x8]  }
0x3a: {  	[tilespmem:s23], [sflag:$0x3] =	stream.linear.gather [hbm4b:s18+s3], $0x200, $0x38;
	[tilespmem:$0x1BD80] =	vst v63  }
0x3b: {  	s20 =	rddreg [dreg:$0x9];
	s25 =	simm.s32 $0x1  }
0x3c: {  	[tilespmem:s24], [sflag:$0x3] =	stream.linear.gather [hbm4b:s20+s3], $0x200, $0x38;
	[tilespmem:$0x1BD80] =	vst v63  }
0x3d: {  	_ =	swait.ge [sflag:s25], $0x1A580  }
0x3e: {  	[sflag:s25] =	ssyncset.done $0x0  }
0x3f: {  	s10 =	simm.s32 $0x0;
	[sflag:s25] =	ssyncadd.s32 $0xFFFE5A80  }
.LBB2_2:
0x40: {  	_ =	swait.ge [sflag:s26], $0x200  }
0x41: {  	[sflag:s26] =	ssyncset.done $0x0  }
0x42: {  	[sflag:s26] =	ssyncadd.s32 $0xFFFFFE00  }
0x43: {  	_ =	swait.ge [sflag:s26], $0x200  }
0x44: {  	[sflag:s26] =	ssyncset.done $0x0  }
0x45: {  	[sflag:s26] =	ssyncadd.s32 $0xFFFFFE00  }
0x46: {  	_ =	swait.ge [sflag:s26], $0x200  }
0x47: {  	p0 =	seq.s32 s10, $0x0;
	[sflag:s26] =	ssyncset.done $0x0  }
0x48: {  	s11 =	simm.s32 @!p0 $0x4;
	[sflag:s26] =	ssyncadd.s32 $0xFFFFFE00  }
0x49: {  	_ =	swait.ge @!p0 [sflag:s11], $0x200  }
0x4a: {  	[sflag:s11] =	ssyncset.done @!p0 $0x0  }
0x4b: {  	[sflag:s11] =	ssyncadd.s32 @!p0 $0xFFFFFE00  }
0x4c: {  	_ =	swait.ge @!p0 [sflag:s11], $0x200  }
0x4d: {  	[sflag:s11] =	ssyncset.done @!p0 $0x0  }
0x4e: {  	[sflag:s11] =	ssyncadd.s32 @!p0 $0xFFFFFE00  }
0x4f: {  	_ =	swait.ge @!p0 [sflag:s11], $0x200  }
0x50: {  	[sflag:s11] =	ssyncset.done @!p0 $0x0  }
0x51: {  	s15 =	simm.s32 $0x1A790;
	[sflag:s11] =	ssyncadd.s32 @!p0 $0xFFFFFE00  }
0x52: {  	v0 =	vld [tilespmem:s15+$0x0]  }
0x53: {  	v1 =	vld [tilespmem:s15+$0x200]  }
0x54: {  	v2 =	vld [tilespmem:s15+$0xFFFFFE00];
	_ =	sdelay $0x2  }
0x55: {  	v0 =	vmul.f32 $3.200000000e+01, v0  }
0x56: {  	v5 =	vmul.f32 $3.200000000e+01, v1  }
0x57: {  	v1 =	vmul.f32 $3.200000000e+01, v2;
	v2 =	vmax.f32 v0, $0.0e+00  }
0x58: {  	v3 =	vmax.f32 v5, $0.0e+00;
	v2 =	vmin.f32 v2, $3.150000000e+01  }
0x59: {  	v4 =	vmax.f32 v1, $0.0e+00;
	v3 =	vmin.f32 v3, $3.150000000e+01;
	v2 =	vtrunc.f32 v2  }
0x5a: {  	v4 =	vmin.f32 v4, $3.150000000e+01;
	v6 =	vcvt.f32.s32 v2;
	v2 =	vtrunc.f32 v3  }
0x5b: {  	v3 =	vtrunc.f32 v4;
	v7 =	vcvt.f32.s32 v2  }
0x5c: {  	v3 =	vcvt.f32.s32 v3;
	v2 =	vmul.u32 $0x21, v6  }
0x5d: {  	v4 =	vmul.u32 $0x441, v7  }
0x5e: {  	v2 =	vadd.s32 v3, v2  }
0x5f: {  	v2 =	vadd.s32 v4, v2  }
0x60: {  	v4 =	vadd.s32 $0x1, v2  }
0x61: {  	v8 =	vld [tilespmem:s15+$0xFFFFFFF0];
	v9 =	vadd.s32 $0x21, v2  }
0x62: {  	v10 =	vld [tilespmem:s15+$0x1F0];
	v11 =	vadd.s32 $0x22, v2  }
0x63: {  	v12 =	vld [tilespmem:s15+$0xFFFFFDF0];
	v13 =	vadd.s32 $0x441, v2  }
0x64: {  	v15 =	vadd.s32 $0x442, v2;
	v14 =	vld.idx.msk [tilespmem:v2+s3+$0x0], $0xffff  }
0x65: {  	v16 =	vadd.s32 $0x462, v2;
	v4 =	vld.idx.msk [tilespmem:v4+s3+$0x0], $0xffff  }
0x66: {  	v17 =	vadd.s32 $0x463, v2;
	v9 =	vld.idx.msk [tilespmem:v9+s3+$0x0], $0xffff  }
0x67: {  	v11 =	vld.idx.msk [tilespmem:v11+s3+$0x0], $0xffff  }
0x68: {  	v18 =	vmul.f32 $3.200000000e+01, v10;
	v13 =	vld.idx.msk [tilespmem:v13+s3+$0x0], $0xffff  }
0x69: {  	v12 =	vmul.f32 $3.200000000e+01, v12;
	v10 =	vld.idx.msk [tilespmem:v15+s3+$0x0], $0xffff  }
0x6a: {  	v8 =	vmul.f32 $3.200000000e+01, v8;
	v19 =	vmax.f32 v18, $0.0e+00;
	v16 =	vld.idx.msk [tilespmem:v16+s3+$0x0], $0xffff  }
0x6b: {  	v20 =	vmax.f32 v12, $0.0e+00;
	v19 =	vmin.f32 v19, $3.150000000e+01;
	v3 =	vcvt.s32.f32 v3;
	v17 =	vld.idx.msk [tilespmem:v17+s3+$0x0], $0xffff  }
0x6c: {  	v20 =	vmin.f32 v20, $3.150000000e+01;
	v19 =	vtrunc.f32 v19  }
0x6d: {  	v3 =	vsub.f32 v1, v3;
	v1 =	vtrunc.f32 v20;
	v15 =	vmax.f32 v8, $0.0e+00  }
0x6e: {  	v19 =	vcvt.f32.s32 v19;
	v20 =	vcvt.f32.s32 v1;
	v15 =	vmin.f32 v15, $3.150000000e+01  }
0x6f: {  	v15 =	vtrunc.f32 v15;
	v4 =	vsub.f32 v4, v14;
	v11 =	vsub.f32 v11, v9  }
0x70: {  	v15 =	vcvt.f32.s32 v15;
	v1 =	vsub.f32 v10, v13;
	v10 =	vsub.f32 v17, v16  }
0x71: {  	v4 =	vmul.f32 v3, v4;
	v11 =	vmul.f32 v11, v3  }
0x72: {  	v17 =	vmul.u32 $0x21, v15;
	v1 =	vmul.f32 v1, v3;
	v10 =	vmul.f32 v10, v3  }
0x73: {  	v14 =	vadd.f32 v4, v14;
	v4 =	vcvt.s32.f32 v6;
	v6 =	vadd.f32 v11, v9  }
0x74: {  	v9 =	vmul.u32 $0x441, v19;
	v11 =	vadd.f32 v1, v13;
	v10 =	vadd.f32 v10, v16  }
0x75: {  	v13 =	vadd.s32 v20, v17;
	v1 =	vsub.f32 v0, v4  }
0x76: {  	v4 =	vadd.s32 v9, v13;
	v0 =	vsub.f32 v6, v14;
	v6 =	vsub.f32 v10, v11  }
0x77: {  	v9 =	vadd.s32 $0x1, v4  }
0x78: {  	v10 =	vadd.s32 $0x21, v4;
	v0 =	vmul.f32 v0, v1;
	v6 =	vmul.f32 v6, v1  }
0x79: {  	v7 =	vcvt.s32.f32 v7;
	v13 =	vadd.s32 $0x22, v4  }
0x7a: {  	v16 =	vadd.s32 $0x441, v4;
	v14 =	vadd.f32 v0, v14;
	v6 =	vadd.f32 v6, v11  }
0x7b: {  	v21 =	vadd.s32 $0x462, v4;
	v17 =	vld.idx.msk [tilespmem:v4+s3+$0x0], $0xffff  }
0x7c: {  	v11 =	vadd.s32 $0x442, v4;
	v0 =	vsub.f32 v5, v7;
	v9 =	vld.idx.msk [tilespmem:v9+s3+$0x0], $0xffff;
	v5 =	vsub.f32 v6, v14  }
0x7d: {  	v7 =	vadd.s32 $0x463, v4;
	v6 =	vld.idx.msk [tilespmem:v10+s3+$0x0], $0xffff  }
0x7e: {  	v13 =	vld.idx.msk [tilespmem:v13+s3+$0x0], $0xffff;
	v10 =	vadd.s32 $0x8C61, v2;
	v5 =	vmul.f32 v5, v0  }
0x7f: {  	v22 =	vadd.s32 $0x8C62, v2;
	v16 =	vld.idx.msk [tilespmem:v16+s3+$0x0], $0xffff  }
0x80: {  	v21 =	vld.idx.msk [tilespmem:v21+s3+$0x0], $0xffff;
	v5 =	vadd.f32 v5, v14;
	v14 =	vadd.s32 $0x8C82, v2  }
0x81: {  	s12 =	simm.s32 $0x1B390;
	v23 =	vadd.s32 $0x8C83, v2;
	v11 =	vld.idx.msk [tilespmem:v11+s3+$0x0], $0xffff  }
0x82: {  	v26 =	vadd.s32 $0x90C3, v2;
	v7 =	vld.idx.msk [tilespmem:v7+s3+$0x0], $0xffff;
	[tilespmem:s12+$0xFFFFFE00] =	vst v5  }
0x83: {  	v25 =	vadd.s32 $0x90A3, v2;
	v24 =	vld.idx.msk [tilespmem:v10+s3+$0x0], $0xffff  }
0x84: {  	v5 =	vadd.s32 $0x90A2, v2;
	v22 =	vld.idx.msk [tilespmem:v22+s3+$0x0], $0xffff  }
0x85: {  	v27 =	vld.idx.msk [tilespmem:v14+s3+$0x0], $0xffff;
	v14 =	vadd.s32 $0x90C4, v2  }
0x86: {  	v10 =	vcvt.s32.f32 v20;
	v20 =	vld.idx.msk [tilespmem:v23+s3+$0x0], $0xffff  }
0x87: {  	v23 =	vld.idx.msk [tilespmem:v26+s3+$0x0], $0xffff  }
0x88: {  	v9 =	vsub.f32 v9, v17;
	v10 =	vsub.f32 v12, v10;
	v12 =	vld.idx.msk [tilespmem:v25+s3+$0x0], $0xffff  }
0x89: {  	v15 =	vcvt.s32.f32 v15;
	v13 =	vsub.f32 v13, v6;
	v5 =	vld.idx.msk [tilespmem:v5+s3+$0x0], $0xffff  }
0x8a: {  	v9 =	vmul.f32 v10, v9;
	v25 =	vld.idx.msk [tilespmem:v14+s3+$0x0], $0xffff  }
0x8b: {  	v7 =	vsub.f32 v7, v21;
	v14 =	vsub.f32 v8, v15;
	v8 =	vmul.f32 v13, v10  }
0x8c: {  	v11 =	vsub.f32 v11, v16;
	v9 =	vadd.f32 v9, v17  }
0x8d: {  	v7 =	vmul.f32 v7, v10;
	v13 =	vsub.f32 v20, v27;
	v6 =	vadd.f32 v8, v6  }
0x8e: {  	v8 =	vmul.f32 v11, v10;
	v11 =	vsub.f32 v22, v24;
	v12 =	vsub.f32 v12, v5  }
0x8f: {  	v7 =	vadd.f32 v7, v21;
	v13 =	vmul.f32 v13, v3;
	v15 =	vsub.f32 v25, v23  }
0x90: {  	v8 =	vadd.f32 v8, v16;
	v11 =	vmul.f32 v11, v3;
	v12 =	vmul.f32 v12, v3  }
0x91: {  	v13 =	vadd.f32 v13, v27;
	v6 =	vsub.f32 v6, v9;
	v15 =	vmul.f32 v15, v3  }
0x92: {  	v11 =	vadd.f32 v11, v24;
	v7 =	vsub.f32 v7, v8  }
0x93: {  	v5 =	vadd.f32 v12, v5;
	v12 =	vadd.f32 v15, v23  }
0x94: {  	v6 =	vmul.f32 v6, v14;
	v13 =	vsub.f32 v13, v11;
	v7 =	vmul.f32 v7, v14  }
0x95: {  	v12 =	vsub.f32 v12, v5  }
0x96: {  	v6 =	vadd.f32 v6, v9;
	v13 =	vmul.f32 v13, v1;
	v7 =	vadd.f32 v7, v8  }
0x97: {  	v15 =	vcvt.s32.f32 v19;
	v12 =	vmul.f32 v12, v1  }
0x98: {  	s18 =	simm.s32 $0x1A7B0;
	v8 =	vadd.f32 v13, v11;
	v7 =	vsub.f32 v7, v6  }
0x99: {  	v11 =	vld [tilespmem:s18+$0x0];
	v9 =	vadd.f32 v12, v5;
	v5 =	vsub.f32 v18, v15  }
0x9a: {  	v13 =	vld [tilespmem:s18+$0xFFFFFE00]  }
0x9b: {  	v12 =	vld [tilespmem:s18+$0x200];
	v15 =	vadd.s32 $0x8C61, v4;
	v7 =	vmul.f32 v7, v5  }
0x9c: {  	v30 =	vadd.s32 $0x8C62, v4;
	v31 =	vadd.s32 $0x8C82, v4;
	v33 =	vadd.s32 $0x8C83, v4;
	[tilespmem:$0x1FFF0] =	vst v5  }
0x9d: {  	v34 =	vadd.s32 $0x90A2, v4;
	v9 =	vsub.f32 v9, v8;
	v19 =	vld [tilespmem:s18+$0xFFFFFFF0];
	v6 =	vadd.f32 v7, v6  }
0x9e: {  	v36 =	vadd.s32 $0x90A3, v4;
	v37 =	vadd.s32 $0x90C3, v4;
	v17 =	vmul.f32 $3.200000000e+01, v11;
	v21 =	vld [tilespmem:s18+$0x1F0]  }
0x9f: {  	v40 =	vadd.s32 $0x90C4, v4;
	v20 =	vmul.f32 $3.200000000e+01, v13;
	v23 =	vld [tilespmem:s18+$0xFFFFFDF0];
	v9 =	vmul.f32 v9, v0;
	[tilespmem:s12+$0xFFFFFDF0] =	vst v6  }
0xa0: {  	v11 =	vadd.s32 $0x118C3, v2;
	v7 =	vadd.s32 $0x118C2, v2;
	v18 =	vmul.f32 $3.200000000e+01, v12;
	v15 =	vld.idx.msk [tilespmem:v15+s3+$0x0], $0xffff  }
0xa1: {  	v16 =	vmax.f32 v20, $0.0e+00;
	v8 =	vadd.f32 v9, v8;
	v9 =	vmax.f32 v17, $0.0e+00;
	v30 =	vld.idx.msk [tilespmem:v30+s3+$0x0], $0xffff  }
0xa2: {  	v12 =	vadd.s32 $0x118E4, v2;
	v9 =	vmin.f32 v9, $3.150000000e+01;
	v13 =	vmax.f32 v18, $0.0e+00;
	v34 =	vld.idx.msk [tilespmem:v34+s3+$0x0], $0xffff  }
0xa3: {  	v6 =	vadd.s32 $0x118E3, v2;
	v57 =	vld.idx.msk [tilespmem:v36+s3+$0x0], $0xffff;
	v9 =	vtrunc.f32 v9;
	v13 =	vmin.f32 v13, $3.150000000e+01  }
0xa4: {  	v16 =	vmin.f32 v16, $3.150000000e+01;
	v37 =	vld.idx.msk [tilespmem:v37+s3+$0x0], $0xffff;
	v22 =	vcvt.f32.s32 v9;
	v9 =	vtrunc.f32 v13  }
0xa5: {  	v40 =	vld.idx.msk [tilespmem:v40+s3+$0x0], $0xffff;
	[tilespmem:s12+$0x0] =	vst v8;
	v8 =	vadd.s32 $0x11D03, v2;
	v13 =	vtrunc.f32 v16;
	v24 =	vcvt.f32.s32 v9  }
0xa6: {  	v25 =	vld.idx.msk [tilespmem:v7+s3+$0x0], $0xffff;
	v7 =	vadd.s32 $0x11D04, v2;
	v26 =	vcvt.f32.s32 v13;
	v9 =	vmul.u32 $0x21, v22  }
0xa7: {  	v19 =	vmul.f32 $3.200000000e+01, v19;
	v27 =	vld.idx.msk [tilespmem:v11+s3+$0x0], $0xffff;
	v11 =	vadd.s32 $0x11D24, v2;
	v13 =	vmul.u32 $0x441, v24  }
0xa8: {  	v21 =	vmul.f32 $3.200000000e+01, v21;
	v28 =	vld.idx.msk [tilespmem:v6+s3+$0x0], $0xffff;
	v6 =	vadd.s32 $0x11D25, v2;
	v2 =	vadd.s32 v26, v9  }
0xa9: {  	v23 =	vmul.f32 $3.200000000e+01, v23;
	v16 =	vadd.s32 $0x118C2, v4;
	v29 =	vld.idx.msk [tilespmem:v12+s3+$0x0], $0xffff;
	v2 =	vadd.s32 v13, v2  }
0xaa: {  	v12 =	vadd.s32 $0x118E3, v4;
	v50 =	vmax.f32 v21, $0.0e+00;
	v32 =	vld.idx.msk [tilespmem:v8+s3+$0x0], $0xffff;
	v8 =	vadd.s32 $0x1, v2  }
0xab: {  	v60 =	vmax.f32 v23, $0.0e+00;
	v59 =	vmin.f32 v50, $3.150000000e+01;
	v35 =	vld.idx.msk [tilespmem:v7+s3+$0x0], $0xffff;
	v7 =	vadd.s32 $0x21, v2  }
0xac: {  	v62 =	vmin.f32 v60, $3.150000000e+01;
	v22 =	vcvt.s32.f32 v22;
	v38 =	vld.idx.msk [tilespmem:v11+s3+$0x0], $0xffff;
	v39 =	vadd.s32 $0x22, v2  }
0xad: {  	v61 =	vtrunc.f32 v59;
	v30 =	vsub.f32 v30, v15;
	v42 =	vadd.s32 $0x441, v2;
	v41 =	vld.idx.msk [tilespmem:v6+s3+$0x0], $0xffff  }
0xae: {  	v24 =	vcvt.s32.f32 v24;
	v40 =	vsub.f32 v40, v37;
	v44 =	vadd.s32 $0x442, v2;
	v43 =	vld.idx.msk [tilespmem:v2+s3+$0x0], $0xffff  }
0xaf: {  	v9 =	vadd.s32 $0x11D03, v4;
	v26 =	vcvt.s32.f32 v26;
	v48 =	vadd.s32 $0x463, v2;
	v45 =	vld.idx.msk [tilespmem:v8+s3+$0x0], $0xffff  }
0xb0: {  	v13 =	vadd.s32 $0x118C3, v4;
	v11 =	vadd.s32 $0x118E4, v4;
	v46 =	vadd.s32 $0x462, v2;
	v47 =	vld.idx.msk [tilespmem:v7+s3+$0x0], $0xffff  }
0xb1: {  	v30 =	vmul.f32 v30, v10;
	v20 =	vsub.f32 v20, v26;
	v29 =	vsub.f32 v29, v28;
	v39 =	vld.idx.msk [tilespmem:v39+s3+$0x0], $0xffff  }
0xb2: {  	v26 =	vtrunc.f32 v62;
	v6 =	vadd.s32 $0x11D24, v4;
	v7 =	vmax.f32 v19, $0.0e+00;
	v42 =	vld.idx.msk [tilespmem:v42+s3+$0x0], $0xffff  }
0xb3: {  	v29 =	vmul.f32 v29, v3;
	v35 =	vsub.f32 v35, v32;
	v44 =	vld.idx.msk [tilespmem:v44+s3+$0x0], $0xffff;
	v49 =	vmin.f32 v7, $3.150000000e+01  }
0xb4: {  	v8 =	vadd.s32 $0x11D04, v4;
	v48 =	vld.idx.msk [tilespmem:v48+s3+$0x0], $0xffff;
	v7 =	vadd.s32 $0x11D25, v4;
	v4 =	vtrunc.f32 v49  }
0xb5: {  	v35 =	vmul.f32 v35, v3;
	v51 =	vcvt.f32.s32 v4;
	v4 =	vsub.f32 v27, v25;
	v27 =	vld.idx.msk [tilespmem:v46+s3+$0x0], $0xffff  }
0xb6: {  	v50 =	vadd.s32 $0x8C82, v2;
	v28 =	vadd.f32 v29, v28;
	v41 =	vsub.f32 v41, v38  }
0xb7: {  	v26 =	vcvt.f32.s32 v26;
	v29 =	vadd.f32 v35, v32;
	v35 =	vsub.f32 v57, v34  }
0xb8: {  	v4 =	vmul.f32 v4, v3;
	v3 =	vmul.f32 v41, v3;
	v45 =	vsub.f32 v45, v43  }
0xb9: {  	v41 =	vcvt.f32.s32 v61;
	v39 =	vsub.f32 v39, v47;
	v44 =	vsub.f32 v44, v42  }
0xba: {  	v35 =	vmul.f32 v35, v10;
	v45 =	vmul.f32 v20, v45;
	v63 =	vsub.f32 v48, v27  }
0xbb: {  	v52 =	vmul.u32 $0x21, v51;
	v39 =	vmul.f32 v39, v20;
	v44 =	vmul.f32 v44, v20  }
0xbc: {  	v25 =	vadd.f32 v4, v25;
	v4 =	vsub.f32 v17, v22;
	v46 =	vmul.f32 v63, v20  }
0xbd: {  	v53 =	vmul.u32 $0x441, v41;
	v43 =	vadd.f32 v45, v43;
	v39 =	vadd.f32 v39, v47  }
0xbe: {  	v54 =	vadd.s32 v26, v52;
	v42 =	vadd.f32 v44, v42;
	v27 =	vadd.f32 v46, v27  }
0xbf: {  	v3 =	vadd.f32 v3, v38;
	v41 =	vcvt.s32.f32 v41;
	v17 =	vadd.s32 v53, v54  }
0xc0: {  	v56 =	vadd.s32 $0x1, v17;
	v55 =	vsub.f32 v39, v43;
	v27 =	vsub.f32 v27, v42  }
0xc1: {  	v31 =	vld.idx.msk [tilespmem:v31+s3+$0x0], $0xffff;
	v48 =	vadd.s32 $0x8C61, v2;
	v28 =	vsub.f32 v28, v25;
	v59 =	vadd.s32 $0x22, v17  }
0xc2: {  	v22 =	vld.idx.msk [tilespmem:v33+s3+$0x0], $0xffff;
	v60 =	vadd.s32 $0x441, v17;
	v33 =	vmul.f32 v55, v4;
	v27 =	vmul.f32 v27, v4  }
0xc3: {  	v61 =	vsub.f32 v3, v29;
	v3 =	vsub.f32 v18, v24;
	v62 =	vadd.s32 $0x442, v17  }
0xc4: {  	v45 =	vadd.s32 $0x462, v17;
	v44 =	vld.idx.msk [tilespmem:v17+s3+$0x0], $0xffff;
	v33 =	vadd.f32 v33, v43;
	v27 =	vadd.f32 v27, v42  }
0xc5: {  	v53 =	vadd.s32 $0x8C83, v2;
	v58 =	vadd.s32 $0x21, v17;
	v24 =	vmul.f32 v28, v1;
	v32 =	vld.idx.msk [tilespmem:v56+s3+$0x0], $0xffff  }
0xc6: {  	v54 =	vadd.f32 v30, v15;
	v28 =	vadd.s32 $0x463, v17;
	v63 =	vld.idx.msk [tilespmem:v59+s3+$0x0], $0xffff;
	v18 =	vsub.f32 v27, v33  }
0xc7: {  	v1 =	vmul.f32 v61, v1;
	v22 =	vsub.f32 v22, v31;
	v24 =	vadd.f32 v24, v25;
	v25 =	vld.idx.msk [tilespmem:v60+s3+$0x0], $0xffff  }
0xc8: {  	v30 =	vadd.s32 $0x90A2, v2;
	v15 =	vcvt.s32.f32 v26;
	v49 =	vld.idx.msk [tilespmem:v62+s3+$0x0], $0xffff;
	v18 =	vmul.f32 v18, v3  }
0xc9: {  	v1 =	vadd.f32 v1, v29;
	v29 =	vadd.s32 $0x8C62, v2;
	v22 =	vmul.f32 v22, v10;
	v52 =	vld.idx.msk [tilespmem:v45+s3+$0x0], $0xffff  }
0xca: {  	v36 =	vadd.s32 $0x90A3, v17;
	v15 =	vsub.f32 v23, v15;
	v27 =	vld.idx.msk [tilespmem:v58+s3+$0x0], $0xffff;
	v18 =	vadd.f32 v18, v33  }
0xcb: {  	s13 =	simm.s32 $0x1B3B0;
	v46 =	vadd.s32 $0x8C62, v17;
	v1 =	vsub.f32 v1, v24;
	v28 =	vld.idx.msk [tilespmem:v28+s3+$0x0], $0xffff;
	v22 =	vadd.f32 v22, v31  }
0xcc: {  	v55 =	vadd.s32 $0x90A3, v2;
	v56 =	vadd.s32 $0x90C3, v2;
	v62 =	vmul.f32 v40, v10;
	[tilespmem:s13+$0xFFFFFE00] =	vst v18  }
0xcd: {  	v43 =	vadd.s32 $0x118C3, v2;
	v0 =	vmul.f32 v1, v0;
	v22 =	vsub.f32 v22, v54;
	v26 =	vld.idx.msk [tilespmem:v48+s3+$0x0], $0xffff  }
0xce: {  	v31 =	vadd.s32 $0x8C82, v17;
	v32 =	vsub.f32 v32, v44;
	v39 =	vsub.f32 v49, v25;
	v29 =	vld.idx.msk [tilespmem:v29+s3+$0x0], $0xffff  }
0xcf: {  	v57 =	vsub.f32 v63, v27;
	v18 =	vadd.f32 v0, v24;
	v0 =	vcvt.s32.f32 v51;
	v23 =	vld.idx.msk [tilespmem:v50+s3+$0x0], $0xffff  }
0xd0: {  	v22 =	vmul.f32 v22, v14;
	v28 =	vsub.f32 v28, v52;
	v24 =	vadd.s32 $0x90C4, v2;
	v58 =	vld.idx.msk [tilespmem:v53+s3+$0x0], $0xffff  }
0xd1: {  	v30 =	vld.idx.msk [tilespmem:v30+s3+$0x0], $0xffff;
	v59 =	vmul.f32 v57, v15;
	v1 =	vsub.f32 v19, v0;
	v19 =	vmul.f32 v15, v32  }
0xd2: {  	v28 =	vmul.f32 v28, v15;
	v60 =	vld.idx.msk [tilespmem:v55+s3+$0x0], $0xffff;
	v0 =	vsub.f32 v21, v41;
	v21 =	vmul.f32 v39, v15  }
0xd3: {  	s20 =	simm.s32 $0x1A7D0;
	v63 =	vadd.s32 $0x8C61, v17;
	v61 =	vld.idx.msk [tilespmem:v56+s3+$0x0], $0xffff;
	v27 =	vadd.f32 v59, v27;
	v19 =	vadd.f32 v19, v44  }
0xd4: {  	v48 =	vadd.s32 $0x8C83, v17;
	v39 =	vadd.f32 v22, v54;
	v41 =	vld [tilespmem:s20+$0xFFFFFFF0];
	v21 =	vadd.f32 v21, v25  }
0xd5: {  	v55 =	vadd.s32 $0x118C2, v2;
	v25 =	vadd.f32 v28, v52;
	v24 =	vld.idx.msk [tilespmem:v24+s3+$0x0], $0xffff;
	v27 =	vsub.f32 v27, v19  }
0xd6: {  	v59 =	vadd.s32 $0x118E3, v2;
	v28 =	vadd.f32 v35, v34;
	v35 =	vadd.s32 $0x90A2, v17  }
0xd7: {  	v25 =	vsub.f32 v25, v21;
	v29 =	vsub.f32 v29, v26;
	v27 =	vmul.f32 v27, v1  }
0xd8: {  	v52 =	vld [tilespmem:s20+$0x0];
	v47 =	vsub.f32 v58, v23;
	v33 =	vsub.f32 v60, v30;
	v60 =	vadd.s32 $0x118E4, v2  }
0xd9: {  	v53 =	vld [tilespmem:s20+$0x200];
	v25 =	vmul.f32 v25, v1;
	v19 =	vadd.f32 v27, v19;
	v27 =	vmul.f32 v29, v20  }
0xda: {  	v57 =	vld [tilespmem:s20+$0xFFFFFDF0];
	v41 =	vmul.f32 $3.200000000e+01, v41;
	v24 =	vsub.f32 v24, v61;
	v29 =	vmul.f32 v47, v20  }
0xdb: {  	v21 =	vadd.f32 v25, v21;
	v25 =	vmul.f32 v33, v20;
	v26 =	vadd.f32 v27, v26  }
0xdc: {  	v24 =	vmul.f32 v24, v20;
	v23 =	vadd.f32 v29, v23;
	v27 =	vadd.f32 v62, v37  }
0xdd: {  	v38 =	vmul.f32 $3.200000000e+01, v52;
	v25 =	vadd.f32 v25, v30;
	v21 =	vsub.f32 v21, v19  }
0xde: {  	v51 =	vld [tilespmem:s20+$0xFFFFFE00];
	v52 =	vadd.s32 $0x11D24, v2;
	v24 =	vadd.f32 v24, v61;
	v27 =	vsub.f32 v27, v28  }
0xdf: {  	v33 =	vmul.f32 $3.200000000e+01, v53;
	v47 =	vmul.f32 $3.200000000e+01, v57;
	v23 =	vsub.f32 v23, v26  }
0xe0: {  	v21 =	vmul.f32 v21, v0;
	v24 =	vsub.f32 v24, v25;
	v49 =	vmul.f32 v27, v14  }
0xe1: {  	v56 =	vmax.f32 v38, $0.0e+00;
	v29 =	vadd.s32 $0x90C3, v17;
	v23 =	vmul.f32 v23, v4  }
0xe2: {  	v21 =	vadd.f32 v21, v19;
	v24 =	vmul.f32 v24, v4;
	v22 =	vadd.f32 v49, v28  }
0xe3: {  	v30 =	vadd.s32 $0x90C4, v17;
	v37 =	vmul.f32 $3.200000000e+01, v51;
	v50 =	vadd.f32 v23, v26  }
0xe4: {  	v58 =	vmax.f32 v33, $0.0e+00;
	v61 =	vld [tilespmem:s20+$0x1F0];
	[tilespmem:s13+$0xFFFFFDF0] =	vst v21;
	v23 =	vadd.f32 v24, v25;
	v54 =	vsub.f32 v22, v39  }
0xe5: {  	v62 =	vadd.s32 $0x11D03, v2;
	v57 =	vmax.f32 v47, $0.0e+00;
	v51 =	vmin.f32 v58, $3.150000000e+01;
	v34 =	vld.idx.msk [tilespmem:v63+s3+$0x0], $0xffff  }
0xe6: {  	v57 =	vmin.f32 v57, $3.150000000e+01;
	v31 =	vld.idx.msk [tilespmem:v31+s3+$0x0], $0xffff;
	v21 =	vsub.f32 v23, v50;
	v32 =	vmul.f32 v54, v5  }
0xe7: {  	v19 =	vadd.s32 $0x118C2, v17;
	v27 =	vadd.s32 $0x118C3, v17;
	v28 =	vadd.s32 $0x118E3, v17;
	v35 =	vld.idx.msk [tilespmem:v35+s3+$0x0], $0xffff  }
0xe8: {  	v26 =	vadd.s32 $0x11D03, v17;
	v36 =	vld.idx.msk [tilespmem:v36+s3+$0x0], $0xffff;
	v21 =	vmul.f32 v21, v3;
	v39 =	vadd.f32 v32, v39  }
0xe9: {  	v49 =	vmin.f32 v56, $3.150000000e+01;
	v44 =	vld.idx.msk [tilespmem:v48+s3+$0x0], $0xffff;
	v25 =	vadd.s32 $0x118E4, v17;
	v24 =	vadd.s32 $0x11D04, v17  }
0xea: {  	v22 =	vadd.s32 $0x11D25, v17;
	v23 =	vadd.s32 $0x11D24, v17;
	v17 =	vld.idx.msk [tilespmem:v46+s3+$0x0], $0xffff;
	v21 =	vadd.f32 v21, v50;
	[tilespmem:s12+$0xFFFFFFF0] =	vst v39  }
0xeb: {  	v51 =	vtrunc.f32 v51;
	v63 =	vmax.f32 v37, $0.0e+00;
	v49 =	vtrunc.f32 v49;
	v12 =	vld.idx.msk [tilespmem:v12+s3+$0x0], $0xffff  }
0xec: {  	v51 =	vcvt.f32.s32 v51;
	v48 =	vmin.f32 v63, $3.150000000e+01;
	v49 =	vcvt.f32.s32 v49;
	v11 =	vld.idx.msk [tilespmem:v11+s3+$0x0], $0xffff;
	[tilespmem:s13+$0x0] =	vst v21  }
0xed: {  	v42 =	vmul.f32 $3.200000000e+01, v61;
	v48 =	vtrunc.f32 v48;
	v36 =	vsub.f32 v36, v35;
	v40 =	vld.idx.msk [tilespmem:v55+s3+$0x0], $0xffff  }
0xee: {  	v48 =	vcvt.f32.s32 v48;
	v53 =	vmul.u32 $0x21, v49;
	v21 =	vadd.s32 $0x11D04, v2;
	v43 =	vld.idx.msk [tilespmem:v43+s3+$0x0], $0xffff  }
0xef: {  	v36 =	vmul.f32 v36, v15;
	v17 =	vsub.f32 v17, v34;
	v2 =	vadd.s32 $0x11D25, v2;
	v45 =	vld.idx.msk [tilespmem:v59+s3+$0x0], $0xffff  }
0xf0: {  	v49 =	vcvt.s32.f32 v49;
	v44 =	vsub.f32 v44, v31;
	v46 =	vld.idx.msk [tilespmem:v60+s3+$0x0], $0xffff;
	v59 =	vmul.u32 $0x441, v51  }
0xf1: {  	v35 =	vadd.f32 v36, v35;
	v32 =	vld.idx.msk [tilespmem:v62+s3+$0x0], $0xffff;
	v54 =	vmul.f32 v17, v15;
	v17 =	vadd.s32 v48, v53  }
0xf2: {  	v52 =	vld.idx.msk [tilespmem:v52+s3+$0x0], $0xffff;
	v60 =	vmax.f32 v41, $0.0e+00;
	v55 =	vmax.f32 v42, $0.0e+00;
	v17 =	vadd.s32 v59, v17  }
0xf3: {  	v48 =	vcvt.s32.f32 v48;
	v61 =	vmin.f32 v60, $3.150000000e+01;
	v53 =	vadd.s32 $0x1, v17;
	v21 =	vld.idx.msk [tilespmem:v21+s3+$0x0], $0xffff  }
0xf4: {  	v55 =	vmin.f32 v55, $3.150000000e+01;
	v50 =	vtrunc.f32 v61;
	v56 =	vadd.s32 $0x21, v17;
	v2 =	vld.idx.msk [tilespmem:v2+s3+$0x0], $0xffff  }
0xf5: {  	v55 =	vtrunc.f32 v55;
	v58 =	vadd.s32 $0x22, v17;
	v59 =	vadd.s32 $0x441, v17  }
0xf6: {  	v50 =	vcvt.f32.s32 v50;
	v43 =	vsub.f32 v43, v40;
	v46 =	vsub.f32 v46, v45  }
0xf7: {  	v61 =	vadd.s32 $0x442, v17;
	v62 =	vadd.s32 $0x462, v17;
	v63 =	vadd.s32 $0x463, v17;
	v60 =	vld.idx.msk [tilespmem:v17+s3+$0x0], $0xffff  }
0xf8: {  	v11 =	vsub.f32 v11, v12;
	v43 =	vmul.f32 v43, v20;
	v46 =	vmul.f32 v46, v20;
	v53 =	vld.idx.msk [tilespmem:v53+s3+$0x0], $0xffff  }
0xf9: {  	v55 =	vcvt.f32.s32 v55;
	v56 =	vld.idx.msk [tilespmem:v56+s3+$0x0], $0xffff;
	v21 =	vsub.f32 v21, v32;
	v2 =	vsub.f32 v2, v52  }
0xfa: {  	v11 =	vmul.f32 v11, v10;
	v40 =	vadd.f32 v43, v40;
	v43 =	vadd.f32 v46, v45;
	v45 =	vld.idx.msk [tilespmem:v59+s3+$0x0], $0xffff  }
0xfb: {  	v34 =	vadd.f32 v54, v34;
	v21 =	vmul.f32 v21, v20;
	v2 =	vmul.f32 v2, v20;
	v20 =	vld.idx.msk [tilespmem:v58+s3+$0x0], $0xffff  }
0xfc: {  	v11 =	vadd.f32 v11, v12;
	v46 =	vtrunc.f32 v57;
	v58 =	vld.idx.msk [tilespmem:v62+s3+$0x0], $0xffff;
	v62 =	vsub.f32 v43, v40  }
0xfd: {  	v59 =	vld.idx.msk [tilespmem:v63+s3+$0x0], $0xffff;
	v46 =	vcvt.f32.s32 v46;
	v43 =	vmul.f32 v44, v15;
	v57 =	vadd.f32 v21, v32  }
0xfe: {  	v2 =	vadd.f32 v2, v52;
	v52 =	vld.idx.msk [tilespmem:v61+s3+$0x0], $0xffff;
	v21 =	vmul.u32 $0x21, v50;
	v61 =	vmul.f32 v62, v4  }
0xff: {  	v44 =	vmul.u32 $0x441, v55;
	v50 =	vcvt.s32.f32 v50;
	v31 =	vadd.f32 v43, v31  }
0x100: {  	v2 =	vsub.f32 v2, v57;
	v21 =	vadd.s32 v46, v21;
	v40 =	vadd.f32 v61, v40  }
0x101: {  	v61 =	vsub.f32 v53, v60;
	v32 =	vadd.s32 v44, v21;
	v21 =	vsub.f32 v37, v48  }
0x102: {  	v20 =	vsub.f32 v20, v56;
	v62 =	vsub.f32 v59, v58;
	v2 =	vmul.f32 v2, v4  }
0x103: {  	v4 =	vadd.s32 $0x1, v32;
	v37 =	vadd.s32 $0x21, v32;
	v52 =	vsub.f32 v52, v45  }
0x104: {  	v48 =	vadd.s32 $0x22, v32;
	v44 =	vmul.f32 v21, v61;
	v20 =	vmul.f32 v20, v21  }
0x105: {  	v30 =	vld.idx.msk [tilespmem:v30+s3+$0x0], $0xffff;
	v53 =	vmul.f32 v62, v21;
	v2 =	vadd.f32 v2, v57;
	v52 =	vmul.f32 v52, v21  }
0x106: {  	v57 =	vld.idx.msk [tilespmem:v29+s3+$0x0], $0xffff;
	v29 =	vadd.s32 $0x441, v32;
	v44 =	vadd.f32 v44, v60;
	v56 =	vadd.f32 v20, v56  }
0x107: {  	v59 =	vadd.s32 $0x442, v32;
	v63 =	vadd.f32 v53, v58;
	v60 =	vld.idx.msk [tilespmem:v32+s3+$0x0], $0xffff;
	v45 =	vadd.f32 v52, v45  }
0x108: {  	v20 =	vsub.f32 v38, v49;
	v38 =	vadd.s32 $0x463, v32;
	v2 =	vsub.f32 v2, v40;
	v53 =	vld.idx.msk [tilespmem:v4+s3+$0x0], $0xffff  }
0x109: {  	v4 =	vadd.s32 $0x462, v32;
	v37 =	vld.idx.msk [tilespmem:v37+s3+$0x0], $0xffff;
	v58 =	vsub.f32 v56, v44;
	v52 =	vsub.f32 v63, v45  }
0x10a: {  	v46 =	vcvt.s32.f32 v46;
	v31 =	vsub.f32 v31, v34;
	v48 =	vld.idx.msk [tilespmem:v48+s3+$0x0], $0xffff;
	v2 =	vmul.f32 v2, v3  }
0x10b: {  	v39 =	vadd.s32 $0x8C61, v32;
	v54 =	vld.idx.msk [tilespmem:v29+s3+$0x0], $0xffff;
	v29 =	vmul.f32 v58, v20;
	v61 =	vmul.f32 v52, v20  }
0x10c: {  	v31 =	vmul.f32 v31, v1;
	v62 =	vld.idx.msk [tilespmem:v59+s3+$0x0], $0xffff;
	v3 =	vsub.f32 v30, v57;
	v30 =	vadd.f32 v2, v40  }
0x10d: {  	v2 =	vcvt.s32.f32 v51;
	v38 =	vld.idx.msk [tilespmem:v38+s3+$0x0], $0xffff;
	v44 =	vadd.f32 v29, v44;
	v45 =	vadd.f32 v61, v45  }
0x10e: {  	v63 =	vcvt.s32.f32 v55;
	v52 =	vld.idx.msk [tilespmem:v4+s3+$0x0], $0xffff;
	v4 =	vsub.f32 v47, v46;
	v55 =	vsub.f32 v53, v60  }
0x10f: {  	v58 =	vadd.s32 $0x8C61, v17;
	v29 =	vsub.f32 v33, v2;
	v56 =	vsub.f32 v45, v44  }
0x110: {  	v47 =	vmul.f32 v3, v15;
	v3 =	vsub.f32 v41, v50;
	v2 =	vsub.f32 v42, v63  }
0x111: {  	v13 =	vld.idx.msk [tilespmem:v13+s3+$0x0], $0xffff;
	v59 =	vsub.f32 v48, v37;
	v53 =	vadd.s32 $0x8C82, v17;
	v33 =	vmul.f32 v56, v29  }
0x112: {  	v41 =	vld.idx.msk [tilespmem:v16+s3+$0x0], $0xffff;
	v61 =	vadd.s32 $0x8C62, v17;
	v16 =	vmul.f32 v4, v55;
	v40 =	vsub.f32 v62, v54  }
0x113: {  	v8 =	vld.idx.msk [tilespmem:v8+s3+$0x0], $0xffff;
	v55 =	vadd.s32 $0x8C83, v17;
	v38 =	vsub.f32 v38, v52;
	v33 =	vadd.f32 v33, v44  }
0x114: {  	s14 =	simm.s32 $0x1B3D0;
	v49 =	vld.idx.msk [tilespmem:v9+s3+$0x0], $0xffff;
	v62 =	vadd.s32 $0x90A2, v17;
	v45 =	vmul.f32 v59, v4;
	v40 =	vmul.f32 v40, v4  }
0x115: {  	v9 =	vadd.f32 v16, v60;
	v60 =	vadd.f32 v47, v57;
	v16 =	vmul.f32 v38, v4;
	[tilespmem:s14+$0xFFFFFE00] =	vst v33  }
0x116: {  	v37 =	vadd.f32 v45, v37;
	v56 =	vadd.s32 $0x90A3, v17;
	v63 =	vadd.f32 v40, v54;
	v40 =	vld.idx.msk [tilespmem:v58+s3+$0x0], $0xffff  }
0x117: {  	v59 =	vadd.s32 $0x90C3, v17;
	v36 =	vsub.f32 v60, v35;
	v16 =	vadd.f32 v16, v52;
	v58 =	vld.idx.msk [tilespmem:v61+s3+$0x0], $0xffff  }
0x118: {  	v31 =	vadd.f32 v31, v34;
	v37 =	vsub.f32 v37, v9;
	v44 =	vld.idx.msk [tilespmem:v53+s3+$0x0], $0xffff;
	v61 =	vadd.s32 $0x90C4, v17  }
0x119: {  	v51 =	vadd.s32 $0x8C83, v32;
	v36 =	vmul.f32 v36, v1;
	v48 =	vld.idx.msk [tilespmem:v55+s3+$0x0], $0xffff;
	v16 =	vsub.f32 v16, v63  }
0x11a: {  	v50 =	vadd.s32 $0x8C82, v32;
	v13 =	vsub.f32 v13, v41;
	v37 =	vmul.f32 v37, v3;
	v33 =	vld.idx.msk [tilespmem:v62+s3+$0x0], $0xffff  }
0x11b: {  	v47 =	vadd.s32 $0x8C62, v32;
	v42 =	vld.idx.msk [tilespmem:v56+s3+$0x0], $0xffff;
	v46 =	vadd.f32 v36, v35;
	v16 =	vmul.f32 v16, v3  }
0x11c: {  	v60 =	vsub.f32 v8, v49;
	v13 =	vmul.f32 v13, v10;
	v45 =	vld.idx.msk [tilespmem:v59+s3+$0x0], $0xffff;
	v62 =	vadd.f32 v37, v9  }
0x11d: {  	v52 =	vadd.s32 $0x90A2, v32;
	v34 =	vsub.f32 v46, v31;
	v9 =	vadd.f32 v16, v63;
	v63 =	vld.idx.msk [tilespmem:v61+s3+$0x0], $0xffff  }
0x11e: {  	v53 =	vadd.s32 $0x90A3, v32;
	v56 =	vld.idx.msk [tilespmem:v6+s3+$0x0], $0xffff;
	v6 =	vadd.s32 $0x118C3, v32;
	v37 =	vadd.s32 $0x90C3, v32  }
0x11f: {  	v34 =	vmul.f32 v34, v0;
	v16 =	vadd.s32 $0x90C4, v32;
	v43 =	vsub.f32 v58, v40  }
0x120: {  	v57 =	vsub.f32 v48, v44;
	v59 =	vsub.f32 v42, v33;
	v42 =	vmul.f32 v60, v10  }
0x121: {  	s25 =	simm.s32 $0x1A7F0;
	v48 =	vadd.f32 v13, v41;
	v55 =	vsub.f32 v9, v62;
	v8 =	vmul.f32 v43, v21  }
0x122: {  	v61 =	vmul.f32 v57, v21;
	v35 =	vmul.f32 v59, v21;
	v59 =	vld [tilespmem:s25+$0x0];
	v38 =	vsub.f32 v63, v45  }
0x123: {  	v58 =	vld.idx.msk [tilespmem:v7+s3+$0x0], $0xffff;
	v42 =	vadd.f32 v42, v49;
	v7 =	vmul.f32 v55, v2;
	v40 =	vadd.f32 v8, v40  }
0x124: {  	v60 =	vld [tilespmem:s25+$0x200];
	v43 =	vadd.f32 v61, v44;
	v35 =	vadd.f32 v35, v33;
	v38 =	vmul.f32 v38, v21  }
0x125: {  	v9 =	vadd.s32 $0x118C2, v32;
	v55 =	vsub.f32 v11, v48;
	v62 =	vadd.f32 v7, v62  }
0x126: {  	v8 =	vadd.s32 $0x118E4, v32;
	v43 =	vsub.f32 v43, v40;
	v63 =	vadd.f32 v38, v45  }
0x127: {  	v57 =	vld [tilespmem:s25+$0xFFFFFE00];
	v11 =	vadd.s32 $0x11D04, v32;
	v61 =	vadd.s32 $0x118C2, v17;
	v46 =	vmul.f32 $3.200000000e+01, v59  }
0x128: {  	v49 =	vld [tilespmem:s25+$0x1F0];
	[tilespmem:s14+$0xFFFFFDF0] =	vst v62;
	v12 =	vmul.f32 v43, v20;
	v45 =	vsub.f32 v58, v56;
	v33 =	vsub.f32 v63, v35  }
0x129: {  	v7 =	vadd.s32 $0x118E3, v32;
	v44 =	vld.idx.msk [tilespmem:v39+s3+$0x0], $0xffff;
	v58 =	vmul.f32 v55, v14;
	v39 =	vmul.f32 $3.200000000e+01, v60  }
0x12a: {  	v54 =	vld.idx.msk [tilespmem:v47+s3+$0x0], $0xffff;
	v60 =	vmax.f32 v46, $0.0e+00;
	v38 =	vmul.f32 v45, v10;
	v13 =	vmul.f32 v33, v20  }
0x12b: {  	v40 =	vadd.f32 v12, v40;
	v12 =	vadd.s32 $0x11D25, v32;
	v10 =	vadd.s32 $0x11D03, v32;
	v33 =	vld.idx.msk [tilespmem:v50+s3+$0x0], $0xffff  }
0x12c: {  	v63 =	vadd.s32 $0x118C3, v17;
	v36 =	vadd.f32 v38, v56;
	v56 =	vld.idx.msk [tilespmem:v51+s3+$0x0], $0xffff;
	v35 =	vadd.f32 v13, v35  }
0x12d: {  	v45 =	vmul.f32 $3.200000000e+01, v57;
	v38 =	vadd.f32 v34, v31;
	v34 =	vld.idx.msk [tilespmem:v52+s3+$0x0], $0xffff;
	v31 =	vadd.f32 v58, v48  }
0x12e: {  	v57 =	vadd.s32 $0x118E4, v17;
	v48 =	vld.idx.msk [tilespmem:v53+s3+$0x0], $0xffff;
	v36 =	vsub.f32 v36, v42;
	v35 =	vsub.f32 v35, v40  }
0x12f: {  	v51 =	vld [tilespmem:s25+$0xFFFFFDF0];
	v58 =	vadd.s32 $0x11D03, v17;
	v59 =	vmax.f32 v45, $0.0e+00;
	v41 =	vsub.f32 v54, v44  }
0x130: {  	v52 =	vmin.f32 v60, $3.150000000e+01;
	v14 =	vmul.f32 v36, v14;
	v35 =	vmul.f32 v35, v29  }
0x131: {  	v52 =	vtrunc.f32 v52;
	v13 =	vadd.s32 $0x11D24, v32;
	v41 =	vmul.f32 v41, v4  }
0x132: {  	v32 =	vadd.f32 v14, v42;
	v42 =	vadd.s32 $0x118E3, v17;
	v40 =	vadd.f32 v35, v40  }
0x133: {  	v52 =	vcvt.f32.s32 v52;
	v62 =	vsub.f32 v56, v33;
	v48 =	vsub.f32 v48, v34  }
0x134: {  	v36 =	vadd.f32 v41, v44;
	v41 =	vmul.f32 $3.200000000e+01, v49;
	v51 =	vmul.f32 $3.200000000e+01, v51;
	v14 =	vld [tilespmem:s25+$0xFFFFFFF0];
	[tilespmem:s14+$0x0] =	vst v40  }
0x135: {  	v35 =	vmul.f32 v62, v4;
	v62 =	vmax.f32 v39, $0.0e+00;
	v47 =	vld.idx.msk [tilespmem:v61+s3+$0x0], $0xffff;
	v61 =	vadd.s32 $0x11D04, v17  }
0x136: {  	v48 =	vmul.f32 v48, v4;
	v54 =	vmin.f32 v62, $3.150000000e+01;
	v43 =	vld.idx.msk [tilespmem:v63+s3+$0x0], $0xffff;
	v63 =	vadd.s32 $0x11D24, v17  }
0x137: {  	v40 =	vmin.f32 v59, $3.150000000e+01;
	v54 =	vtrunc.f32 v54;
	v42 =	vld.idx.msk [tilespmem:v42+s3+$0x0], $0xffff;
	v17 =	vadd.s32 $0x11D25, v17  }
0x138: {  	v62 =	vmax.f32 v41, $0.0e+00;
	v50 =	vld.idx.msk [tilespmem:v57+s3+$0x0], $0xffff;
	v40 =	vtrunc.f32 v40;
	v54 =	vcvt.f32.s32 v54  }
0x139: {  	v59 =	vmul.u32 $0x21, v52;
	v44 =	vmin.f32 v62, $3.150000000e+01;
	v56 =	vld.idx.msk [tilespmem:v58+s3+$0x0], $0xffff;
	v57 =	vcvt.f32.s32 v40  }
0x13a: {  	v14 =	vmul.f32 $3.200000000e+01, v14;
	v44 =	vtrunc.f32 v44;
	v60 =	vmul.u32 $0x441, v54;
	v53 =	vld.idx.msk [tilespmem:v61+s3+$0x0], $0xffff  }
0x13b: {  	v44 =	vcvt.f32.s32 v44;
	v40 =	vadd.s32 v57, v59;
	v59 =	vmax.f32 v51, $0.0e+00;
	v49 =	vld.idx.msk [tilespmem:v63+s3+$0x0], $0xffff  }
0x13c: {  	v61 =	vmax.f32 v14, $0.0e+00;
	v58 =	vld.idx.msk [tilespmem:v17+s3+$0x0], $0xffff;
	v17 =	vadd.s32 v60, v40;
	v43 =	vsub.f32 v43, v47  }
0x13d: {  	v16 =	vld.idx.msk [tilespmem:v16+s3+$0x0], $0xffff;
	v59 =	vmin.f32 v59, $3.150000000e+01;
	v55 =	vmin.f32 v61, $3.150000000e+01;
	v61 =	vadd.s32 $0x21, v17  }
0x13e: {  	[tilespmem:s13+$0xFFFFFFF0] =	vst v38;
	v50 =	vsub.f32 v50, v42;
	v40 =	vld.idx.msk [tilespmem:v37+s3+$0x0], $0xffff;
	v37 =	vadd.s32 $0x22, v17;
	v43 =	vmul.f32 v43, v21  }
0x13f: {  	v23 =	vld.idx.msk [tilespmem:v23+s3+$0x0], $0xffff;
	v62 =	vadd.s32 $0x441, v17;
	v63 =	vtrunc.f32 v55;
	v55 =	vadd.s32 $0x1, v17  }
0x140: {  	v22 =	vld.idx.msk [tilespmem:v22+s3+$0x0], $0xffff;
	v50 =	vmul.f32 v50, v21;
	v60 =	vcvt.f32.s32 v63;
	v43 =	vadd.f32 v43, v47  }
0x141: {  	v47 =	vadd.s32 $0x462, v17;
	v53 =	vsub.f32 v53, v56;
	v58 =	vsub.f32 v58, v49;
	v63 =	vld.idx.msk [tilespmem:v17+s3+$0x0], $0xffff  }
0x142: {  	v59 =	vtrunc.f32 v59;
	v42 =	vadd.f32 v50, v42;
	v50 =	vadd.s32 $0x463, v17;
	v61 =	vld.idx.msk [tilespmem:v61+s3+$0x0], $0xffff  }
0x143: {  	v5 =	vld.idx.msk [tilespmem:v37+s3+$0x0], $0xffff;
	v53 =	vmul.f32 v53, v21;
	v21 =	vmul.f32 v58, v21;
	v58 =	vadd.s32 $0x442, v17  }
0x144: {  	v16 =	vsub.f32 v16, v40;
	v37 =	vmul.u32 $0x21, v60;
	v42 =	vsub.f32 v42, v43;
	v55 =	vld.idx.msk [tilespmem:v55+s3+$0x0], $0xffff  }
0x145: {  	v53 =	vadd.f32 v53, v56;
	v21 =	vadd.f32 v21, v49;
	v49 =	vld.idx.msk [tilespmem:v62+s3+$0x0], $0xffff;
	v56 =	vcvt.f32.s32 v59  }
0x146: {  	v22 =	vsub.f32 v22, v23;
	v59 =	vmul.u32 $0x441, v44;
	v62 =	vmul.f32 v16, v4;
	v16 =	vld.idx.msk [tilespmem:v47+s3+$0x0], $0xffff  }
0x147: {  	v42 =	vmul.f32 v42, v20;
	v47 =	vld.idx.msk [tilespmem:v50+s3+$0x0], $0xffff;
	v21 =	vsub.f32 v21, v53;
	v37 =	vadd.s32 v56, v37  }
0x148: {  	v34 =	vadd.f32 v48, v34;
	v57 =	vcvt.s32.f32 v57;
	v58 =	vld.idx.msk [tilespmem:v58+s3+$0x0], $0xffff;
	v37 =	vadd.s32 v59, v37  }
0x149: {  	v42 =	vadd.f32 v42, v43;
	v20 =	vmul.f32 v21, v20;
	v21 =	vadd.s32 $0x1, v37  }
0x14a: {  	v50 =	vcvt.s32.f32 v60;
	v5 =	vsub.f32 v5, v61;
	v60 =	vsub.f32 v55, v63  }
0x14b: {  	v52 =	vcvt.s32.f32 v52;
	v43 =	vadd.f32 v20, v53;
	v20 =	vsub.f32 v45, v57  }
0x14c: {  	v59 =	vadd.s32 $0x21, v37;
	v47 =	vsub.f32 v47, v16;
	v53 =	vadd.s32 $0x22, v37  }
0x14d: {  	v43 =	vsub.f32 v43, v42;
	v45 =	vmul.f32 v20, v60;
	v57 =	vsub.f32 v58, v49  }
0x14e: {  	v55 =	vadd.s32 $0x441, v37;
	v5 =	vmul.f32 v5, v20;
	v47 =	vmul.f32 v47, v20;
	v60 =	vld.idx.msk [tilespmem:v21+s3+$0x0], $0xffff  }
0x14f: {  	v58 =	vadd.s32 $0x442, v37;
	v29 =	vmul.f32 v43, v29;
	v43 =	vld.idx.msk [tilespmem:v37+s3+$0x0], $0xffff;
	v21 =	vmul.f32 v57, v20  }
0x150: {  	v45 =	vadd.f32 v45, v63;
	v57 =	vadd.s32 $0x462, v37;
	v5 =	vadd.f32 v5, v61  }
0x151: {  	v59 =	vld.idx.msk [tilespmem:v59+s3+$0x0], $0xffff;
	v61 =	vadd.s32 $0x463, v37;
	v16 =	vadd.f32 v47, v16;
	v49 =	vadd.f32 v21, v49  }
0x152: {  	v56 =	vcvt.s32.f32 v56;
	v53 =	vld.idx.msk [tilespmem:v53+s3+$0x0], $0xffff;
	v42 =	vadd.f32 v29, v42;
	v21 =	vsub.f32 v46, v52  }
0x153: {  	v46 =	vld.idx.msk [tilespmem:v55+s3+$0x0], $0xffff;
	v5 =	vsub.f32 v5, v45;
	v29 =	vsub.f32 v16, v49  }
0x154: {  	v44 =	vcvt.s32.f32 v44;
	v47 =	vld.idx.msk [tilespmem:v58+s3+$0x0], $0xffff;
	v16 =	vsub.f32 v51, v56;
	v60 =	vsub.f32 v60, v43  }
0x155: {  	v33 =	vadd.f32 v35, v33;
	v5 =	vmul.f32 v5, v21;
	v55 =	vld.idx.msk [tilespmem:v57+s3+$0x0], $0xffff;
	v63 =	vmul.f32 v29, v21  }
0x156: {  	v29 =	vsub.f32 v14, v50;
	v14 =	vsub.f32 v41, v44;
	v58 =	vmul.f32 v16, v60;
	v60 =	vld.idx.msk [tilespmem:v61+s3+$0x0], $0xffff  }
0x157: {  	v52 =	vld.idx.msk [tilespmem:v26+s3+$0x0], $0xffff;
	v5 =	vadd.f32 v5, v45;
	v61 =	vcvt.s32.f32 v54;
	v63 =	vadd.f32 v63, v49  }
0x158: {  	v57 =	vsub.f32 v53, v59;
	v49 =	vld.idx.msk [tilespmem:v19+s3+$0x0], $0xffff;
	v41 =	vadd.f32 v58, v43  }
0x159: {  	v22 =	vmul.f32 v22, v15;
	v43 =	vld.idx.msk [tilespmem:v27+s3+$0x0], $0xffff;
	v19 =	vsub.f32 v39, v61;
	v27 =	vsub.f32 v63, v5  }
0x15a: {  	v40 =	vadd.f32 v62, v40;
	v45 =	vld.idx.msk [tilespmem:v28+s3+$0x0], $0xffff;
	v28 =	vmul.f32 v57, v16;
	v58 =	vsub.f32 v47, v46  }
0x15b: {  	v39 =	vld.idx.msk [tilespmem:v25+s3+$0x0], $0xffff;
	v25 =	vmul.f32 v27, v19;
	v27 =	vadd.s32 $0x8C61, v17;
	v44 =	vsub.f32 v60, v55  }
0x15c: {  	v54 =	vld.idx.msk [tilespmem:v24+s3+$0x0], $0xffff;
	v24 =	vadd.s32 $0x8C82, v17;
	v26 =	vadd.f32 v28, v59;
	v59 =	vadd.s32 $0x8C62, v17  }
0x15d: {  	v28 =	vmul.f32 v58, v16;
	v5 =	vadd.f32 v25, v5;
	v25 =	vmul.f32 v44, v16  }
0x15e: {  	s15 =	simm.s32 $0x1B3F0;
	v33 =	vsub.f32 v33, v36;
	v40 =	vsub.f32 v40, v34;
	v60 =	vadd.s32 $0x8C83, v17  }
0x15f: {  	v28 =	vadd.f32 v28, v46;
	[tilespmem:s15+$0xFFFFFE00] =	vst v5;
	v5 =	vadd.s32 $0x90A2, v17;
	v25 =	vadd.f32 v25, v55  }
0x160: {  	v38 =	vadd.s32 $0x90C4, v37;
	v40 =	vmul.f32 v40, v3;
	v55 =	vadd.s32 $0x90C3, v17;
	v35 =	vld.idx.msk [tilespmem:v27+s3+$0x0], $0xffff  }
0x161: {  	v26 =	vsub.f32 v26, v41;
	v27 =	vadd.s32 $0x90A3, v17;
	v48 =	vld.idx.msk [tilespmem:v59+s3+$0x0], $0xffff;
	v25 =	vsub.f32 v25, v28  }
0x162: {  	v34 =	vadd.f32 v40, v34;
	v51 =	vadd.s32 $0x8C61, v37;
	v57 =	vld.idx.msk [tilespmem:v24+s3+$0x0], $0xffff;
	v24 =	vadd.s32 $0x90C4, v17  }
0x163: {  	v56 =	vadd.s32 $0x8C62, v37;
	v26 =	vmul.f32 v26, v29;
	v46 =	vld.idx.msk [tilespmem:v60+s3+$0x0], $0xffff;
	v25 =	vmul.f32 v25, v29  }
0x164: {  	v50 =	vadd.s32 $0x8C82, v37;
	v53 =	vadd.s32 $0x8C83, v37;
	v47 =	vadd.s32 $0x90A2, v37;
	v5 =	vld.idx.msk [tilespmem:v5+s3+$0x0], $0xffff  }
0x165: {  	v58 =	vadd.s32 $0x90C3, v37;
	v41 =	vadd.f32 v26, v41;
	v55 =	vld.idx.msk [tilespmem:v55+s3+$0x0], $0xffff;
	v25 =	vadd.f32 v25, v28  }
0x166: {  	v54 =	vsub.f32 v54, v52;
	v43 =	vsub.f32 v43, v49;
	v59 =	vmul.f32 v33, v3;
	v60 =	vld.idx.msk [tilespmem:v27+s3+$0x0], $0xffff  }
0x167: {  	v44 =	vadd.s32 $0x90A3, v37;
	v39 =	vsub.f32 v39, v45;
	v40 =	vld.idx.msk [tilespmem:v24+s3+$0x0], $0xffff;
	v61 =	vsub.f32 v25, v41  }
0x168: {  	v54 =	vmul.f32 v54, v15;
	v26 =	vadd.s32 $0x118E4, v37;
	v36 =	vadd.f32 v59, v36  }
0x169: {  	v43 =	vmul.f32 v43, v15;
	v33 =	vadd.s32 $0x118C2, v37;
	v59 =	vmul.f32 v61, v14  }
0x16a: {  	[tilespmem:s12+$0x200] =	vst v18;
	v34 =	vsub.f32 v34, v36;
	v27 =	vadd.s32 $0x118C3, v37;
	v46 =	vsub.f32 v46, v57  }
0x16b: {  	[tilespmem:s13+$0x200] =	vst v30;
	v28 =	vadd.s32 $0x118E3, v37;
	v62 =	vsub.f32 v48, v35;
	v18 =	vadd.f32 v59, v41  }
0x16c: {  	[tilespmem:s14+$0x200] =	vst v42;
	v63 =	vsub.f32 v60, v5;
	v40 =	vsub.f32 v40, v55;
	v60 =	vmul.f32 v46, v20  }
0x16d: {  	v61 =	vsub.f32 v32, v31;
	v32 =	vmul.f32 v34, v2;
	v34 =	vmul.f32 v62, v20;
	[tilespmem:s15+$0xFFFFFDF0] =	vst v18  }
0x16e: {  	v30 =	vmul.f32 v63, v20;
	v40 =	vmul.f32 v40, v20;
	v63 =	vadd.f32 v60, v57;
	v60 =	vld [tilespmem:$0x1FFF0]  }
0x16f: {  	v62 =	vmul.f32 v39, v15;
	v36 =	vadd.f32 v32, v36;
	v48 =	vadd.f32 v34, v35  }
0x170: {  	v24 =	vadd.s32 $0x11D04, v37;
	v39 =	vld.idx.msk [tilespmem:v51+s3+$0x0], $0xffff;
	v57 =	vadd.f32 v30, v5;
	v5 =	vadd.f32 v40, v55  }
0x171: {  	v25 =	vadd.s32 $0x11D03, v37;
	v32 =	vadd.f32 v43, v49;
	v40 =	vld.idx.msk [tilespmem:v56+s3+$0x0], $0xffff;
	v30 =	vadd.f32 v62, v45  }
0x172: {  	v15 =	vadd.s32 $0x11D24, v37;
	v18 =	vld.idx.msk [tilespmem:v50+s3+$0x0], $0xffff;
	v59 =	vsub.f32 v63, v48;
	v5 =	vsub.f32 v5, v57  }
0x173: {  	v34 =	vadd.f32 v54, v52;
	v41 =	vld.idx.msk [tilespmem:v53+s3+$0x0], $0xffff;
	v62 =	vadd.f32 v22, v23;
	v61 =	vmul.f32 v61, v60  }
0x174: {  	v23 =	vld.idx.msk [tilespmem:v47+s3+$0x0], $0xffff;
	v42 =	vmul.f32 v59, v21;
	v46 =	vsub.f32 v30, v32;
	v63 =	vmul.f32 v5, v21  }
0x175: {  	v22 =	vadd.s32 $0x11D25, v37;
	[tilespmem:s14+$0xFFFFFFF0] =	vst v36;
	v36 =	vld.idx.msk [tilespmem:v44+s3+$0x0], $0xffff;
	v35 =	vsub.f32 v62, v34;
	v5 =	vadd.f32 v61, v31  }
0x176: {  	s11 =	sshll.u32 s10, $0xA;
	s18 =	simm.s32 $0x60;
	s25 =	simm.s32 $0x1A810;
	v30 =	vld.idx.msk [tilespmem:v58+s3+$0x0], $0xffff;
	v42 =	vadd.f32 v42, v48;
	v37 =	vadd.f32 v63, v57;
	v31 =	vmul.f32 v46, v1  }
.LBB2_3:
0x177: {  	v43 =	vld [tilespmem:s25+$0xFFFFFE00];
	v40 =	vsub.f32 v40, v39;
	v35 =	vmul.f32 v35, v1;
	[tilespmem:s12+$0x1F0] =	vst v5;
	v1 =	vmovc v3;
	v3 =	vmov v29;
	s12 =	smov.u32 s13;
	s13 =	smov.u32 s14;
	s14 =	smov.u32 s15  }
0x178: {  	v29 =	vld [tilespmem:s25+$0x0];
	v37 =	vsub.f32 v37, v42;
	v5 =	vadd.f32 v31, v32  }
0x179: {  	v41 =	vsub.f32 v41, v18;
	v31 =	vld [tilespmem:s25+$0x200];
	v40 =	vmul.f32 v40, v16;
	v32 =	vadd.f32 v35, v34  }
0x17a: {  	v46 =	vadd.s32 $0x118C2, v17;
	v35 =	vld [tilespmem:s25+$0xFFFFFFF0];
	v44 =	vmul.f32 v37, v19  }
0x17b: {  	v37 =	vmul.f32 v41, v16;
	v36 =	vsub.f32 v36, v23;
	v41 =	vadd.s32 $0x118C3, v17;
	v48 =	vld [tilespmem:s25+$0x1F0]  }
0x17c: {  	v34 =	vadd.f32 v40, v39;
	v49 =	vld [tilespmem:s25+$0xFFFFFDF0];
	v40 =	vadd.f32 v44, v42;
	v42 =	vadd.s32 $0x118E3, v17  }
0x17d: {  	v45 =	vmul.f32 $3.200000000e+01, v43;
	v44 =	vadd.s32 $0x118E4, v17;
	v29 =	vmul.f32 $3.200000000e+01, v29;
	v43 =	vld.idx.msk [tilespmem:v38+s3+$0x0], $0xffff  }
0x17e: {  	v39 =	vmul.f32 v36, v16;
	v36 =	vadd.s32 $0x11D03, v17;
	v38 =	vmul.f32 $3.200000000e+01, v31;
	[tilespmem:s15+$0x0] =	vst v40;
	v31 =	vld.idx.msk [tilespmem:v9+s3+$0x0], $0xffff;
	v9 =	vmovc v33  }
0x17f: {  	v51 =	vadd.s32 $0x11D04, v17;
	v33 =	vmax.f32 v45, $0.0e+00;
	v40 =	vmax.f32 v29, $0.0e+00;
	v46 =	vld.idx.msk [tilespmem:v46+s3+$0x0], $0xffff  }
0x180: {  	v40 =	vmin.f32 v40, $3.150000000e+01;
	v47 =	vmax.f32 v38, $0.0e+00;
	v52 =	vld.idx.msk [tilespmem:v41+s3+$0x0], $0xffff;
	v41 =	vadd.s32 $0x11D24, v17  }
0x181: {  	v17 =	vadd.s32 $0x11D25, v17;
	v40 =	vtrunc.f32 v40;
	v47 =	vmin.f32 v47, $3.150000000e+01;
	v53 =	vld.idx.msk [tilespmem:v42+s3+$0x0], $0xffff  }
0x182: {  	v33 =	vmin.f32 v33, $3.150000000e+01;
	v50 =	vcvt.f32.s32 v40;
	v40 =	vtrunc.f32 v47;
	v42 =	vld.idx.msk [tilespmem:v44+s3+$0x0], $0xffff  }
0x183: {  	v33 =	vtrunc.f32 v33;
	v44 =	vcvt.f32.s32 v40;
	v40 =	vsub.f32 v43, v30;
	v43 =	vld.idx.msk [tilespmem:v36+s3+$0x0], $0xffff  }
0x184: {  	v54 =	vcvt.f32.s32 v33;
	v47 =	vmul.f32 $3.200000000e+01, v35;
	v33 =	vmul.u32 $0x21, v50;
	v55 =	vld.idx.msk [tilespmem:v51+s3+$0x0], $0xffff  }
0x185: {  	v51 =	vmul.f32 $3.200000000e+01, v49;
	v49 =	vmul.f32 $3.200000000e+01, v48;
	v35 =	vmul.u32 $0x441, v44;
	v48 =	vld.idx.msk [tilespmem:v41+s3+$0x0], $0xffff  }
0x186: {  	v36 =	vmax.f32 v47, $0.0e+00;
	v41 =	vadd.s32 v54, v33;
	v33 =	vmul.f32 v40, v16;
	v56 =	vld.idx.msk [tilespmem:v17+s3+$0x0], $0xffff  }
0x187: {  	v36 =	vmin.f32 v36, $3.150000000e+01;
	v57 =	vmax.f32 v49, $0.0e+00;
	v17 =	vadd.s32 v35, v41;
	v40 =	vld.idx.msk [tilespmem:v6+s3+$0x0], $0xffff;
	v6 =	vmovc v27  }
0x188: {  	v27 =	vtrunc.f32 v36;
	v36 =	vmin.f32 v57, $3.150000000e+01;
	v57 =	vadd.s32 $0x1, v17;
	v35 =	vld.idx.msk [tilespmem:v7+s3+$0x0], $0xffff;
	v7 =	vmovc v28  }
0x189: {  	v28 =	vmax.f32 v51, $0.0e+00;
	v27 =	vcvt.f32.s32 v27;
	v58 =	vadd.s32 $0x21, v17;
	v41 =	vld.idx.msk [tilespmem:v8+s3+$0x0], $0xffff;
	v8 =	vmovc v26  }
0x18a: {  	v59 =	vadd.s32 $0x22, v17;
	v26 =	vmin.f32 v28, $3.150000000e+01;
	v28 =	vtrunc.f32 v36;
	v36 =	vld.idx.msk [tilespmem:v10+s3+$0x0], $0xffff;
	v10 =	vmovc v25  }
0x18b: {  	v52 =	vsub.f32 v52, v46;
	v60 =	vsub.f32 v42, v53;
	v25 =	vadd.s32 $0x441, v17;
	v42 =	vld.idx.msk [tilespmem:v11+s3+$0x0], $0xffff;
	v11 =	vmovc v24  }
0x18c: {  	s18 =	sadd.s32 $0x20, s18;
	v61 =	vadd.s32 $0x442, v17;
	v55 =	vsub.f32 v55, v43;
	v56 =	vsub.f32 v56, v48;
	v24 =	vld.idx.msk [tilespmem:v17+s3+$0x0], $0xffff  }
0x18d: {  	p1 =	slt.u32 s18, $0x1E0;
	v52 =	vmul.f32 v52, v20;
	v62 =	vadd.s32 $0x462, v17;
	v60 =	vmul.f32 v60, v20;
	v57 =	vld.idx.msk [tilespmem:v57+s3+$0x0], $0xffff  }
0x18e: {  	v63 =	vadd.s32 $0x463, v17;
	v55 =	vmul.f32 v55, v20;
	v20 =	vmul.f32 v56, v20;
	v58 =	vld.idx.msk [tilespmem:v58+s3+$0x0], $0xffff  }
0x18f: {  	v52 =	vadd.f32 v52, v46;
	v28 =	vcvt.f32.s32 v28;
	v46 =	vadd.f32 v60, v53;
	v56 =	vld.idx.msk [tilespmem:v59+s3+$0x0], $0xffff  }
0x190: {  	v26 =	vtrunc.f32 v26;
	v53 =	vadd.f32 v55, v43;
	v20 =	vadd.f32 v20, v48;
	v25 =	vld.idx.msk [tilespmem:v25+s3+$0x0], $0xffff  }
0x191: {  	v26 =	vcvt.f32.s32 v26;
	v43 =	vmul.u32 $0x441, v28;
	v48 =	vmul.u32 $0x21, v27;
	v55 =	vld.idx.msk [tilespmem:v61+s3+$0x0], $0xffff  }
0x192: {  	v46 =	vsub.f32 v46, v52;
	v27 =	vcvt.s32.f32 v27;
	v20 =	vsub.f32 v20, v53;
	v59 =	vld.idx.msk [tilespmem:v62+s3+$0x0], $0xffff  }
0x193: {  	v60 =	vcvt.s32.f32 v26;
	v28 =	vcvt.s32.f32 v28;
	v26 =	vadd.s32 v26, v48;
	v61 =	vld.idx.msk [tilespmem:v63+s3+$0x0], $0xffff  }
0x194: {  	v48 =	vadd.s32 v43, v26;
	v26 =	vmul.f32 v46, v21;
	v20 =	vmul.f32 v20, v21;
	v43 =	vld.idx.msk [tilespmem:v13+s3+$0x0], $0xffff  }
0x195: {  	v54 =	vcvt.s32.f32 v54;
	v21 =	vadd.s32 $0x1, v48;
	v62 =	vadd.s32 $0x21, v48;
	v13 =	vmovc v15;
	v46 =	vld.idx.msk [tilespmem:v12+s3+$0x0], $0xffff;
	v12 =	vmovc v22  }
0x196: {  	v15 =	vadd.s32 $0x22, v48;
	v22 =	vadd.f32 v26, v52;
	v26 =	vadd.f32 v20, v53  }
0x197: {  	v52 =	vadd.s32 $0x441, v48;
	v20 =	vsub.f32 v45, v54;
	v45 =	vsub.f32 v57, v24  }
0x198: {  	v53 =	vadd.s32 $0x442, v48;
	v54 =	vsub.f32 v56, v58;
	v26 =	vsub.f32 v26, v22  }
0x199: {  	v55 =	vsub.f32 v55, v25;
	v45 =	vmul.f32 v20, v45;
	v57 =	vsub.f32 v61, v59;
	v56 =	vld.idx.msk [tilespmem:v48+s3+$0x0], $0xffff  }
0x19a: {  	v63 =	vadd.s32 $0x462, v48;
	v19 =	vmul.f32 v26, v19;
	v61 =	vld.idx.msk [tilespmem:v21+s3+$0x0], $0xffff;
	v21 =	vmul.f32 v54, v20  }
0x19b: {  	v24 =	vadd.f32 v45, v24;
	v45 =	vmul.f32 v55, v20;
	v54 =	vmul.f32 v57, v20;
	v26 =	vld.idx.msk [tilespmem:v62+s3+$0x0], $0xffff  }
0x19c: {  	v50 =	vcvt.s32.f32 v50;
	v19 =	vadd.f32 v19, v22;
	v15 =	vld.idx.msk [tilespmem:v15+s3+$0x0], $0xffff;
	v55 =	vadd.f32 v21, v58  }
0x19d: {  	v57 =	vadd.s32 $0x463, v48;
	v25 =	vadd.f32 v45, v25;
	v22 =	vld.idx.msk [tilespmem:v52+s3+$0x0], $0xffff;
	v52 =	vadd.f32 v54, v59  }
0x19e: {  	v45 =	vsub.f32 v51, v60;
	v51 =	vadd.s32 $0x8C61, v48;
	v21 =	vsub.f32 v29, v50;
	v53 =	vld.idx.msk [tilespmem:v53+s3+$0x0], $0xffff;
	[tilespmem:s15+$0x200] =	vst v19  }
0x19f: {  	v50 =	vadd.s32 $0x8C62, v48;
	v19 =	vsub.f32 v55, v24;
	v54 =	vld.idx.msk [tilespmem:v63+s3+$0x0], $0xffff;
	v55 =	vsub.f32 v52, v25  }
0x1a0: {  	v29 =	vsub.f32 v47, v27;
	v27 =	vsub.f32 v61, v56;
	v52 =	vadd.s32 $0x8C82, v48  }
0x1a1: {  	v47 =	vsub.f32 v49, v28;
	v19 =	vmul.f32 v19, v21;
	v28 =	vmul.f32 v55, v21  }
0x1a2: {  	v49 =	vadd.s32 $0x8C83, v48;
	v27 =	vmul.f32 v45, v27;
	v15 =	vsub.f32 v15, v26;
	v55 =	vld.idx.msk [tilespmem:v57+s3+$0x0], $0xffff  }
0x1a3: {  	v44 =	vcvt.s32.f32 v44;
	v24 =	vadd.f32 v19, v24;
	v25 =	vadd.f32 v28, v25  }
0x1a4: {  	v27 =	vadd.f32 v27, v56;
	v15 =	vmul.f32 v15, v45;
	v28 =	vsub.f32 v53, v22  }
0x1a5: {  	v19 =	vsub.f32 v38, v44;
	v53 =	vadd.s32 $0x90A2, v48;
	v25 =	vsub.f32 v25, v24  }
0x1a6: {  	v56 =	vadd.s32 $0x90A3, v48;
	v15 =	vadd.f32 v15, v26;
	v26 =	vmul.f32 v28, v45  }
0x1a7: {  	v44 =	vadd.s32 $0x90C3, v48;
	v28 =	vadd.s32 $0x8C61, v17;
	v25 =	vmul.f32 v25, v19  }
0x1a8: {  	v22 =	vadd.f32 v26, v22;
	v26 =	vsub.f32 v55, v54;
	v55 =	vadd.s32 $0x8C62, v17  }
0x1a9: {  	v15 =	vsub.f32 v15, v27;
	v24 =	vadd.f32 v25, v24;
	v25 =	vadd.s32 $0x8C82, v17  }
0x1aa: {  	s15 =	sadd.s32 $0x20, s15;
	v38 =	vadd.s32 $0x90C4, v48;
	v57 =	vadd.s32 $0x8C83, v17;
	v26 =	vmul.f32 v26, v45  }
0x1ab: {  	v18 =	vadd.f32 v37, v18;
	v15 =	vmul.f32 v15, v29;
	[tilespmem:s15+$0xFFFFFE00] =	vst v24;
	v24 =	vadd.s32 $0x90A2, v17  }
0x1ac: {  	v23 =	vadd.f32 v39, v23;
	v26 =	vadd.f32 v26, v54;
	v54 =	vadd.s32 $0x90A3, v17;
	v37 =	vld.idx.msk [tilespmem:v28+s3+$0x0], $0xffff  }
0x1ad: {  	v39 =	vadd.f32 v15, v27;
	v15 =	vadd.s32 $0x90C3, v17;
	v28 =	vadd.f32 v33, v30;
	v55 =	vld.idx.msk [tilespmem:v55+s3+$0x0], $0xffff  }
0x1ae: {  	v18 =	vsub.f32 v18, v34;
	v58 =	vadd.s32 $0x90C4, v17;
	v26 =	vsub.f32 v26, v22;
	v30 =	vld.idx.msk [tilespmem:v25+s3+$0x0], $0xffff  }
0x1af: {  	v27 =	vadd.s32 $0x118C3, v48;
	v33 =	vadd.s32 $0x118C2, v48;
	v59 =	vsub.f32 v28, v23;
	v57 =	vld.idx.msk [tilespmem:v57+s3+$0x0], $0xffff  }
0x1b0: {  	v18 =	vmul.f32 v18, v3;
	v28 =	vadd.s32 $0x118E3, v48;
	v60 =	vmul.f32 v26, v29;
	v61 =	vld.idx.msk [tilespmem:v24+s3+$0x0], $0xffff  }
0x1b1: {  	v25 =	vadd.s32 $0x11D03, v48;
	v26 =	vadd.s32 $0x118E4, v48;
	v59 =	vmul.f32 v59, v3;
	v54 =	vld.idx.msk [tilespmem:v54+s3+$0x0], $0xffff  }
0x1b2: {  	v18 =	vadd.f32 v18, v34;
	v24 =	vadd.s32 $0x11D04, v48;
	v60 =	vadd.f32 v60, v22;
	v62 =	vld.idx.msk [tilespmem:v15+s3+$0x0], $0xffff  }
0x1b3: {  	v22 =	vadd.s32 $0x11D25, v48;
	v15 =	vadd.s32 $0x11D24, v48;
	v23 =	vadd.f32 v59, v23;
	v34 =	vld.idx.msk [tilespmem:v58+s3+$0x0], $0xffff  }
0x1b4: {  	v40 =	vsub.f32 v40, v31;
	v48 =	vsub.f32 v60, v39  }
0x1b5: {  	v41 =	vsub.f32 v41, v35;
	v23 =	vsub.f32 v23, v18  }
0x1b6: {  	v42 =	vsub.f32 v42, v36;
	v46 =	vsub.f32 v46, v43;
	v48 =	vmul.f32 v48, v47  }
0x1b7: {  	v59 =	vsub.f32 v32, v5;
	v58 =	vmul.f32 v40, v4;
	v23 =	vmul.f32 v23, v14  }
0x1b8: {  	v41 =	vmul.f32 v41, v4;
	v32 =	vsub.f32 v55, v37;
	v40 =	vsub.f32 v57, v30  }
0x1b9: {  	v42 =	vmul.f32 v42, v4;
	v54 =	vsub.f32 v54, v61;
	v34 =	vsub.f32 v34, v62  }
0x1ba: {  	v32 =	vmul.f32 v32, v20;
	v40 =	vmul.f32 v40, v20;
	v39 =	vadd.f32 v48, v39  }
0x1bb: {  	v48 =	vmul.f32 v54, v20;
	v18 =	vadd.f32 v23, v18;
	v34 =	vmul.f32 v34, v20  }
0x1bc: {  	v37 =	vadd.f32 v32, v37;
	v23 =	vadd.f32 v40, v30;
	v30 =	vmul.f32 v46, v4;
	[tilespmem:s15+$0xFFFFFDF0] =	vst v39  }
0x1bd: {  	v4 =	vmov v16;
	v46 =	vadd.f32 v48, v61;
	v34 =	vadd.f32 v34, v62;
	v39 =	vld.idx.msk [tilespmem:v51+s3+$0x0], $0xffff;
	[tilespmem:s14+$0xFFFFFFF0] =	vst v18  }
0x1be: {  	v32 =	vadd.f32 v58, v31;
	v31 =	vadd.f32 v41, v35;
	v48 =	vmul.f32 v59, v0;
	v40 =	vld.idx.msk [tilespmem:v50+s3+$0x0], $0xffff  }
.Ltmp2:
0x1bf: {  	v16 =	vmovc v45;
	v35 =	vsub.f32 v23, v37;
	v0 =	vmov v2;
	v50 =	vsub.f32 v34, v46;
	v18 =	vld.idx.msk [tilespmem:v52+s3+$0x0], $0xffff;
	(pc) =	sbr.rel @p1 .LBB2_3-.Ltmp2, $4  }
0x1c0: {  	v30 =	vadd.f32 v30, v43;
	v2 =	vmovc v14;
	v14 =	vmov v47;
	v34 =	vadd.f32 v42, v36;
	v41 =	vld.idx.msk [tilespmem:v49+s3+$0x0], $0xffff  }
0x1c1: {  	v31 =	vsub.f32 v31, v32;
	v42 =	vmul.f32 v35, v21;
	v43 =	vmul.f32 v50, v21;
	v23 =	vld.idx.msk [tilespmem:v53+s3+$0x0], $0xffff  }
0x1c2: {  	v5 =	vadd.f32 v48, v5;
	v35 =	vsub.f32 v30, v34;
	v36 =	vld.idx.msk [tilespmem:v56+s3+$0x0], $0xffff  }
0x1c3: {  	s25 =	sadd.s32 $0x20, s25;
	v31 =	vmul.f32 v31, v1;
	v42 =	vadd.f32 v42, v37;
	v37 =	vadd.f32 v43, v46;
	v30 =	vld.idx.msk [tilespmem:v44+s3+$0x0], $0xffff  }
0x1c4: {  	_ =	sdelay $0x3  }
0x1c5: {  	v38 =	vld.idx.msk [tilespmem:v38+s3+$0x0], $0xffff;
	_ =	sdelay $0x2  }
0x1c6: {  	v40 =	vsub.f32 v40, v39;
	v37 =	vsub.f32 v37, v42  }
0x1c7: {  	v43 =	vadd.s32 $0x118C2, v17;
	v44 =	vadd.s32 $0x118C3, v17;
	v41 =	vsub.f32 v41, v18  }
0x1c8: {  	v37 =	vmul.f32 v37, v19;
	v36 =	vsub.f32 v36, v23;
	v38 =	vsub.f32 v38, v30  }
0x1c9: {  	v54 =	vadd.s32 $0x118E3, v17;
	v40 =	vmul.f32 v40, v16;
	v41 =	vmul.f32 v41, v16  }
0x1ca: {  	v37 =	vadd.f32 v37, v42;
	v36 =	vmul.f32 v36, v16;
	v38 =	vmul.f32 v38, v16  }
0x1cb: {  	v45 =	vadd.s32 $0x118E4, v17;
	v9 =	vld.idx.msk [tilespmem:v9+s3+$0x0], $0xffff;
	v55 =	vadd.f32 v40, v39;
	v18 =	vadd.f32 v41, v18  }
0x1cc: {  	v56 =	vadd.s32 $0x11D03, v17;
	v6 =	vld.idx.msk [tilespmem:v6+s3+$0x0], $0xffff;
	[tilespmem:s15+$0x0] =	vst v37;
	v23 =	vadd.f32 v36, v23;
	v30 =	vadd.f32 v38, v30  }
0x1cd: {  	v58 =	vadd.s32 $0x11D04, v17;
	v60 =	vadd.s32 $0x11D24, v17;
	v17 =	vadd.s32 $0x11D25, v17;
	v57 =	vld.idx.msk [tilespmem:v43+s3+$0x0], $0xffff  }
0x1ce: {  	v18 =	vsub.f32 v18, v55;
	v59 =	vld.idx.msk [tilespmem:v44+s3+$0x0], $0xffff;
	v30 =	vsub.f32 v30, v23  }
0x1cf: {  	v42 =	vld.idx.msk [tilespmem:v54+s3+$0x0], $0xffff  }
0x1d0: {  	v61 =	vld.idx.msk [tilespmem:v45+s3+$0x0], $0xffff;
	v18 =	vmul.f32 v18, v29;
	v30 =	vmul.f32 v30, v29  }
0x1d1: {  	v37 =	vld.idx.msk [tilespmem:v56+s3+$0x0], $0xffff  }
0x1d2: {  	v17 =	vld.idx.msk [tilespmem:v17+s3+$0x0], $0xffff;
	v18 =	vadd.f32 v18, v55;
	v23 =	vadd.f32 v30, v23  }
0x1d3: {  	v38 =	vld.idx.msk [tilespmem:v60+s3+$0x0], $0xffff  }
0x1d4: {  	v41 =	vld.idx.msk [tilespmem:v58+s3+$0x0], $0xffff;
	v23 =	vsub.f32 v23, v18  }
0x1d5: {  	v7 =	vld.idx.msk [tilespmem:v7+s3+$0x0], $0xffff  }
0x1d6: {  	v8 =	vld.idx.msk [tilespmem:v8+s3+$0x0], $0xffff;
	v23 =	vmul.f32 v23, v14  }
0x1d7: {  	v10 =	vld.idx.msk [tilespmem:v10+s3+$0x0], $0xffff;
	v62 =	vsub.f32 v61, v42  }
0x1d8: {  	v11 =	vld.idx.msk [tilespmem:v11+s3+$0x0], $0xffff;
	v17 =	vsub.f32 v17, v38;
	v18 =	vadd.f32 v23, v18  }
0x1d9: {  	v13 =	vld.idx.msk [tilespmem:v13+s3+$0x0], $0xffff;
	v30 =	vsub.f32 v59, v57;
	v23 =	vsub.f32 v41, v37  }
0x1da: {  	v12 =	vld.idx.msk [tilespmem:v12+s3+$0x0], $0xffff;
	v36 =	vmul.f32 v62, v20;
	v17 =	vmul.f32 v17, v20;
	[tilespmem:s15+$0xFFFFFFF0] =	vst v18  }
0x1db: {  	v30 =	vmul.f32 v30, v20;
	v18 =	vmul.f32 v23, v20;
	v20 =	vld.idx.msk [tilespmem:v33+s3+$0x0], $0xffff  }
0x1dc: {  	v8 =	vsub.f32 v8, v7;
	v27 =	vld.idx.msk [tilespmem:v27+s3+$0x0], $0xffff  }
0x1dd: {  	v28 =	vld.idx.msk [tilespmem:v28+s3+$0x0], $0xffff  }
0x1de: {  	v6 =	vsub.f32 v6, v9;
	v11 =	vsub.f32 v11, v10;
	v8 =	vmul.f32 v8, v4;
	v26 =	vld.idx.msk [tilespmem:v26+s3+$0x0], $0xffff  }
0x1df: {  	v31 =	vadd.f32 v31, v32;
	v12 =	vsub.f32 v12, v13;
	v25 =	vld.idx.msk [tilespmem:v25+s3+$0x0], $0xffff  }
0x1e0: {  	v6 =	vmul.f32 v6, v4;
	v7 =	vadd.f32 v8, v7;
	v8 =	vmul.f32 v11, v4;
	v24 =	vld.idx.msk [tilespmem:v24+s3+$0x0], $0xffff  }
0x1e1: {  	v4 =	vmul.f32 v12, v4;
	v17 =	vadd.f32 v17, v38;
	v15 =	vld.idx.msk [tilespmem:v15+s3+$0x0], $0xffff;
	v18 =	vadd.f32 v18, v37  }
0x1e2: {  	v1 =	vmul.f32 v35, v1;
	v6 =	vadd.f32 v6, v9;
	v8 =	vadd.f32 v8, v10;
	v22 =	vld.idx.msk [tilespmem:v22+s3+$0x0], $0xffff  }
0x1e3: {  	v4 =	vadd.f32 v4, v13;
	v17 =	vsub.f32 v17, v18  }
0x1e4: {  	v1 =	vadd.f32 v1, v34;
	v7 =	vsub.f32 v7, v6  }
0x1e5: {  	v4 =	vsub.f32 v4, v8;
	v17 =	vmul.f32 v17, v21;
	v9 =	vsub.f32 v27, v20  }
0x1e6: {  	v11 =	vsub.f32 v26, v28;
	v12 =	vsub.f32 v24, v25  }
0x1e7: {  	v17 =	vadd.f32 v17, v18;
	v18 =	vsub.f32 v22, v15  }
0x1e8: {  	v23 =	vadd.f32 v30, v57;
	v9 =	vmul.f32 v9, v16;
	v10 =	vmul.f32 v11, v16  }
0x1e9: {  	v30 =	vadd.f32 v36, v42;
	v11 =	vmul.f32 v12, v16;
	v12 =	vmul.f32 v18, v16  }
0x1ea: {  	v9 =	vadd.f32 v9, v20;
	v10 =	vadd.f32 v10, v28  }
0x1eb: {  	v11 =	vadd.f32 v11, v25;
	v12 =	vadd.f32 v12, v15  }
0x1ec: {  	v7 =	vmul.f32 v7, v3;
	v3 =	vmul.f32 v4, v3;
	v30 =	vsub.f32 v30, v23  }
0x1ed: {  	v10 =	vsub.f32 v10, v9;
	v12 =	vsub.f32 v12, v11  }
0x1ee: {  	v6 =	vadd.f32 v7, v6;
	v3 =	vadd.f32 v3, v8;
	v30 =	vmul.f32 v30, v21  }
0x1ef: {  	v1 =	vsub.f32 v1, v31;
	v4 =	vmul.f32 v10, v29;
	v10 =	vmul.f32 v12, v29  }
0x1f0: {  	v3 =	vsub.f32 v3, v6;
	v21 =	vadd.f32 v30, v23  }
0x1f1: {  	v4 =	vadd.f32 v4, v9;
	v7 =	vadd.f32 v10, v11  }
0x1f2: {  	v0 =	vmul.f32 v1, v0;
	v13 =	vsub.f32 v17, v21  }
0x1f3: {  	v2 =	vmul.f32 v3, v2;
	v1 =	vsub.f32 v7, v4  }
0x1f4: {  	v0 =	vadd.f32 v0, v31;
	v8 =	vmul.f32 v13, v19  }
0x1f5: {  	[tilespmem:s12+$0x1F0] =	vst v5;
	v2 =	vadd.f32 v2, v6;
	v1 =	vmul.f32 v1, v14  }
0x1f6: {  	s12 =	sor.u32 s7, s11;
	[tilespmem:s13+$0x1F0] =	vst v0;
	v7 =	vadd.f32 v8, v21  }
0x1f7: {  	s20 =	sor.u32 s5, s12;
	[tilespmem:s14+$0x1F0] =	vst v2;
	v0 =	vadd.f32 v1, v4  }
0x1f8: {  	s13 =	sshrl.u32 s20, $0x3;
	[tilespmem:s15+$0x200] =	vst v7  }
0x1f9: {  	s25 =	sor.u32 s8, s12;
	s13 =	sadd.s32 s6, s13;
	[tilespmem:s15+$0x1F0] =	vst v0  }
0x1fa: {  	[hbm4b:s13+s3] =	stream.linear.scatter [tilespmem:s28], [sflag:$0x4], $0x200, $0x38;
	[tilespmem:$0x1BD80] =	vst v63  }
0x1fb: {  	s13 =	sshrl.u32 s25, $0x3  }
0x1fc: {  	s14 =	sor.u32 s9, s12;
	s13 =	sadd.s32 s6, s13  }
0x1fd: {  	[hbm4b:s13+s3] =	stream.linear.scatter [tilespmem:s29], [sflag:$0x4], $0x200, $0x38;
	[tilespmem:$0x1BD80] =	vst v63  }
0x1fe: {  	s13 =	sshrl.u32 s14, $0x3  }
0x1ff: {  	p1 =	seq.s32 s10, $0x3F;
	s13 =	sadd.s32 s6, s13  }
0x200: {  	[hbm4b:s13+s3] =	stream.linear.scatter [tilespmem:s30], [sflag:$0x4], $0x200, $0x38;
	[tilespmem:$0x1BD80] =	vst v63  }
0x201: {  	s13 =	sadd.s32 @!p1 s11, s16  }
0x202: {  	s14 =	sadd.s32 @!p1 s5, s13  }
0x203: {  	s14 =	sshrl.u32 @!p1 s14, $0x3  }
0x204: {  	s18 =	simm.s32 @!p1 $0x1A580;
	s15 =	simm.s32 @!p1 $0x0;
	s14 =	sadd.s32 @!p1 s1, s14  }
0x205: {  	[tilespmem:s18], [sflag:$0x2] =	stream.linear.gather @!p1 [hbm4b:s14+s15], $0x200, $0x38;
	[tilespmem:$0x1BD80] =	vst v63  }
0x206: {  	s14 =	sadd.s32 @!p1 s8, s13  }
0x207: {  	s13 =	sadd.s32 @!p1 s9, s13;
	s14 =	sshrl.u32 @!p1 s14, $0x3  }
0x208: {  	s18 =	simm.s32 @!p1 $0x1A780;
	s13 =	sshrl.u32 @!p1 s13, $0x3;
	s14 =	sadd.s32 @!p1 s1, s14  }
0x209: {  	[tilespmem:s18], [sflag:$0x2] =	stream.linear.gather @!p1 [hbm4b:s14+s15], $0x200, $0x38;
	[tilespmem:$0x1BD80] =	vst v63  }
0x20a: {  	s13 =	sadd.s32 @!p1 s1, s13;
	s14 =	simm.s32 @!p1 $0x1A980  }
0x20b: {  	[tilespmem:s14], [sflag:$0x2] =	stream.linear.gather @!p1 [hbm4b:s13+s15], $0x200, $0x38;
	[tilespmem:$0x1BD80] =	vst v63  }
0x20c: {  	_ =	swait.ge [sflag:s31], $0x200  }
0x20d: {  	[sflag:s31] =	ssyncset.done $0x0  }
0x20e: {  	[sflag:s31] =	ssyncadd.s32 $0xFFFFFE00  }
0x20f: {  	_ =	swait.ge [sflag:s31], $0x200  }
0x210: {  	[sflag:s31] =	ssyncset.done $0x0  }
0x211: {  	[sflag:s31] =	ssyncadd.s32 $0xFFFFFE00  }
0x212: {  	_ =	swait.ge [sflag:s31], $0x200  }
0x213: {  	[sflag:s31] =	ssyncset.done $0x0  }
0x214: {  	s13 =	simm.s32 @!p0 $0x5;
	[sflag:s31] =	ssyncadd.s32 $0xFFFFFE00  }
0x215: {  	_ =	swait.ge @!p0 [sflag:s13], $0x200  }
0x216: {  	[sflag:s13] =	ssyncset.done @!p0 $0x0  }
0x217: {  	[sflag:s13] =	ssyncadd.s32 @!p0 $0xFFFFFE00  }
0x218: {  	_ =	swait.ge @!p0 [sflag:s13], $0x200  }
0x219: {  	[sflag:s13] =	ssyncset.done @!p0 $0x0  }
0x21a: {  	[sflag:s13] =	ssyncadd.s32 @!p0 $0xFFFFFE00  }
0x21b: {  	_ =	swait.ge @!p0 [sflag:s13], $0x200  }
0x21c: {  	[sflag:s13] =	ssyncset.done @!p0 $0x0  }
0x21d: {  	s15 =	simm.s32 $0x1AD90;
	[sflag:s13] =	ssyncadd.s32 @!p0 $0xFFFFFE00  }
0x21e: {  	v0 =	vld [tilespmem:s15+$0x0]  }
0x21f: {  	v1 =	vld [tilespmem:s15+$0x200]  }
0x220: {  	v2 =	vld [tilespmem:s15+$0xFFFFFE00];
	_ =	sdelay $0x2  }
0x221: {  	v0 =	vmul.f32 $3.200000000e+01, v0  }
0x222: {  	v5 =	vmul.f32 $3.200000000e+01, v1  }
0x223: {  	v1 =	vmul.f32 $3.200000000e+01, v2;
	v2 =	vmax.f32 v0, $0.0e+00  }
0x224: {  	v3 =	vmax.f32 v5, $0.0e+00;
	v2 =	vmin.f32 v2, $3.150000000e+01  }
0x225: {  	v4 =	vmax.f32 v1, $0.0e+00;
	v3 =	vmin.f32 v3, $3.150000000e+01;
	v2 =	vtrunc.f32 v2  }
0x226: {  	v4 =	vmin.f32 v4, $3.150000000e+01;
	v6 =	vcvt.f32.s32 v2;
	v2 =	vtrunc.f32 v3  }
0x227: {  	v3 =	vtrunc.f32 v4;
	v7 =	vcvt.f32.s32 v2  }
0x228: {  	v3 =	vcvt.f32.s32 v3;
	v2 =	vmul.u32 $0x21, v6  }
0x229: {  	v4 =	vmul.u32 $0x441, v7  }
0x22a: {  	v2 =	vadd.s32 v3, v2  }
0x22b: {  	v2 =	vadd.s32 v4, v2  }
0x22c: {  	v4 =	vadd.s32 $0x1, v2  }
0x22d: {  	v8 =	vld [tilespmem:s15+$0xFFFFFFF0];
	v9 =	vadd.s32 $0x21, v2  }
0x22e: {  	v10 =	vld [tilespmem:s15+$0x1F0];
	v11 =	vadd.s32 $0x22, v2  }
0x22f: {  	v12 =	vld [tilespmem:s15+$0xFFFFFDF0];
	v13 =	vadd.s32 $0x441, v2  }
0x230: {  	v15 =	vadd.s32 $0x442, v2;
	v14 =	vld.idx.msk [tilespmem:v2+s3+$0x0], $0xffff  }
0x231: {  	v16 =	vadd.s32 $0x462, v2;
	v4 =	vld.idx.msk [tilespmem:v4+s3+$0x0], $0xffff  }
0x232: {  	v17 =	vadd.s32 $0x463, v2;
	v9 =	vld.idx.msk [tilespmem:v9+s3+$0x0], $0xffff  }
0x233: {  	v11 =	vld.idx.msk [tilespmem:v11+s3+$0x0], $0xffff  }
0x234: {  	v18 =	vmul.f32 $3.200000000e+01, v10;
	v13 =	vld.idx.msk [tilespmem:v13+s3+$0x0], $0xffff  }
0x235: {  	v12 =	vmul.f32 $3.200000000e+01, v12;
	v10 =	vld.idx.msk [tilespmem:v15+s3+$0x0], $0xffff  }
0x236: {  	v8 =	vmul.f32 $3.200000000e+01, v8;
	v19 =	vmax.f32 v18, $0.0e+00;
	v16 =	vld.idx.msk [tilespmem:v16+s3+$0x0], $0xffff  }
0x237: {  	v20 =	vmax.f32 v12, $0.0e+00;
	v19 =	vmin.f32 v19, $3.150000000e+01;
	v3 =	vcvt.s32.f32 v3;
	v17 =	vld.idx.msk [tilespmem:v17+s3+$0x0], $0xffff  }
0x238: {  	v20 =	vmin.f32 v20, $3.150000000e+01;
	v19 =	vtrunc.f32 v19  }
0x239: {  	v3 =	vsub.f32 v1, v3;
	v1 =	vtrunc.f32 v20;
	v15 =	vmax.f32 v8, $0.0e+00  }
0x23a: {  	v19 =	vcvt.f32.s32 v19;
	v20 =	vcvt.f32.s32 v1;
	v15 =	vmin.f32 v15, $3.150000000e+01  }
0x23b: {  	v15 =	vtrunc.f32 v15;
	v4 =	vsub.f32 v4, v14;
	v11 =	vsub.f32 v11, v9  }
0x23c: {  	v15 =	vcvt.f32.s32 v15;
	v1 =	vsub.f32 v10, v13;
	v10 =	vsub.f32 v17, v16  }
0x23d: {  	v4 =	vmul.f32 v3, v4;
	v11 =	vmul.f32 v11, v3  }
0x23e: {  	v17 =	vmul.u32 $0x21, v15;
	v1 =	vmul.f32 v1, v3;
	v10 =	vmul.f32 v10, v3  }
0x23f: {  	v14 =	vadd.f32 v4, v14;
	v4 =	vcvt.s32.f32 v6;
	v6 =	vadd.f32 v11, v9  }
0x240: {  	v9 =	vmul.u32 $0x441, v19;
	v11 =	vadd.f32 v1, v13;
	v10 =	vadd.f32 v10, v16  }
0x241: {  	v13 =	vadd.s32 v20, v17;
	v1 =	vsub.f32 v0, v4  }
0x242: {  	v4 =	vadd.s32 v9, v13;
	v0 =	vsub.f32 v6, v14;
	v6 =	vsub.f32 v10, v11  }
0x243: {  	v9 =	vadd.s32 $0x1, v4  }
0x244: {  	v10 =	vadd.s32 $0x21, v4;
	v0 =	vmul.f32 v0, v1;
	v6 =	vmul.f32 v6, v1  }
0x245: {  	v7 =	vcvt.s32.f32 v7;
	v13 =	vadd.s32 $0x22, v4  }
0x246: {  	v16 =	vadd.s32 $0x441, v4;
	v14 =	vadd.f32 v0, v14;
	v6 =	vadd.f32 v6, v11  }
0x247: {  	v21 =	vadd.s32 $0x462, v4;
	v17 =	vld.idx.msk [tilespmem:v4+s3+$0x0], $0xffff  }
0x248: {  	v11 =	vadd.s32 $0x442, v4;
	v0 =	vsub.f32 v5, v7;
	v9 =	vld.idx.msk [tilespmem:v9+s3+$0x0], $0xffff;
	v5 =	vsub.f32 v6, v14  }
0x249: {  	v7 =	vadd.s32 $0x463, v4;
	v6 =	vld.idx.msk [tilespmem:v10+s3+$0x0], $0xffff  }
0x24a: {  	v13 =	vld.idx.msk [tilespmem:v13+s3+$0x0], $0xffff;
	v10 =	vadd.s32 $0x8C61, v2;
	v5 =	vmul.f32 v5, v0  }
0x24b: {  	v22 =	vadd.s32 $0x8C62, v2;
	v16 =	vld.idx.msk [tilespmem:v16+s3+$0x0], $0xffff  }
0x24c: {  	v21 =	vld.idx.msk [tilespmem:v21+s3+$0x0], $0xffff;
	v5 =	vadd.f32 v5, v14;
	v14 =	vadd.s32 $0x8C82, v2  }
0x24d: {  	s13 =	simm.s32 $0x1B990;
	v23 =	vadd.s32 $0x8C83, v2;
	v11 =	vld.idx.msk [tilespmem:v11+s3+$0x0], $0xffff  }
0x24e: {  	v26 =	vadd.s32 $0x90C3, v2;
	v7 =	vld.idx.msk [tilespmem:v7+s3+$0x0], $0xffff;
	[tilespmem:s13+$0xFFFFFE00] =	vst v5  }
0x24f: {  	v25 =	vadd.s32 $0x90A3, v2;
	v24 =	vld.idx.msk [tilespmem:v10+s3+$0x0], $0xffff  }
0x250: {  	v5 =	vadd.s32 $0x90A2, v2;
	v22 =	vld.idx.msk [tilespmem:v22+s3+$0x0], $0xffff  }
0x251: {  	v27 =	vld.idx.msk [tilespmem:v14+s3+$0x0], $0xffff;
	v14 =	vadd.s32 $0x90C4, v2  }
0x252: {  	v10 =	vcvt.s32.f32 v20;
	v20 =	vld.idx.msk [tilespmem:v23+s3+$0x0], $0xffff  }
0x253: {  	v23 =	vld.idx.msk [tilespmem:v26+s3+$0x0], $0xffff  }
0x254: {  	v9 =	vsub.f32 v9, v17;
	v10 =	vsub.f32 v12, v10;
	v12 =	vld.idx.msk [tilespmem:v25+s3+$0x0], $0xffff  }
0x255: {  	v15 =	vcvt.s32.f32 v15;
	v13 =	vsub.f32 v13, v6;
	v5 =	vld.idx.msk [tilespmem:v5+s3+$0x0], $0xffff  }
0x256: {  	v9 =	vmul.f32 v10, v9;
	v25 =	vld.idx.msk [tilespmem:v14+s3+$0x0], $0xffff  }
0x257: {  	v7 =	vsub.f32 v7, v21;
	v14 =	vsub.f32 v8, v15;
	v8 =	vmul.f32 v13, v10  }
0x258: {  	v11 =	vsub.f32 v11, v16;
	v9 =	vadd.f32 v9, v17  }
0x259: {  	v7 =	vmul.f32 v7, v10;
	v13 =	vsub.f32 v20, v27;
	v6 =	vadd.f32 v8, v6  }
0x25a: {  	v8 =	vmul.f32 v11, v10;
	v11 =	vsub.f32 v22, v24;
	v12 =	vsub.f32 v12, v5  }
0x25b: {  	v7 =	vadd.f32 v7, v21;
	v13 =	vmul.f32 v13, v3;
	v15 =	vsub.f32 v25, v23  }
0x25c: {  	v8 =	vadd.f32 v8, v16;
	v11 =	vmul.f32 v11, v3;
	v12 =	vmul.f32 v12, v3  }
0x25d: {  	v13 =	vadd.f32 v13, v27;
	v6 =	vsub.f32 v6, v9;
	v15 =	vmul.f32 v15, v3  }
0x25e: {  	v11 =	vadd.f32 v11, v24;
	v7 =	vsub.f32 v7, v8  }
0x25f: {  	v5 =	vadd.f32 v12, v5;
	v12 =	vadd.f32 v15, v23  }
0x260: {  	v6 =	vmul.f32 v6, v14;
	v13 =	vsub.f32 v13, v11;
	v7 =	vmul.f32 v7, v14  }
0x261: {  	v12 =	vsub.f32 v12, v5  }
0x262: {  	v6 =	vadd.f32 v6, v9;
	v13 =	vmul.f32 v13, v1;
	v7 =	vadd.f32 v7, v8  }
0x263: {  	s18 =	simm.s32 $0x1ADB0;
	v15 =	vcvt.s32.f32 v19;
	v12 =	vmul.f32 v12, v1  }
0x264: {  	v8 =	vadd.f32 v13, v11;
	v11 =	vld [tilespmem:s18+$0x0];
	v7 =	vsub.f32 v7, v6  }
0x265: {  	v13 =	vld [tilespmem:s18+$0xFFFFFE00];
	v9 =	vadd.f32 v12, v5;
	v5 =	vsub.f32 v18, v15  }
0x266: {  	v12 =	vld [tilespmem:s18+$0x200]  }
0x267: {  	v30 =	vadd.s32 $0x8C62, v4;
	v15 =	vadd.s32 $0x8C61, v4;
	v7 =	vmul.f32 v7, v5  }
0x268: {  	v31 =	vadd.s32 $0x8C82, v4;
	v34 =	vadd.s32 $0x90A2, v4;
	v9 =	vsub.f32 v9, v8;
	[tilespmem:$0x1FFE0] =	vst v5  }
0x269: {  	v37 =	vadd.s32 $0x90C3, v4;
	v17 =	vmul.f32 $3.200000000e+01, v11;
	v19 =	vld [tilespmem:s18+$0xFFFFFFF0];
	v6 =	vadd.f32 v7, v6  }
0x26a: {  	v40 =	vadd.s32 $0x90C4, v4;
	v20 =	vmul.f32 $3.200000000e+01, v13;
	v21 =	vld [tilespmem:s18+$0x1F0];
	v9 =	vmul.f32 v9, v0  }
0x26b: {  	v11 =	vadd.s32 $0x118C3, v2;
	v23 =	vld [tilespmem:s18+$0xFFFFFDF0];
	v7 =	vadd.s32 $0x118C2, v2;
	v18 =	vmul.f32 $3.200000000e+01, v12;
	[tilespmem:s13+$0xFFFFFDF0] =	vst v6  }
0x26c: {  	v16 =	vmax.f32 v20, $0.0e+00;
	v8 =	vadd.f32 v9, v8;
	v9 =	vmax.f32 v17, $0.0e+00;
	v15 =	vld.idx.msk [tilespmem:v15+s3+$0x0], $0xffff  }
0x26d: {  	v12 =	vadd.s32 $0x118E4, v2;
	v9 =	vmin.f32 v9, $3.150000000e+01;
	v13 =	vmax.f32 v18, $0.0e+00;
	v30 =	vld.idx.msk [tilespmem:v30+s3+$0x0], $0xffff  }
0x26e: {  	v6 =	vadd.s32 $0x118E3, v2;
	v34 =	vld.idx.msk [tilespmem:v34+s3+$0x0], $0xffff;
	v9 =	vtrunc.f32 v9;
	v13 =	vmin.f32 v13, $3.150000000e+01  }
0x26f: {  	v16 =	vmin.f32 v16, $3.150000000e+01;
	v37 =	vld.idx.msk [tilespmem:v37+s3+$0x0], $0xffff;
	v22 =	vcvt.f32.s32 v9;
	v9 =	vtrunc.f32 v13  }
0x270: {  	v40 =	vld.idx.msk [tilespmem:v40+s3+$0x0], $0xffff;
	[tilespmem:s13+$0x0] =	vst v8;
	v8 =	vadd.s32 $0x11D03, v2;
	v13 =	vtrunc.f32 v16;
	v24 =	vcvt.f32.s32 v9  }
0x271: {  	v25 =	vld.idx.msk [tilespmem:v7+s3+$0x0], $0xffff;
	v7 =	vadd.s32 $0x11D04, v2;
	v26 =	vcvt.f32.s32 v13;
	v9 =	vmul.u32 $0x21, v22  }
0x272: {  	v33 =	vadd.s32 $0x8C83, v4;
	v27 =	vld.idx.msk [tilespmem:v11+s3+$0x0], $0xffff;
	v11 =	vadd.s32 $0x11D24, v2;
	v13 =	vmul.u32 $0x441, v24  }
0x273: {  	v36 =	vadd.s32 $0x90A3, v4;
	v28 =	vld.idx.msk [tilespmem:v6+s3+$0x0], $0xffff;
	v6 =	vadd.s32 $0x11D25, v2;
	v2 =	vadd.s32 v26, v9  }
0x274: {  	v19 =	vmul.f32 $3.200000000e+01, v19;
	v21 =	vmul.f32 $3.200000000e+01, v21;
	v29 =	vld.idx.msk [tilespmem:v12+s3+$0x0], $0xffff;
	v2 =	vadd.s32 v13, v2  }
0x275: {  	v23 =	vmul.f32 $3.200000000e+01, v23;
	v16 =	vadd.s32 $0x118C2, v4;
	v32 =	vld.idx.msk [tilespmem:v8+s3+$0x0], $0xffff;
	v8 =	vadd.s32 $0x1, v2  }
0x276: {  	v12 =	vadd.s32 $0x118E3, v4;
	v50 =	vmax.f32 v21, $0.0e+00;
	v63 =	vld.idx.msk [tilespmem:v7+s3+$0x0], $0xffff;
	v7 =	vadd.s32 $0x21, v2  }
0x277: {  	v60 =	vmax.f32 v23, $0.0e+00;
	v59 =	vmin.f32 v50, $3.150000000e+01;
	v38 =	vld.idx.msk [tilespmem:v11+s3+$0x0], $0xffff;
	v53 =	vadd.s32 $0x22, v2  }
0x278: {  	v62 =	vmin.f32 v60, $3.150000000e+01;
	v22 =	vcvt.s32.f32 v22;
	v55 =	vadd.s32 $0x441, v2;
	v54 =	vld.idx.msk [tilespmem:v6+s3+$0x0], $0xffff  }
0x279: {  	v61 =	vtrunc.f32 v59;
	v30 =	vsub.f32 v30, v15;
	v57 =	vadd.s32 $0x442, v2;
	v56 =	vld.idx.msk [tilespmem:v2+s3+$0x0], $0xffff  }
0x27a: {  	v24 =	vcvt.s32.f32 v24;
	v40 =	vsub.f32 v40, v37;
	v48 =	vadd.s32 $0x463, v2;
	v58 =	vld.idx.msk [tilespmem:v8+s3+$0x0], $0xffff  }
0x27b: {  	v9 =	vadd.s32 $0x11D03, v4;
	v26 =	vcvt.s32.f32 v26;
	v13 =	vadd.s32 $0x118C3, v4;
	v47 =	vld.idx.msk [tilespmem:v7+s3+$0x0], $0xffff  }
0x27c: {  	v11 =	vadd.s32 $0x118E4, v4;
	v46 =	vadd.s32 $0x462, v2;
	v29 =	vsub.f32 v29, v28;
	v39 =	vld.idx.msk [tilespmem:v53+s3+$0x0], $0xffff  }
0x27d: {  	v30 =	vmul.f32 v30, v10;
	v20 =	vsub.f32 v20, v26;
	v26 =	vtrunc.f32 v62;
	v42 =	vld.idx.msk [tilespmem:v55+s3+$0x0], $0xffff  }
0x27e: {  	v6 =	vadd.s32 $0x11D24, v4;
	v29 =	vmul.f32 v29, v3;
	v7 =	vmax.f32 v19, $0.0e+00;
	v44 =	vld.idx.msk [tilespmem:v57+s3+$0x0], $0xffff  }
0x27f: {  	v35 =	vsub.f32 v63, v32;
	v8 =	vadd.s32 $0x11D04, v4;
	v48 =	vld.idx.msk [tilespmem:v48+s3+$0x0], $0xffff;
	v49 =	vmin.f32 v7, $3.150000000e+01  }
0x280: {  	v57 =	vld.idx.msk [tilespmem:v36+s3+$0x0], $0xffff;
	v7 =	vadd.s32 $0x11D25, v4;
	v41 =	vsub.f32 v54, v38;
	v4 =	vtrunc.f32 v49  }
0x281: {  	v35 =	vmul.f32 v35, v3;
	v51 =	vcvt.f32.s32 v4;
	v4 =	vsub.f32 v27, v25;
	v27 =	vld.idx.msk [tilespmem:v46+s3+$0x0], $0xffff  }
0x282: {  	v50 =	vadd.s32 $0x8C82, v2;
	v26 =	vcvt.f32.s32 v26;
	v28 =	vadd.f32 v29, v28  }
0x283: {  	v29 =	vadd.f32 v35, v32;
	v4 =	vmul.f32 v4, v3;
	v3 =	vmul.f32 v41, v3  }
0x284: {  	v41 =	vcvt.f32.s32 v61;
	v45 =	vsub.f32 v58, v56;
	v39 =	vsub.f32 v39, v47  }
0x285: {  	v44 =	vsub.f32 v44, v42;
	v52 =	vmul.u32 $0x21, v51;
	v35 =	vsub.f32 v57, v34  }
0x286: {  	v45 =	vmul.f32 v20, v45;
	v39 =	vmul.f32 v39, v20;
	v63 =	vsub.f32 v48, v27  }
0x287: {  	v44 =	vmul.f32 v44, v20;
	v53 =	vmul.u32 $0x441, v41;
	v25 =	vadd.f32 v4, v25  }
0x288: {  	v4 =	vsub.f32 v17, v22;
	v3 =	vadd.f32 v3, v38;
	v46 =	vmul.f32 v63, v20  }
0x289: {  	v54 =	vadd.s32 v26, v52;
	v43 =	vadd.f32 v45, v56;
	v39 =	vadd.f32 v39, v47  }
0x28a: {  	v42 =	vadd.f32 v44, v42;
	v17 =	vadd.s32 v53, v54;
	v27 =	vadd.f32 v46, v27  }
0x28b: {  	v35 =	vmul.f32 v35, v10;
	v41 =	vcvt.s32.f32 v41;
	v56 =	vadd.s32 $0x1, v17  }
0x28c: {  	v59 =	vadd.s32 $0x22, v17;
	v55 =	vsub.f32 v39, v43;
	v27 =	vsub.f32 v27, v42  }
0x28d: {  	v31 =	vld.idx.msk [tilespmem:v31+s3+$0x0], $0xffff;
	v28 =	vsub.f32 v28, v25;
	v61 =	vsub.f32 v3, v29;
	v60 =	vadd.s32 $0x441, v17  }
0x28e: {  	v22 =	vld.idx.msk [tilespmem:v33+s3+$0x0], $0xffff;
	v62 =	vadd.s32 $0x442, v17;
	v33 =	vmul.f32 v55, v4;
	v27 =	vmul.f32 v27, v4  }
0x28f: {  	v3 =	vsub.f32 v18, v24;
	v58 =	vadd.s32 $0x21, v17;
	v45 =	vadd.s32 $0x462, v17;
	v44 =	vld.idx.msk [tilespmem:v17+s3+$0x0], $0xffff  }
0x290: {  	v24 =	vmul.f32 v28, v1;
	v33 =	vadd.f32 v33, v43;
	v32 =	vld.idx.msk [tilespmem:v56+s3+$0x0], $0xffff;
	v27 =	vadd.f32 v27, v42  }
0x291: {  	v48 =	vadd.s32 $0x8C61, v2;
	v53 =	vadd.s32 $0x8C83, v2;
	v28 =	vadd.s32 $0x463, v17;
	v63 =	vld.idx.msk [tilespmem:v59+s3+$0x0], $0xffff  }
0x292: {  	v1 =	vmul.f32 v61, v1;
	v24 =	vadd.f32 v24, v25;
	v25 =	vld.idx.msk [tilespmem:v60+s3+$0x0], $0xffff;
	v18 =	vsub.f32 v27, v33  }
0x293: {  	v54 =	vadd.f32 v30, v15;
	v30 =	vadd.s32 $0x90A2, v2;
	v15 =	vcvt.s32.f32 v26;
	v49 =	vld.idx.msk [tilespmem:v62+s3+$0x0], $0xffff  }
0x294: {  	v36 =	vadd.s32 $0x90A3, v17;
	v1 =	vadd.f32 v1, v29;
	v52 =	vld.idx.msk [tilespmem:v45+s3+$0x0], $0xffff;
	v18 =	vmul.f32 v18, v3  }
0x295: {  	v15 =	vsub.f32 v23, v15;
	v22 =	vsub.f32 v22, v31;
	v29 =	vadd.s32 $0x8C62, v2;
	v27 =	vld.idx.msk [tilespmem:v58+s3+$0x0], $0xffff  }
0x296: {  	v46 =	vadd.s32 $0x8C62, v17;
	v1 =	vsub.f32 v1, v24;
	v28 =	vld.idx.msk [tilespmem:v28+s3+$0x0], $0xffff;
	v18 =	vadd.f32 v18, v33  }
0x297: {  	s14 =	simm.s32 $0x1B9B0;
	v55 =	vadd.s32 $0x90A3, v2;
	v22 =	vmul.f32 v22, v10;
	v56 =	vadd.s32 $0x90C3, v2  }
0x298: {  	v62 =	vmul.f32 v40, v10;
	v43 =	vadd.s32 $0x118C3, v2;
	v0 =	vmul.f32 v1, v0;
	[tilespmem:s14+$0xFFFFFE00] =	vst v18  }
0x299: {  	v22 =	vadd.f32 v22, v31;
	v31 =	vadd.s32 $0x8C82, v17;
	v32 =	vsub.f32 v32, v44;
	v26 =	vld.idx.msk [tilespmem:v48+s3+$0x0], $0xffff  }
0x29a: {  	v57 =	vsub.f32 v63, v27;
	v18 =	vadd.f32 v0, v24;
	v0 =	vcvt.s32.f32 v51;
	v29 =	vld.idx.msk [tilespmem:v29+s3+$0x0], $0xffff  }
0x29b: {  	v39 =	vsub.f32 v49, v25;
	v28 =	vsub.f32 v28, v52;
	v24 =	vadd.s32 $0x90C4, v2;
	v23 =	vld.idx.msk [tilespmem:v50+s3+$0x0], $0xffff  }
0x29c: {  	v58 =	vld.idx.msk [tilespmem:v53+s3+$0x0], $0xffff;
	v59 =	vmul.f32 v57, v15;
	v1 =	vsub.f32 v19, v0;
	v19 =	vmul.f32 v15, v32  }
0x29d: {  	v22 =	vsub.f32 v22, v54;
	v30 =	vld.idx.msk [tilespmem:v30+s3+$0x0], $0xffff;
	v0 =	vsub.f32 v21, v41;
	v21 =	vmul.f32 v39, v15  }
0x29e: {  	v28 =	vmul.f32 v28, v15;
	v60 =	vld.idx.msk [tilespmem:v55+s3+$0x0], $0xffff;
	v27 =	vadd.f32 v59, v27;
	v19 =	vadd.f32 v19, v44  }
0x29f: {  	v22 =	vmul.f32 v22, v14;
	v63 =	vadd.s32 $0x8C61, v17;
	v61 =	vld.idx.msk [tilespmem:v56+s3+$0x0], $0xffff;
	v21 =	vadd.f32 v21, v25  }
0x2a0: {  	v48 =	vadd.s32 $0x8C83, v17;
	v25 =	vadd.f32 v28, v52;
	v24 =	vld.idx.msk [tilespmem:v24+s3+$0x0], $0xffff;
	v27 =	vsub.f32 v27, v19  }
0x2a1: {  	v55 =	vadd.s32 $0x118C2, v2;
	v39 =	vadd.f32 v22, v54;
	v28 =	vadd.f32 v35, v34  }
0x2a2: {  	s20 =	simm.s32 $0x1ADD0;
	v25 =	vsub.f32 v25, v21;
	v29 =	vsub.f32 v29, v26;
	v27 =	vmul.f32 v27, v1  }
0x2a3: {  	v53 =	vld [tilespmem:s20+$0x200];
	v59 =	vadd.s32 $0x118E3, v2;
	v47 =	vsub.f32 v58, v23;
	v33 =	vsub.f32 v60, v30  }
0x2a4: {  	v41 =	vld [tilespmem:s20+$0xFFFFFFF0];
	v25 =	vmul.f32 v25, v1;
	v19 =	vadd.f32 v27, v19;
	v27 =	vmul.f32 v29, v20  }
0x2a5: {  	v35 =	vadd.s32 $0x90A2, v17;
	v52 =	vld [tilespmem:s20+$0x0];
	v24 =	vsub.f32 v24, v61;
	v29 =	vmul.f32 v47, v20  }
0x2a6: {  	v21 =	vadd.f32 v25, v21;
	v25 =	vmul.f32 v33, v20;
	v26 =	vadd.f32 v27, v26  }
0x2a7: {  	v57 =	vld [tilespmem:s20+$0xFFFFFDF0];
	v24 =	vmul.f32 v24, v20;
	v23 =	vadd.f32 v29, v23;
	v27 =	vadd.f32 v62, v37  }
0x2a8: {  	v60 =	vadd.s32 $0x118E4, v2;
	v25 =	vadd.f32 v25, v30;
	v21 =	vsub.f32 v21, v19  }
0x2a9: {  	v41 =	vmul.f32 $3.200000000e+01, v41;
	v24 =	vadd.f32 v24, v61;
	v27 =	vsub.f32 v27, v28  }
0x2aa: {  	v38 =	vmul.f32 $3.200000000e+01, v52;
	v33 =	vmul.f32 $3.200000000e+01, v53;
	v23 =	vsub.f32 v23, v26  }
0x2ab: {  	v51 =	vld [tilespmem:s20+$0xFFFFFE00];
	v21 =	vmul.f32 v21, v0;
	v24 =	vsub.f32 v24, v25;
	v49 =	vmul.f32 v27, v14  }
0x2ac: {  	v52 =	vadd.s32 $0x11D24, v2;
	v47 =	vmul.f32 $3.200000000e+01, v57;
	v23 =	vmul.f32 v23, v4  }
0x2ad: {  	v21 =	vadd.f32 v21, v19;
	v24 =	vmul.f32 v24, v4;
	v22 =	vadd.f32 v49, v28  }
0x2ae: {  	v56 =	vmax.f32 v38, $0.0e+00;
	v29 =	vadd.s32 $0x90C3, v17;
	v50 =	vadd.f32 v23, v26  }
0x2af: {  	v30 =	vadd.s32 $0x90C4, v17;
	v61 =	vld [tilespmem:s20+$0x1F0];
	[tilespmem:s14+$0xFFFFFDF0] =	vst v21;
	v23 =	vadd.f32 v24, v25;
	v54 =	vsub.f32 v22, v39  }
0x2b0: {  	v37 =	vmul.f32 $3.200000000e+01, v51;
	v62 =	vadd.s32 $0x11D03, v2;
	v58 =	vmax.f32 v33, $0.0e+00;
	v34 =	vld.idx.msk [tilespmem:v63+s3+$0x0], $0xffff  }
0x2b1: {  	v57 =	vmax.f32 v47, $0.0e+00;
	v31 =	vld.idx.msk [tilespmem:v31+s3+$0x0], $0xffff;
	v21 =	vsub.f32 v23, v50;
	v32 =	vmul.f32 v54, v5  }
0x2b2: {  	v51 =	vmin.f32 v58, $3.150000000e+01;
	v19 =	vadd.s32 $0x118C2, v17;
	v27 =	vadd.s32 $0x118C3, v17;
	v44 =	vld.idx.msk [tilespmem:v48+s3+$0x0], $0xffff  }
0x2b3: {  	v28 =	vadd.s32 $0x118E3, v17;
	v35 =	vld.idx.msk [tilespmem:v35+s3+$0x0], $0xffff;
	v21 =	vmul.f32 v21, v3;
	v39 =	vadd.f32 v32, v39  }
0x2b4: {  	v26 =	vadd.s32 $0x11D03, v17;
	v36 =	vld.idx.msk [tilespmem:v36+s3+$0x0], $0xffff;
	v25 =	vadd.s32 $0x118E4, v17;
	v24 =	vadd.s32 $0x11D04, v17  }
0x2b5: {  	v22 =	vadd.s32 $0x11D25, v17;
	v23 =	vadd.s32 $0x11D24, v17;
	v17 =	vld.idx.msk [tilespmem:v46+s3+$0x0], $0xffff;
	v21 =	vadd.f32 v21, v50;
	[tilespmem:s13+$0xFFFFFFF0] =	vst v39  }
0x2b6: {  	v51 =	vtrunc.f32 v51;
	v49 =	vmin.f32 v56, $3.150000000e+01;
	v63 =	vmax.f32 v37, $0.0e+00;
	v12 =	vld.idx.msk [tilespmem:v12+s3+$0x0], $0xffff  }
0x2b7: {  	v51 =	vcvt.f32.s32 v51;
	v49 =	vtrunc.f32 v49;
	v48 =	vmin.f32 v63, $3.150000000e+01;
	v11 =	vld.idx.msk [tilespmem:v11+s3+$0x0], $0xffff;
	[tilespmem:s14+$0x0] =	vst v21  }
0x2b8: {  	v57 =	vmin.f32 v57, $3.150000000e+01;
	v49 =	vcvt.f32.s32 v49;
	v48 =	vtrunc.f32 v48;
	v40 =	vld.idx.msk [tilespmem:v55+s3+$0x0], $0xffff  }
0x2b9: {  	v42 =	vmul.f32 $3.200000000e+01, v61;
	v48 =	vcvt.f32.s32 v48;
	v21 =	vadd.s32 $0x11D04, v2;
	v43 =	vld.idx.msk [tilespmem:v43+s3+$0x0], $0xffff  }
0x2ba: {  	v53 =	vmul.u32 $0x21, v49;
	v17 =	vsub.f32 v17, v34;
	v2 =	vadd.s32 $0x11D25, v2;
	v45 =	vld.idx.msk [tilespmem:v59+s3+$0x0], $0xffff  }
0x2bb: {  	v49 =	vcvt.s32.f32 v49;
	v36 =	vsub.f32 v36, v35;
	v46 =	vld.idx.msk [tilespmem:v60+s3+$0x0], $0xffff;
	v59 =	vmul.u32 $0x441, v51  }
0x2bc: {  	v44 =	vsub.f32 v44, v31;
	v32 =	vld.idx.msk [tilespmem:v62+s3+$0x0], $0xffff;
	v54 =	vmul.f32 v17, v15;
	v17 =	vadd.s32 v48, v53  }
0x2bd: {  	v36 =	vmul.f32 v36, v15;
	v52 =	vld.idx.msk [tilespmem:v52+s3+$0x0], $0xffff;
	v60 =	vmax.f32 v41, $0.0e+00;
	v17 =	vadd.s32 v59, v17  }
0x2be: {  	v55 =	vmax.f32 v42, $0.0e+00;
	v48 =	vcvt.s32.f32 v48;
	v53 =	vadd.s32 $0x1, v17;
	v21 =	vld.idx.msk [tilespmem:v21+s3+$0x0], $0xffff  }
0x2bf: {  	v61 =	vmin.f32 v60, $3.150000000e+01;
	v55 =	vmin.f32 v55, $3.150000000e+01;
	v56 =	vadd.s32 $0x21, v17;
	v2 =	vld.idx.msk [tilespmem:v2+s3+$0x0], $0xffff  }
0x2c0: {  	v50 =	vtrunc.f32 v61;
	v55 =	vtrunc.f32 v55;
	v59 =	vadd.s32 $0x441, v17  }
0x2c1: {  	v58 =	vadd.s32 $0x22, v17;
	v43 =	vsub.f32 v43, v40;
	v46 =	vsub.f32 v46, v45  }
0x2c2: {  	v50 =	vcvt.f32.s32 v50;
	v62 =	vadd.s32 $0x462, v17;
	v63 =	vadd.s32 $0x463, v17;
	v60 =	vld.idx.msk [tilespmem:v17+s3+$0x0], $0xffff  }
0x2c3: {  	v11 =	vsub.f32 v11, v12;
	v43 =	vmul.f32 v43, v20;
	v46 =	vmul.f32 v46, v20;
	v53 =	vld.idx.msk [tilespmem:v53+s3+$0x0], $0xffff  }
0x2c4: {  	v61 =	vadd.s32 $0x442, v17;
	v56 =	vld.idx.msk [tilespmem:v56+s3+$0x0], $0xffff;
	v21 =	vsub.f32 v21, v32;
	v2 =	vsub.f32 v2, v52  }
0x2c5: {  	v55 =	vcvt.f32.s32 v55;
	v40 =	vadd.f32 v43, v40;
	v43 =	vadd.f32 v46, v45;
	v45 =	vld.idx.msk [tilespmem:v59+s3+$0x0], $0xffff  }
0x2c6: {  	v35 =	vadd.f32 v36, v35;
	v21 =	vmul.f32 v21, v20;
	v2 =	vmul.f32 v2, v20;
	v20 =	vld.idx.msk [tilespmem:v58+s3+$0x0], $0xffff  }
0x2c7: {  	v11 =	vmul.f32 v11, v10;
	v46 =	vtrunc.f32 v57;
	v58 =	vld.idx.msk [tilespmem:v62+s3+$0x0], $0xffff;
	v62 =	vsub.f32 v43, v40  }
0x2c8: {  	v34 =	vadd.f32 v54, v34;
	v59 =	vld.idx.msk [tilespmem:v63+s3+$0x0], $0xffff;
	v46 =	vcvt.f32.s32 v46;
	v43 =	vmul.f32 v44, v15  }
0x2c9: {  	v57 =	vadd.f32 v21, v32;
	v2 =	vadd.f32 v2, v52;
	v52 =	vld.idx.msk [tilespmem:v61+s3+$0x0], $0xffff;
	v61 =	vmul.f32 v62, v4  }
0x2ca: {  	v44 =	vmul.u32 $0x441, v55;
	v21 =	vmul.u32 $0x21, v50;
	v31 =	vadd.f32 v43, v31  }
0x2cb: {  	v50 =	vcvt.s32.f32 v50;
	v2 =	vsub.f32 v2, v57;
	v40 =	vadd.f32 v61, v40  }
0x2cc: {  	v21 =	vadd.s32 v46, v21;
	v61 =	vsub.f32 v53, v60;
	v31 =	vsub.f32 v31, v34  }
0x2cd: {  	v32 =	vadd.s32 v44, v21;
	v21 =	vsub.f32 v37, v48;
	v20 =	vsub.f32 v20, v56  }
0x2ce: {  	v62 =	vsub.f32 v59, v58;
	v2 =	vmul.f32 v2, v4;
	v4 =	vadd.s32 $0x1, v32  }
0x2cf: {  	v37 =	vadd.s32 $0x21, v32;
	v48 =	vadd.s32 $0x22, v32;
	v52 =	vsub.f32 v52, v45  }
0x2d0: {  	v59 =	vadd.s32 $0x442, v32;
	v44 =	vmul.f32 v21, v61;
	v20 =	vmul.f32 v20, v21  }
0x2d1: {  	v30 =	vld.idx.msk [tilespmem:v30+s3+$0x0], $0xffff;
	v53 =	vmul.f32 v62, v21;
	v2 =	vadd.f32 v2, v57;
	v52 =	vmul.f32 v52, v21  }
0x2d2: {  	v57 =	vld.idx.msk [tilespmem:v29+s3+$0x0], $0xffff;
	v29 =	vadd.s32 $0x441, v32;
	v44 =	vadd.f32 v44, v60;
	v56 =	vadd.f32 v20, v56  }
0x2d3: {  	v31 =	vmul.f32 v31, v1;
	v63 =	vadd.f32 v53, v58;
	v60 =	vld.idx.msk [tilespmem:v32+s3+$0x0], $0xffff;
	v45 =	vadd.f32 v52, v45  }
0x2d4: {  	v20 =	vsub.f32 v38, v49;
	v38 =	vadd.s32 $0x463, v32;
	v2 =	vsub.f32 v2, v40;
	v53 =	vld.idx.msk [tilespmem:v4+s3+$0x0], $0xffff  }
0x2d5: {  	v4 =	vadd.s32 $0x462, v32;
	v37 =	vld.idx.msk [tilespmem:v37+s3+$0x0], $0xffff;
	v58 =	vsub.f32 v56, v44;
	v52 =	vsub.f32 v63, v45  }
0x2d6: {  	v11 =	vadd.f32 v11, v12;
	v46 =	vcvt.s32.f32 v46;
	v48 =	vld.idx.msk [tilespmem:v48+s3+$0x0], $0xffff;
	v2 =	vmul.f32 v2, v3  }
0x2d7: {  	v31 =	vadd.f32 v31, v34;
	v54 =	vld.idx.msk [tilespmem:v29+s3+$0x0], $0xffff;
	v29 =	vmul.f32 v58, v20;
	v61 =	vmul.f32 v52, v20  }
0x2d8: {  	v39 =	vadd.s32 $0x8C61, v32;
	v62 =	vld.idx.msk [tilespmem:v59+s3+$0x0], $0xffff;
	v3 =	vsub.f32 v30, v57;
	v30 =	vadd.f32 v2, v40  }
0x2d9: {  	v2 =	vcvt.s32.f32 v51;
	v38 =	vld.idx.msk [tilespmem:v38+s3+$0x0], $0xffff;
	v44 =	vadd.f32 v29, v44;
	v45 =	vadd.f32 v61, v45  }
0x2da: {  	v63 =	vcvt.s32.f32 v55;
	v52 =	vld.idx.msk [tilespmem:v4+s3+$0x0], $0xffff;
	v4 =	vsub.f32 v47, v46;
	v55 =	vsub.f32 v53, v60  }
0x2db: {  	v58 =	vadd.s32 $0x8C61, v17;
	v29 =	vsub.f32 v33, v2;
	v56 =	vsub.f32 v45, v44  }
0x2dc: {  	v47 =	vmul.f32 v3, v15;
	v3 =	vsub.f32 v41, v50;
	v2 =	vsub.f32 v42, v63  }
0x2dd: {  	v59 =	vsub.f32 v48, v37;
	v53 =	vadd.s32 $0x8C82, v17;
	v33 =	vmul.f32 v56, v29  }
0x2de: {  	v41 =	vld.idx.msk [tilespmem:v16+s3+$0x0], $0xffff;
	v61 =	vadd.s32 $0x8C62, v17;
	v16 =	vmul.f32 v4, v55;
	v40 =	vsub.f32 v62, v54  }
0x2df: {  	v13 =	vld.idx.msk [tilespmem:v13+s3+$0x0], $0xffff;
	v55 =	vadd.s32 $0x8C83, v17;
	v38 =	vsub.f32 v38, v52;
	v33 =	vadd.f32 v33, v44  }
0x2e0: {  	s15 =	simm.s32 $0x1B9D0;
	v49 =	vld.idx.msk [tilespmem:v9+s3+$0x0], $0xffff;
	v40 =	vmul.f32 v40, v4;
	v9 =	vadd.f32 v16, v60;
	v60 =	vadd.f32 v47, v57  }
0x2e1: {  	v8 =	vld.idx.msk [tilespmem:v8+s3+$0x0], $0xffff;
	v62 =	vadd.s32 $0x90A2, v17;
	v45 =	vmul.f32 v59, v4;
	v16 =	vmul.f32 v38, v4;
	[tilespmem:s15+$0xFFFFFE00] =	vst v33  }
0x2e2: {  	v56 =	vadd.s32 $0x90A3, v17;
	v63 =	vadd.f32 v40, v54;
	v36 =	vsub.f32 v60, v35;
	v40 =	vld.idx.msk [tilespmem:v58+s3+$0x0], $0xffff  }
0x2e3: {  	v59 =	vadd.s32 $0x90C3, v17;
	v37 =	vadd.f32 v45, v37;
	v16 =	vadd.f32 v16, v52;
	v58 =	vld.idx.msk [tilespmem:v61+s3+$0x0], $0xffff  }
0x2e4: {  	v51 =	vadd.s32 $0x8C83, v32;
	v36 =	vmul.f32 v36, v1;
	v44 =	vld.idx.msk [tilespmem:v53+s3+$0x0], $0xffff;
	v61 =	vadd.s32 $0x90C4, v17  }
0x2e5: {  	v50 =	vadd.s32 $0x8C82, v32;
	v37 =	vsub.f32 v37, v9;
	v48 =	vld.idx.msk [tilespmem:v55+s3+$0x0], $0xffff;
	v16 =	vsub.f32 v16, v63  }
0x2e6: {  	v47 =	vadd.s32 $0x8C62, v32;
	v13 =	vsub.f32 v13, v41;
	v33 =	vld.idx.msk [tilespmem:v62+s3+$0x0], $0xffff;
	v46 =	vadd.f32 v36, v35  }
0x2e7: {  	v60 =	vsub.f32 v8, v49;
	v37 =	vmul.f32 v37, v3;
	v42 =	vld.idx.msk [tilespmem:v56+s3+$0x0], $0xffff;
	v16 =	vmul.f32 v16, v3  }
0x2e8: {  	v13 =	vmul.f32 v13, v10;
	v52 =	vadd.s32 $0x90A2, v32;
	v45 =	vld.idx.msk [tilespmem:v59+s3+$0x0], $0xffff;
	v34 =	vsub.f32 v46, v31  }
0x2e9: {  	v53 =	vadd.s32 $0x90A3, v32;
	v62 =	vadd.f32 v37, v9;
	v9 =	vadd.f32 v16, v63;
	v63 =	vld.idx.msk [tilespmem:v61+s3+$0x0], $0xffff  }
0x2ea: {  	v56 =	vld.idx.msk [tilespmem:v6+s3+$0x0], $0xffff;
	v6 =	vadd.s32 $0x118C3, v32;
	v37 =	vadd.s32 $0x90C3, v32;
	v34 =	vmul.f32 v34, v0  }
0x2eb: {  	v16 =	vadd.s32 $0x90C4, v32;
	v43 =	vsub.f32 v58, v40;
	v57 =	vsub.f32 v48, v44  }
0x2ec: {  	v59 =	vsub.f32 v42, v33;
	v42 =	vmul.f32 v60, v10;
	v48 =	vadd.f32 v13, v41  }
0x2ed: {  	s25 =	simm.s32 $0x1ADF0;
	v58 =	vld.idx.msk [tilespmem:v7+s3+$0x0], $0xffff;
	v55 =	vsub.f32 v9, v62;
	v9 =	vadd.s32 $0x118C2, v32;
	v8 =	vmul.f32 v43, v21  }
0x2ee: {  	v61 =	vmul.f32 v57, v21;
	v35 =	vmul.f32 v59, v21;
	v59 =	vld [tilespmem:s25+$0x0];
	v38 =	vsub.f32 v63, v45  }
0x2ef: {  	v42 =	vadd.f32 v42, v49;
	v7 =	vmul.f32 v55, v2;
	v40 =	vadd.f32 v8, v40  }
0x2f0: {  	v60 =	vld [tilespmem:s25+$0x200];
	v43 =	vadd.f32 v61, v44;
	v35 =	vadd.f32 v35, v33;
	v38 =	vmul.f32 v38, v21  }
0x2f1: {  	v8 =	vadd.s32 $0x118E4, v32;
	v55 =	vsub.f32 v11, v48;
	v62 =	vadd.f32 v7, v62  }
0x2f2: {  	v11 =	vadd.s32 $0x11D04, v32;
	v43 =	vsub.f32 v43, v40;
	v63 =	vadd.f32 v38, v45  }
0x2f3: {  	v57 =	vld [tilespmem:s25+$0xFFFFFE00];
	v61 =	vadd.s32 $0x118C2, v17;
	v46 =	vmul.f32 $3.200000000e+01, v59;
	v45 =	vsub.f32 v58, v56  }
0x2f4: {  	v49 =	vld [tilespmem:s25+$0x1F0];
	[tilespmem:s15+$0xFFFFFDF0] =	vst v62;
	v12 =	vmul.f32 v43, v20;
	v58 =	vmul.f32 v55, v14;
	v33 =	vsub.f32 v63, v35  }
0x2f5: {  	v7 =	vadd.s32 $0x118E3, v32;
	v44 =	vld.idx.msk [tilespmem:v39+s3+$0x0], $0xffff;
	v39 =	vmul.f32 $3.200000000e+01, v60;
	v38 =	vmul.f32 v45, v10  }
0x2f6: {  	v54 =	vld.idx.msk [tilespmem:v47+s3+$0x0], $0xffff;
	v60 =	vmax.f32 v46, $0.0e+00;
	v40 =	vadd.f32 v12, v40;
	v13 =	vmul.f32 v33, v20  }
0x2f7: {  	v12 =	vadd.s32 $0x11D25, v32;
	v36 =	vadd.f32 v38, v56;
	v38 =	vadd.f32 v34, v31;
	v34 =	vld.idx.msk [tilespmem:v52+s3+$0x0], $0xffff  }
0x2f8: {  	v10 =	vadd.s32 $0x11D03, v32;
	v31 =	vadd.f32 v58, v48;
	v48 =	vld.idx.msk [tilespmem:v53+s3+$0x0], $0xffff;
	v35 =	vadd.f32 v13, v35  }
0x2f9: {  	v63 =	vadd.s32 $0x118C3, v17;
	v45 =	vmul.f32 $3.200000000e+01, v57;
	v57 =	vadd.s32 $0x118E4, v17;
	v33 =	vld.idx.msk [tilespmem:v50+s3+$0x0], $0xffff  }
0x2fa: {  	v56 =	vld.idx.msk [tilespmem:v51+s3+$0x0], $0xffff;
	v52 =	vmin.f32 v60, $3.150000000e+01;
	v36 =	vsub.f32 v36, v42;
	v35 =	vsub.f32 v35, v40  }
0x2fb: {  	v51 =	vld [tilespmem:s25+$0xFFFFFDF0];
	v58 =	vadd.s32 $0x11D03, v17;
	v41 =	vsub.f32 v54, v44;
	v52 =	vtrunc.f32 v52  }
0x2fc: {  	v13 =	vadd.s32 $0x11D24, v32;
	v14 =	vmul.f32 v36, v14;
	v35 =	vmul.f32 v35, v29  }
0x2fd: {  	v52 =	vcvt.f32.s32 v52;
	v41 =	vmul.f32 v41, v4;
	v48 =	vsub.f32 v48, v34  }
0x2fe: {  	v32 =	vadd.f32 v14, v42;
	v42 =	vadd.s32 $0x118E3, v17;
	v40 =	vadd.f32 v35, v40  }
0x2ff: {  	v62 =	vsub.f32 v56, v33;
	v36 =	vadd.f32 v41, v44;
	v41 =	vmul.f32 $3.200000000e+01, v49  }
0x300: {  	v59 =	vmax.f32 v45, $0.0e+00;
	v51 =	vmul.f32 $3.200000000e+01, v51;
	v14 =	vld [tilespmem:s25+$0xFFFFFFF0];
	v48 =	vmul.f32 v48, v4;
	[tilespmem:s15+$0x0] =	vst v40  }
0x301: {  	v35 =	vmul.f32 v62, v4;
	v62 =	vmax.f32 v39, $0.0e+00;
	v47 =	vld.idx.msk [tilespmem:v61+s3+$0x0], $0xffff;
	v61 =	vadd.s32 $0x11D04, v17  }
0x302: {  	v54 =	vmin.f32 v62, $3.150000000e+01;
	v62 =	vmax.f32 v41, $0.0e+00;
	v43 =	vld.idx.msk [tilespmem:v63+s3+$0x0], $0xffff;
	v63 =	vadd.s32 $0x11D24, v17  }
0x303: {  	v40 =	vmin.f32 v59, $3.150000000e+01;
	v54 =	vtrunc.f32 v54;
	v42 =	vld.idx.msk [tilespmem:v42+s3+$0x0], $0xffff;
	v17 =	vadd.s32 $0x11D25, v17  }
0x304: {  	v34 =	vadd.f32 v48, v34;
	v50 =	vld.idx.msk [tilespmem:v57+s3+$0x0], $0xffff;
	v40 =	vtrunc.f32 v40;
	v54 =	vcvt.f32.s32 v54  }
0x305: {  	v59 =	vmul.u32 $0x21, v52;
	v44 =	vmin.f32 v62, $3.150000000e+01;
	v56 =	vld.idx.msk [tilespmem:v58+s3+$0x0], $0xffff;
	v57 =	vcvt.f32.s32 v40  }
0x306: {  	v14 =	vmul.f32 $3.200000000e+01, v14;
	v44 =	vtrunc.f32 v44;
	v60 =	vmul.u32 $0x441, v54;
	v53 =	vld.idx.msk [tilespmem:v61+s3+$0x0], $0xffff  }
0x307: {  	v44 =	vcvt.f32.s32 v44;
	v40 =	vadd.s32 v57, v59;
	v59 =	vmax.f32 v51, $0.0e+00;
	v49 =	vld.idx.msk [tilespmem:v63+s3+$0x0], $0xffff  }
0x308: {  	v61 =	vmax.f32 v14, $0.0e+00;
	v58 =	vld.idx.msk [tilespmem:v17+s3+$0x0], $0xffff;
	v17 =	vadd.s32 v60, v40;
	v43 =	vsub.f32 v43, v47  }
0x309: {  	v59 =	vmin.f32 v59, $3.150000000e+01;
	v55 =	vmin.f32 v61, $3.150000000e+01;
	v61 =	vadd.s32 $0x21, v17  }
0x30a: {  	v50 =	vsub.f32 v50, v42;
	v40 =	vld.idx.msk [tilespmem:v37+s3+$0x0], $0xffff;
	v37 =	vadd.s32 $0x22, v17;
	v43 =	vmul.f32 v43, v21  }
0x30b: {  	v16 =	vld.idx.msk [tilespmem:v16+s3+$0x0], $0xffff;
	v62 =	vadd.s32 $0x441, v17;
	v63 =	vtrunc.f32 v55;
	v55 =	vadd.s32 $0x1, v17  }
0x30c: {  	v50 =	vmul.f32 v50, v21;
	v60 =	vcvt.f32.s32 v63;
	v43 =	vadd.f32 v43, v47  }
0x30d: {  	v47 =	vadd.s32 $0x462, v17;
	v53 =	vsub.f32 v53, v56;
	v58 =	vsub.f32 v58, v49;
	v63 =	vld.idx.msk [tilespmem:v17+s3+$0x0], $0xffff  }
0x30e: {  	v59 =	vtrunc.f32 v59;
	v42 =	vadd.f32 v50, v42;
	v50 =	vadd.s32 $0x463, v17;
	v61 =	vld.idx.msk [tilespmem:v61+s3+$0x0], $0xffff  }
0x30f: {  	v5 =	vld.idx.msk [tilespmem:v37+s3+$0x0], $0xffff;
	v53 =	vmul.f32 v53, v21;
	v21 =	vmul.f32 v58, v21;
	v58 =	vadd.s32 $0x442, v17  }
0x310: {  	v16 =	vsub.f32 v16, v40;
	v37 =	vmul.u32 $0x21, v60;
	v42 =	vsub.f32 v42, v43;
	v55 =	vld.idx.msk [tilespmem:v55+s3+$0x0], $0xffff  }
0x311: {  	v53 =	vadd.f32 v53, v56;
	v21 =	vadd.f32 v21, v49;
	v49 =	vld.idx.msk [tilespmem:v62+s3+$0x0], $0xffff;
	v56 =	vcvt.f32.s32 v59  }
0x312: {  	v33 =	vadd.f32 v35, v33;
	v59 =	vmul.u32 $0x441, v44;
	v62 =	vmul.f32 v16, v4;
	v16 =	vld.idx.msk [tilespmem:v47+s3+$0x0], $0xffff  }
0x313: {  	v42 =	vmul.f32 v42, v20;
	v47 =	vld.idx.msk [tilespmem:v50+s3+$0x0], $0xffff;
	v21 =	vsub.f32 v21, v53;
	v37 =	vadd.s32 v56, v37  }
0x314: {  	v33 =	vsub.f32 v33, v36;
	v57 =	vcvt.s32.f32 v57;
	v58 =	vld.idx.msk [tilespmem:v58+s3+$0x0], $0xffff;
	v37 =	vadd.s32 v59, v37  }
0x315: {  	v42 =	vadd.f32 v42, v43;
	v20 =	vmul.f32 v21, v20;
	v21 =	vadd.s32 $0x1, v37  }
0x316: {  	v50 =	vcvt.s32.f32 v60;
	v5 =	vsub.f32 v5, v61;
	v60 =	vsub.f32 v55, v63  }
0x317: {  	v52 =	vcvt.s32.f32 v52;
	v43 =	vadd.f32 v20, v53;
	v20 =	vsub.f32 v45, v57  }
0x318: {  	v59 =	vadd.s32 $0x21, v37;
	v47 =	vsub.f32 v47, v16;
	v53 =	vadd.s32 $0x22, v37  }
0x319: {  	v43 =	vsub.f32 v43, v42;
	v45 =	vmul.f32 v20, v60;
	v57 =	vsub.f32 v58, v49  }
0x31a: {  	v55 =	vadd.s32 $0x441, v37;
	v5 =	vmul.f32 v5, v20;
	v47 =	vmul.f32 v47, v20;
	v60 =	vld.idx.msk [tilespmem:v21+s3+$0x0], $0xffff  }
0x31b: {  	v58 =	vadd.s32 $0x442, v37;
	v29 =	vmul.f32 v43, v29;
	v43 =	vld.idx.msk [tilespmem:v37+s3+$0x0], $0xffff;
	v21 =	vmul.f32 v57, v20  }
0x31c: {  	v45 =	vadd.f32 v45, v63;
	v57 =	vadd.s32 $0x462, v37;
	v5 =	vadd.f32 v5, v61  }
0x31d: {  	v59 =	vld.idx.msk [tilespmem:v59+s3+$0x0], $0xffff;
	v61 =	vadd.s32 $0x463, v37;
	v16 =	vadd.f32 v47, v16;
	v49 =	vadd.f32 v21, v49  }
0x31e: {  	v56 =	vcvt.s32.f32 v56;
	v53 =	vld.idx.msk [tilespmem:v53+s3+$0x0], $0xffff;
	v42 =	vadd.f32 v29, v42;
	v21 =	vsub.f32 v46, v52  }
0x31f: {  	v46 =	vld.idx.msk [tilespmem:v55+s3+$0x0], $0xffff;
	v5 =	vsub.f32 v5, v45;
	v29 =	vsub.f32 v16, v49  }
0x320: {  	v44 =	vcvt.s32.f32 v44;
	v47 =	vld.idx.msk [tilespmem:v58+s3+$0x0], $0xffff;
	v16 =	vsub.f32 v51, v56;
	v63 =	vsub.f32 v60, v43  }
0x321: {  	v40 =	vadd.f32 v62, v40;
	v5 =	vmul.f32 v5, v21;
	v55 =	vld.idx.msk [tilespmem:v57+s3+$0x0], $0xffff;
	v60 =	vmul.f32 v29, v21  }
0x322: {  	v29 =	vsub.f32 v14, v50;
	v14 =	vsub.f32 v41, v44;
	v44 =	vld.idx.msk [tilespmem:v61+s3+$0x0], $0xffff;
	v41 =	vmul.f32 v16, v63  }
0x323: {  	[tilespmem:s14+$0xFFFFFFF0] =	vst v38;
	v5 =	vadd.f32 v5, v45;
	v63 =	vcvt.s32.f32 v54;
	v58 =	vadd.f32 v60, v49  }
0x324: {  	v49 =	vld.idx.msk [tilespmem:v19+s3+$0x0], $0xffff;
	v60 =	vsub.f32 v53, v59;
	v41 =	vadd.f32 v41, v43  }
0x325: {  	v43 =	vld.idx.msk [tilespmem:v27+s3+$0x0], $0xffff;
	v19 =	vsub.f32 v39, v63;
	v27 =	vsub.f32 v58, v5  }
0x326: {  	v40 =	vsub.f32 v40, v34;
	v45 =	vld.idx.msk [tilespmem:v28+s3+$0x0], $0xffff;
	v61 =	vsub.f32 v47, v46;
	v28 =	vmul.f32 v60, v16  }
0x327: {  	v39 =	vld.idx.msk [tilespmem:v25+s3+$0x0], $0xffff;
	v44 =	vsub.f32 v44, v55;
	v25 =	vmul.f32 v27, v19;
	v27 =	vadd.s32 $0x8C61, v17  }
0x328: {  	v52 =	vld.idx.msk [tilespmem:v26+s3+$0x0], $0xffff;
	v63 =	vadd.s32 $0x8C62, v17;
	v26 =	vadd.f32 v28, v59;
	v28 =	vmul.f32 v61, v16  }
0x329: {  	v24 =	vld.idx.msk [tilespmem:v24+s3+$0x0], $0xffff;
	v44 =	vmul.f32 v44, v16;
	v5 =	vadd.f32 v25, v5;
	v25 =	vadd.s32 $0x8C82, v17  }
0x32a: {  	s18 =	simm.s32 $0x1B9F0;
	v40 =	vmul.f32 v40, v3;
	v54 =	vld.idx.msk [tilespmem:v23+s3+$0x0], $0xffff;
	v23 =	vadd.f32 v28, v46;
	v28 =	vadd.s32 $0x8C83, v17  }
0x32b: {  	v22 =	vld.idx.msk [tilespmem:v22+s3+$0x0], $0xffff;
	v48 =	vadd.s32 $0x90C3, v17;
	v38 =	vadd.s32 $0x90C4, v37;
	v60 =	vadd.f32 v44, v55;
	[tilespmem:s18+$0xFFFFFE00] =	vst v5  }
0x32c: {  	v34 =	vadd.f32 v40, v34;
	v51 =	vadd.s32 $0x8C61, v37;
	v5 =	vadd.s32 $0x90A2, v17;
	v44 =	vld.idx.msk [tilespmem:v27+s3+$0x0], $0xffff  }
0x32d: {  	v26 =	vsub.f32 v26, v41;
	v27 =	vadd.s32 $0x90A3, v17;
	v46 =	vld.idx.msk [tilespmem:v63+s3+$0x0], $0xffff;
	v35 =	vsub.f32 v60, v23  }
0x32e: {  	v56 =	vadd.s32 $0x8C62, v37;
	v57 =	vadd.s32 $0x90A3, v37;
	v55 =	vld.idx.msk [tilespmem:v25+s3+$0x0], $0xffff;
	v25 =	vadd.s32 $0x90C4, v17  }
0x32f: {  	v50 =	vadd.s32 $0x8C82, v37;
	v26 =	vmul.f32 v26, v29;
	v59 =	vld.idx.msk [tilespmem:v28+s3+$0x0], $0xffff;
	v28 =	vmul.f32 v35, v29  }
0x330: {  	v24 =	vsub.f32 v24, v52;
	v53 =	vadd.s32 $0x8C83, v37;
	v47 =	vadd.s32 $0x90A2, v37;
	v48 =	vld.idx.msk [tilespmem:v48+s3+$0x0], $0xffff  }
0x331: {  	v41 =	vadd.f32 v26, v41;
	v35 =	vmul.f32 v33, v3;
	v5 =	vld.idx.msk [tilespmem:v5+s3+$0x0], $0xffff;
	v23 =	vadd.f32 v28, v23  }
0x332: {  	v24 =	vmul.f32 v24, v15;
	v22 =	vsub.f32 v22, v54;
	v43 =	vsub.f32 v43, v49;
	v60 =	vld.idx.msk [tilespmem:v27+s3+$0x0], $0xffff  }
0x333: {  	v58 =	vadd.s32 $0x90C3, v37;
	v35 =	vadd.f32 v35, v36;
	v61 =	vsub.f32 v23, v41;
	v36 =	vld.idx.msk [tilespmem:v25+s3+$0x0], $0xffff  }
0x334: {  	v39 =	vsub.f32 v39, v45;
	v43 =	vmul.f32 v43, v15;
	v26 =	vadd.s32 $0x118E4, v37  }
0x335: {  	v33 =	vadd.s32 $0x118C2, v37;
	v34 =	vsub.f32 v34, v35;
	v40 =	vmul.f32 v61, v14  }
0x336: {  	[tilespmem:s13+$0x200] =	vst v18;
	v28 =	vadd.s32 $0x118E3, v37;
	v62 =	vsub.f32 v46, v44;
	v63 =	vsub.f32 v59, v55  }
0x337: {  	[tilespmem:s14+$0x200] =	vst v30;
	v61 =	vsub.f32 v32, v31;
	v32 =	vmul.f32 v34, v2;
	v18 =	vadd.f32 v40, v41  }
0x338: {  	[tilespmem:s15+$0x200] =	vst v42;
	v34 =	vmul.f32 v62, v20;
	v60 =	vsub.f32 v60, v5;
	v36 =	vsub.f32 v36, v48  }
0x339: {  	v27 =	vadd.s32 $0x118C3, v37;
	v62 =	vmul.f32 v63, v20;
	v35 =	vadd.f32 v32, v35;
	[tilespmem:s18+$0xFFFFFDF0] =	vst v18  }
0x33a: {  	v44 =	vadd.f32 v34, v44;
	v30 =	vmul.f32 v60, v20;
	v59 =	vld [tilespmem:$0x1FFE0];
	v36 =	vmul.f32 v36, v20  }
0x33b: {  	v63 =	vmul.f32 v39, v15;
	v32 =	vadd.f32 v43, v49;
	v18 =	vadd.f32 v62, v55  }
0x33c: {  	v23 =	vadd.s32 $0x11D04, v37;
	v39 =	vld.idx.msk [tilespmem:v51+s3+$0x0], $0xffff;
	v55 =	vadd.f32 v30, v5;
	v5 =	vadd.f32 v36, v48  }
0x33d: {  	v34 =	vadd.f32 v24, v52;
	v40 =	vld.idx.msk [tilespmem:v56+s3+$0x0], $0xffff;
	v56 =	vadd.f32 v63, v45;
	v30 =	vmul.f32 v22, v15  }
0x33e: {  	v25 =	vadd.s32 $0x11D03, v37;
	v41 =	vld.idx.msk [tilespmem:v53+s3+$0x0], $0xffff;
	v18 =	vsub.f32 v18, v44;
	v5 =	vsub.f32 v5, v55  }
0x33f: {  	v24 =	vld.idx.msk [tilespmem:v47+s3+$0x0], $0xffff;
	v15 =	vadd.s32 $0x11D24, v37;
	v30 =	vadd.f32 v30, v54;
	v60 =	vmul.f32 v61, v59  }
0x340: {  	v22 =	vld.idx.msk [tilespmem:v50+s3+$0x0], $0xffff;
	v63 =	vsub.f32 v56, v32;
	v61 =	vmul.f32 v18, v21;
	v62 =	vmul.f32 v5, v21  }
0x341: {  	[tilespmem:s15+$0xFFFFFFF0] =	vst v35;
	v36 =	vld.idx.msk [tilespmem:v57+s3+$0x0], $0xffff;
	v18 =	vadd.s32 $0x11D25, v37;
	v35 =	vsub.f32 v30, v34;
	v5 =	vadd.f32 v60, v31  }
0x342: {  	s20 =	simm.s32 $0x1AE10;
	s25 =	simm.s32 $0x60;
	v30 =	vld.idx.msk [tilespmem:v58+s3+$0x0], $0xffff;
	v42 =	vadd.f32 v61, v44;
	v31 =	vmul.f32 v63, v1;
	v37 =	vadd.f32 v62, v55  }
.LBB2_5:
0x343: {  	v43 =	vld [tilespmem:s20+$0xFFFFFE00];
	v40 =	vsub.f32 v40, v39;
	v35 =	vmul.f32 v35, v1;
	[tilespmem:s13+$0x1F0] =	vst v5;
	v1 =	vmovc v3;
	v3 =	vmov v29;
	s13 =	smov.u32 s14;
	s14 =	smov.u32 s15;
	s15 =	smov.u32 s18  }
0x344: {  	v29 =	vld [tilespmem:s20+$0x0];
	v37 =	vsub.f32 v37, v42;
	v5 =	vadd.f32 v31, v32  }
0x345: {  	v41 =	vsub.f32 v41, v22;
	v31 =	vld [tilespmem:s20+$0x200];
	v40 =	vmul.f32 v40, v16;
	v32 =	vadd.f32 v35, v34  }
0x346: {  	v46 =	vadd.s32 $0x118C2, v17;
	v35 =	vld [tilespmem:s20+$0xFFFFFFF0];
	v44 =	vmul.f32 v37, v19  }
0x347: {  	v37 =	vmul.f32 v41, v16;
	v36 =	vsub.f32 v36, v24;
	v41 =	vadd.s32 $0x118C3, v17;
	v48 =	vld [tilespmem:s20+$0x1F0]  }
0x348: {  	v34 =	vadd.f32 v40, v39;
	v49 =	vld [tilespmem:s20+$0xFFFFFDF0];
	v40 =	vadd.f32 v44, v42;
	v42 =	vadd.s32 $0x118E3, v17  }
0x349: {  	v45 =	vmul.f32 $3.200000000e+01, v43;
	v44 =	vadd.s32 $0x118E4, v17;
	v29 =	vmul.f32 $3.200000000e+01, v29;
	v43 =	vld.idx.msk [tilespmem:v38+s3+$0x0], $0xffff  }
0x34a: {  	v39 =	vmul.f32 v36, v16;
	v36 =	vadd.s32 $0x11D03, v17;
	v38 =	vmul.f32 $3.200000000e+01, v31;
	[tilespmem:s18+$0x0] =	vst v40;
	v31 =	vld.idx.msk [tilespmem:v9+s3+$0x0], $0xffff;
	v9 =	vmovc v33  }
0x34b: {  	v51 =	vadd.s32 $0x11D04, v17;
	v33 =	vmax.f32 v45, $0.0e+00;
	v40 =	vmax.f32 v29, $0.0e+00;
	v46 =	vld.idx.msk [tilespmem:v46+s3+$0x0], $0xffff  }
0x34c: {  	v40 =	vmin.f32 v40, $3.150000000e+01;
	v47 =	vmax.f32 v38, $0.0e+00;
	v52 =	vld.idx.msk [tilespmem:v41+s3+$0x0], $0xffff;
	v41 =	vadd.s32 $0x11D24, v17  }
0x34d: {  	v17 =	vadd.s32 $0x11D25, v17;
	v40 =	vtrunc.f32 v40;
	v47 =	vmin.f32 v47, $3.150000000e+01;
	v53 =	vld.idx.msk [tilespmem:v42+s3+$0x0], $0xffff  }
0x34e: {  	v33 =	vmin.f32 v33, $3.150000000e+01;
	v50 =	vcvt.f32.s32 v40;
	v40 =	vtrunc.f32 v47;
	v42 =	vld.idx.msk [tilespmem:v44+s3+$0x0], $0xffff  }
0x34f: {  	v33 =	vtrunc.f32 v33;
	v44 =	vcvt.f32.s32 v40;
	v40 =	vsub.f32 v43, v30;
	v43 =	vld.idx.msk [tilespmem:v36+s3+$0x0], $0xffff  }
0x350: {  	v54 =	vcvt.f32.s32 v33;
	v47 =	vmul.f32 $3.200000000e+01, v35;
	v33 =	vmul.u32 $0x21, v50;
	v55 =	vld.idx.msk [tilespmem:v51+s3+$0x0], $0xffff  }
0x351: {  	v51 =	vmul.f32 $3.200000000e+01, v49;
	v49 =	vmul.f32 $3.200000000e+01, v48;
	v35 =	vmul.u32 $0x441, v44;
	v48 =	vld.idx.msk [tilespmem:v41+s3+$0x0], $0xffff  }
0x352: {  	v36 =	vmax.f32 v47, $0.0e+00;
	v41 =	vadd.s32 v54, v33;
	v33 =	vmul.f32 v40, v16;
	v56 =	vld.idx.msk [tilespmem:v17+s3+$0x0], $0xffff  }
0x353: {  	v36 =	vmin.f32 v36, $3.150000000e+01;
	v57 =	vmax.f32 v49, $0.0e+00;
	v17 =	vadd.s32 v35, v41;
	v40 =	vld.idx.msk [tilespmem:v6+s3+$0x0], $0xffff;
	v6 =	vmovc v27  }
0x354: {  	v27 =	vtrunc.f32 v36;
	v36 =	vmin.f32 v57, $3.150000000e+01;
	v57 =	vadd.s32 $0x1, v17;
	v35 =	vld.idx.msk [tilespmem:v7+s3+$0x0], $0xffff;
	v7 =	vmovc v28  }
0x355: {  	v28 =	vmax.f32 v51, $0.0e+00;
	v27 =	vcvt.f32.s32 v27;
	v58 =	vadd.s32 $0x21, v17;
	v41 =	vld.idx.msk [tilespmem:v8+s3+$0x0], $0xffff;
	v8 =	vmovc v26  }
0x356: {  	v59 =	vadd.s32 $0x22, v17;
	v26 =	vmin.f32 v28, $3.150000000e+01;
	v28 =	vtrunc.f32 v36;
	v36 =	vld.idx.msk [tilespmem:v10+s3+$0x0], $0xffff;
	v10 =	vmovc v25  }
0x357: {  	v52 =	vsub.f32 v52, v46;
	v60 =	vsub.f32 v42, v53;
	v25 =	vadd.s32 $0x441, v17;
	v42 =	vld.idx.msk [tilespmem:v11+s3+$0x0], $0xffff;
	v11 =	vmovc v23  }
0x358: {  	s25 =	sadd.s32 $0x20, s25;
	v61 =	vadd.s32 $0x442, v17;
	v55 =	vsub.f32 v55, v43;
	v56 =	vsub.f32 v56, v48;
	v23 =	vld.idx.msk [tilespmem:v17+s3+$0x0], $0xffff  }
0x359: {  	p0 =	slt.u32 s25, $0x1E0;
	v52 =	vmul.f32 v52, v20;
	v62 =	vadd.s32 $0x462, v17;
	v60 =	vmul.f32 v60, v20;
	v57 =	vld.idx.msk [tilespmem:v57+s3+$0x0], $0xffff  }
0x35a: {  	v63 =	vadd.s32 $0x463, v17;
	v55 =	vmul.f32 v55, v20;
	v20 =	vmul.f32 v56, v20;
	v58 =	vld.idx.msk [tilespmem:v58+s3+$0x0], $0xffff  }
0x35b: {  	v52 =	vadd.f32 v52, v46;
	v28 =	vcvt.f32.s32 v28;
	v46 =	vadd.f32 v60, v53;
	v56 =	vld.idx.msk [tilespmem:v59+s3+$0x0], $0xffff  }
0x35c: {  	v26 =	vtrunc.f32 v26;
	v53 =	vadd.f32 v55, v43;
	v20 =	vadd.f32 v20, v48;
	v25 =	vld.idx.msk [tilespmem:v25+s3+$0x0], $0xffff  }
0x35d: {  	v26 =	vcvt.f32.s32 v26;
	v43 =	vmul.u32 $0x441, v28;
	v48 =	vmul.u32 $0x21, v27;
	v55 =	vld.idx.msk [tilespmem:v61+s3+$0x0], $0xffff  }
0x35e: {  	v46 =	vsub.f32 v46, v52;
	v27 =	vcvt.s32.f32 v27;
	v20 =	vsub.f32 v20, v53;
	v59 =	vld.idx.msk [tilespmem:v62+s3+$0x0], $0xffff  }
0x35f: {  	v60 =	vcvt.s32.f32 v26;
	v28 =	vcvt.s32.f32 v28;
	v26 =	vadd.s32 v26, v48;
	v61 =	vld.idx.msk [tilespmem:v63+s3+$0x0], $0xffff  }
0x360: {  	v48 =	vadd.s32 v43, v26;
	v26 =	vmul.f32 v46, v21;
	v20 =	vmul.f32 v20, v21;
	v43 =	vld.idx.msk [tilespmem:v13+s3+$0x0], $0xffff  }
0x361: {  	v54 =	vcvt.s32.f32 v54;
	v21 =	vadd.s32 $0x1, v48;
	v62 =	vadd.s32 $0x21, v48;
	v13 =	vmovc v15;
	v46 =	vld.idx.msk [tilespmem:v12+s3+$0x0], $0xffff;
	v12 =	vmovc v18  }
0x362: {  	v15 =	vadd.s32 $0x22, v48;
	v18 =	vadd.f32 v26, v52;
	v26 =	vadd.f32 v20, v53  }
0x363: {  	v52 =	vadd.s32 $0x441, v48;
	v20 =	vsub.f32 v45, v54;
	v45 =	vsub.f32 v57, v23  }
0x364: {  	v53 =	vadd.s32 $0x442, v48;
	v54 =	vsub.f32 v56, v58;
	v26 =	vsub.f32 v26, v18  }
0x365: {  	v55 =	vsub.f32 v55, v25;
	v45 =	vmul.f32 v20, v45;
	v57 =	vsub.f32 v61, v59;
	v56 =	vld.idx.msk [tilespmem:v48+s3+$0x0], $0xffff  }
0x366: {  	v63 =	vadd.s32 $0x462, v48;
	v19 =	vmul.f32 v26, v19;
	v61 =	vld.idx.msk [tilespmem:v21+s3+$0x0], $0xffff;
	v21 =	vmul.f32 v54, v20  }
0x367: {  	v23 =	vadd.f32 v45, v23;
	v45 =	vmul.f32 v55, v20;
	v54 =	vmul.f32 v57, v20;
	v26 =	vld.idx.msk [tilespmem:v62+s3+$0x0], $0xffff  }
0x368: {  	v50 =	vcvt.s32.f32 v50;
	v18 =	vadd.f32 v19, v18;
	v15 =	vld.idx.msk [tilespmem:v15+s3+$0x0], $0xffff;
	v55 =	vadd.f32 v21, v58  }
0x369: {  	v19 =	vadd.s32 $0x463, v48;
	v25 =	vadd.f32 v45, v25;
	v57 =	vld.idx.msk [tilespmem:v52+s3+$0x0], $0xffff;
	v52 =	vadd.f32 v54, v59  }
0x36a: {  	v45 =	vsub.f32 v51, v60;
	v51 =	vadd.s32 $0x8C61, v48;
	v21 =	vsub.f32 v29, v50;
	v53 =	vld.idx.msk [tilespmem:v53+s3+$0x0], $0xffff;
	[tilespmem:s18+$0x200] =	vst v18  }
0x36b: {  	v50 =	vadd.s32 $0x8C62, v48;
	v54 =	vsub.f32 v55, v23;
	v18 =	vld.idx.msk [tilespmem:v63+s3+$0x0], $0xffff;
	v55 =	vsub.f32 v52, v25  }
0x36c: {  	v29 =	vsub.f32 v47, v27;
	v27 =	vsub.f32 v61, v56;
	v52 =	vadd.s32 $0x8C82, v48  }
0x36d: {  	v47 =	vsub.f32 v49, v28;
	v28 =	vmul.f32 v54, v21;
	v54 =	vmul.f32 v55, v21  }
0x36e: {  	v49 =	vadd.s32 $0x8C83, v48;
	v27 =	vmul.f32 v45, v27;
	v15 =	vsub.f32 v15, v26;
	v55 =	vld.idx.msk [tilespmem:v19+s3+$0x0], $0xffff  }
0x36f: {  	v19 =	vcvt.s32.f32 v44;
	v23 =	vadd.f32 v28, v23;
	v25 =	vadd.f32 v54, v25  }
0x370: {  	v27 =	vadd.f32 v27, v56;
	v15 =	vmul.f32 v15, v45;
	v28 =	vsub.f32 v53, v57  }
0x371: {  	v53 =	vadd.s32 $0x90A2, v48;
	v19 =	vsub.f32 v38, v19;
	v25 =	vsub.f32 v25, v23  }
0x372: {  	v54 =	vadd.s32 $0x90A3, v48;
	v15 =	vadd.f32 v15, v26;
	v26 =	vmul.f32 v28, v45  }
0x373: {  	v44 =	vadd.s32 $0x90C3, v48;
	v28 =	vadd.s32 $0x8C61, v17;
	v25 =	vmul.f32 v25, v19  }
0x374: {  	v56 =	vadd.f32 v26, v57;
	v26 =	vsub.f32 v55, v18;
	v55 =	vadd.s32 $0x8C62, v17  }
0x375: {  	v15 =	vsub.f32 v15, v27;
	v23 =	vadd.f32 v25, v23;
	v25 =	vadd.s32 $0x8C82, v17  }
0x376: {  	s18 =	sadd.s32 $0x20, s18;
	v38 =	vadd.s32 $0x90C4, v48;
	v57 =	vadd.s32 $0x8C83, v17;
	v26 =	vmul.f32 v26, v45  }
0x377: {  	v22 =	vadd.f32 v37, v22;
	v15 =	vmul.f32 v15, v29;
	[tilespmem:s18+$0xFFFFFE00] =	vst v23;
	v23 =	vadd.s32 $0x90A2, v17  }
0x378: {  	v24 =	vadd.f32 v39, v24;
	v58 =	vadd.s32 $0x90A3, v17;
	v18 =	vadd.f32 v26, v18;
	v37 =	vld.idx.msk [tilespmem:v28+s3+$0x0], $0xffff  }
0x379: {  	v39 =	vadd.f32 v15, v27;
	v15 =	vadd.s32 $0x90C3, v17;
	v26 =	vadd.f32 v33, v30;
	v55 =	vld.idx.msk [tilespmem:v55+s3+$0x0], $0xffff  }
0x37a: {  	v22 =	vsub.f32 v22, v34;
	v59 =	vadd.s32 $0x90C4, v17;
	v18 =	vsub.f32 v18, v56;
	v30 =	vld.idx.msk [tilespmem:v25+s3+$0x0], $0xffff  }
0x37b: {  	v33 =	vadd.s32 $0x118C2, v48;
	v27 =	vadd.s32 $0x118C3, v48;
	v60 =	vsub.f32 v26, v24;
	v57 =	vld.idx.msk [tilespmem:v57+s3+$0x0], $0xffff  }
0x37c: {  	v22 =	vmul.f32 v22, v3;
	v28 =	vadd.s32 $0x118E3, v48;
	v18 =	vmul.f32 v18, v29;
	v61 =	vld.idx.msk [tilespmem:v23+s3+$0x0], $0xffff  }
0x37d: {  	v26 =	vadd.s32 $0x118E4, v48;
	v25 =	vadd.s32 $0x11D03, v48;
	v60 =	vmul.f32 v60, v3;
	v58 =	vld.idx.msk [tilespmem:v58+s3+$0x0], $0xffff  }
0x37e: {  	v22 =	vadd.f32 v22, v34;
	v23 =	vadd.s32 $0x11D04, v48;
	v56 =	vadd.f32 v18, v56;
	v62 =	vld.idx.msk [tilespmem:v15+s3+$0x0], $0xffff  }
0x37f: {  	v18 =	vadd.s32 $0x11D25, v48;
	v24 =	vadd.f32 v60, v24;
	v15 =	vadd.s32 $0x11D24, v48;
	v34 =	vld.idx.msk [tilespmem:v59+s3+$0x0], $0xffff  }
0x380: {  	v40 =	vsub.f32 v40, v31;
	v48 =	vsub.f32 v56, v39  }
0x381: {  	v41 =	vsub.f32 v41, v35;
	v24 =	vsub.f32 v24, v22  }
0x382: {  	v42 =	vsub.f32 v42, v36;
	v46 =	vsub.f32 v46, v43;
	v48 =	vmul.f32 v48, v47  }
0x383: {  	v56 =	vmul.f32 v40, v4;
	v59 =	vsub.f32 v32, v5;
	v24 =	vmul.f32 v24, v14  }
0x384: {  	v41 =	vmul.f32 v41, v4;
	v32 =	vsub.f32 v55, v37;
	v40 =	vsub.f32 v57, v30  }
0x385: {  	v42 =	vmul.f32 v42, v4;
	v55 =	vsub.f32 v58, v61;
	v34 =	vsub.f32 v34, v62  }
0x386: {  	v32 =	vmul.f32 v32, v20;
	v40 =	vmul.f32 v40, v20;
	v39 =	vadd.f32 v48, v39  }
0x387: {  	v22 =	vadd.f32 v24, v22;
	v48 =	vmul.f32 v55, v20;
	v34 =	vmul.f32 v34, v20  }
0x388: {  	v37 =	vadd.f32 v32, v37;
	v24 =	vadd.f32 v40, v30;
	v30 =	vmul.f32 v46, v4;
	[tilespmem:s18+$0xFFFFFDF0] =	vst v39  }
0x389: {  	v4 =	vmov v16;
	v46 =	vadd.f32 v48, v61;
	v34 =	vadd.f32 v34, v62;
	v39 =	vld.idx.msk [tilespmem:v51+s3+$0x0], $0xffff;
	[tilespmem:s15+$0xFFFFFFF0] =	vst v22  }
0x38a: {  	v32 =	vadd.f32 v56, v31;
	v31 =	vadd.f32 v41, v35;
	v48 =	vmul.f32 v59, v0;
	v40 =	vld.idx.msk [tilespmem:v50+s3+$0x0], $0xffff  }
.Ltmp3:
0x38b: {  	v16 =	vmovc v45;
	v35 =	vsub.f32 v24, v37;
	v0 =	vmov v2;
	v50 =	vsub.f32 v34, v46;
	v22 =	vld.idx.msk [tilespmem:v52+s3+$0x0], $0xffff;
	(pc) =	sbr.rel @p0 .LBB2_5-.Ltmp3, $4  }
0x38c: {  	v30 =	vadd.f32 v30, v43;
	v2 =	vmovc v14;
	v14 =	vmov v47;
	v34 =	vadd.f32 v42, v36;
	v41 =	vld.idx.msk [tilespmem:v49+s3+$0x0], $0xffff  }
0x38d: {  	v31 =	vsub.f32 v31, v32;
	v42 =	vmul.f32 v35, v21;
	v43 =	vmul.f32 v50, v21;
	v24 =	vld.idx.msk [tilespmem:v53+s3+$0x0], $0xffff  }
0x38e: {  	v5 =	vadd.f32 v48, v5;
	v35 =	vsub.f32 v30, v34;
	v36 =	vld.idx.msk [tilespmem:v54+s3+$0x0], $0xffff  }
0x38f: {  	s20 =	sadd.s32 $0x20, s20;
	v31 =	vmul.f32 v31, v1;
	v42 =	vadd.f32 v42, v37;
	v37 =	vadd.f32 v43, v46;
	v30 =	vld.idx.msk [tilespmem:v44+s3+$0x0], $0xffff  }
0x390: {  	_ =	sdelay $0x3  }
0x391: {  	v38 =	vld.idx.msk [tilespmem:v38+s3+$0x0], $0xffff;
	_ =	sdelay $0x3  }
0x392: {  	v40 =	vsub.f32 v40, v39;
	v41 =	vsub.f32 v41, v22  }
0x393: {  	v36 =	vsub.f32 v36, v24;
	v38 =	vsub.f32 v38, v30  }
0x394: {  	v40 =	vmul.f32 v40, v16;
	v41 =	vmul.f32 v41, v16  }
0x395: {  	v37 =	vsub.f32 v37, v42;
	v36 =	vmul.f32 v36, v16;
	v38 =	vmul.f32 v38, v16  }
0x396: {  	v9 =	vld.idx.msk [tilespmem:v9+s3+$0x0], $0xffff;
	v48 =	vadd.f32 v40, v39;
	v49 =	vadd.f32 v41, v22  }
0x397: {  	v6 =	vld.idx.msk [tilespmem:v6+s3+$0x0], $0xffff;
	v52 =	vadd.f32 v36, v24;
	v54 =	vadd.f32 v38, v30  }
0x398: {  	v43 =	vadd.s32 $0x118C2, v17;
	v7 =	vld.idx.msk [tilespmem:v7+s3+$0x0], $0xffff  }
0x399: {  	v8 =	vld.idx.msk [tilespmem:v8+s3+$0x0], $0xffff;
	v37 =	vmul.f32 v37, v19;
	v22 =	vsub.f32 v49, v48;
	v30 =	vsub.f32 v54, v52  }
0x39a: {  	v44 =	vadd.s32 $0x118C3, v17;
	v63 =	vadd.s32 $0x118E3, v17;
	v10 =	vld.idx.msk [tilespmem:v10+s3+$0x0], $0xffff  }
0x39b: {  	v11 =	vld.idx.msk [tilespmem:v11+s3+$0x0], $0xffff;
	v37 =	vadd.f32 v37, v42;
	v22 =	vmul.f32 v22, v29;
	v30 =	vmul.f32 v30, v29  }
0x39c: {  	v45 =	vadd.s32 $0x118E4, v17;
	v13 =	vld.idx.msk [tilespmem:v13+s3+$0x0], $0xffff  }
0x39d: {  	v50 =	vadd.s32 $0x11D03, v17;
	v12 =	vld.idx.msk [tilespmem:v12+s3+$0x0], $0xffff;
	[tilespmem:s18+$0x0] =	vst v37;
	v22 =	vadd.f32 v22, v48;
	v24 =	vadd.f32 v30, v52  }
0x39e: {  	v53 =	vadd.s32 $0x11D04, v17;
	v51 =	vld.idx.msk [tilespmem:v43+s3+$0x0], $0xffff  }
0x39f: {  	v56 =	vadd.s32 $0x11D24, v17;
	v55 =	vld.idx.msk [tilespmem:v44+s3+$0x0], $0xffff;
	v24 =	vsub.f32 v24, v22  }
0x3a0: {  	v57 =	vadd.s32 $0x11D25, v17;
	v42 =	vld.idx.msk [tilespmem:v63+s3+$0x0], $0xffff  }
0x3a1: {  	v58 =	vld.idx.msk [tilespmem:v45+s3+$0x0], $0xffff;
	v24 =	vmul.f32 v24, v14  }
0x3a2: {  	v37 =	vld.idx.msk [tilespmem:v50+s3+$0x0], $0xffff  }
0x3a3: {  	v36 =	vld.idx.msk [tilespmem:v53+s3+$0x0], $0xffff;
	v22 =	vadd.f32 v24, v22  }
0x3a4: {  	v6 =	vsub.f32 v6, v9;
	v8 =	vsub.f32 v8, v7;
	v59 =	vld.idx.msk [tilespmem:v56+s3+$0x0], $0xffff  }
0x3a5: {  	v11 =	vsub.f32 v11, v10;
	v12 =	vsub.f32 v12, v13;
	v17 =	vld.idx.msk [tilespmem:v57+s3+$0x0], $0xffff;
	[tilespmem:s18+$0xFFFFFFF0] =	vst v22  }
0x3a6: {  	v6 =	vmul.f32 v6, v4;
	v8 =	vmul.f32 v8, v4;
	v43 =	vld.idx.msk [tilespmem:v33+s3+$0x0], $0xffff  }
0x3a7: {  	v47 =	vmul.f32 v11, v4;
	v50 =	vmul.f32 v12, v4;
	v27 =	vld.idx.msk [tilespmem:v27+s3+$0x0], $0xffff  }
0x3a8: {  	v1 =	vmul.f32 v35, v1;
	v6 =	vadd.f32 v6, v9;
	v7 =	vadd.f32 v8, v7;
	v28 =	vld.idx.msk [tilespmem:v28+s3+$0x0], $0xffff  }
0x3a9: {  	v8 =	vadd.f32 v47, v10;
	v4 =	vadd.f32 v50, v13;
	v26 =	vld.idx.msk [tilespmem:v26+s3+$0x0], $0xffff  }
0x3aa: {  	v31 =	vadd.f32 v31, v32;
	v1 =	vadd.f32 v1, v34;
	v25 =	vld.idx.msk [tilespmem:v25+s3+$0x0], $0xffff  }
0x3ab: {  	v7 =	vsub.f32 v7, v6;
	v4 =	vsub.f32 v4, v8;
	v23 =	vld.idx.msk [tilespmem:v23+s3+$0x0], $0xffff  }
0x3ac: {  	v60 =	vsub.f32 v55, v51;
	v61 =	vsub.f32 v58, v42;
	v15 =	vld.idx.msk [tilespmem:v15+s3+$0x0], $0xffff  }
0x3ad: {  	v62 =	vsub.f32 v36, v37;
	v7 =	vmul.f32 v7, v3;
	v56 =	vmul.f32 v4, v3;
	v18 =	vld.idx.msk [tilespmem:v18+s3+$0x0], $0xffff  }
0x3ae: {  	v17 =	vsub.f32 v17, v59;
	v30 =	vmul.f32 v60, v20;
	v63 =	vmul.f32 v61, v20  }
0x3af: {  	v6 =	vadd.f32 v7, v6;
	v3 =	vadd.f32 v56, v8  }
0x3b0: {  	v44 =	vadd.f32 v30, v51;
	v45 =	vadd.f32 v63, v42  }
0x3b1: {  	v17 =	vmul.f32 v17, v20;
	v48 =	vsub.f32 v27, v43;
	v49 =	vsub.f32 v26, v28  }
0x3b2: {  	v41 =	vmul.f32 v62, v20;
	v51 =	vsub.f32 v23, v25;
	v18 =	vsub.f32 v18, v15  }
0x3b3: {  	v17 =	vadd.f32 v17, v59;
	v9 =	vmul.f32 v48, v16;
	v52 =	vmul.f32 v49, v16  }
0x3b4: {  	v22 =	vadd.f32 v41, v37;
	v53 =	vmul.f32 v51, v16;
	v54 =	vmul.f32 v18, v16  }
0x3b5: {  	v9 =	vadd.f32 v9, v43;
	v10 =	vadd.f32 v52, v28  }
0x3b6: {  	v11 =	vadd.f32 v53, v25;
	v12 =	vadd.f32 v54, v15  }
0x3b7: {  	v30 =	vsub.f32 v45, v44;
	v17 =	vsub.f32 v17, v22  }
0x3b8: {  	v10 =	vsub.f32 v10, v9;
	v12 =	vsub.f32 v12, v11  }
0x3b9: {  	v1 =	vsub.f32 v1, v31;
	v30 =	vmul.f32 v30, v21;
	v17 =	vmul.f32 v17, v21  }
0x3ba: {  	v3 =	vsub.f32 v3, v6;
	v57 =	vmul.f32 v10, v29;
	v58 =	vmul.f32 v12, v29  }
0x3bb: {  	v46 =	vadd.f32 v30, v44;
	v17 =	vadd.f32 v17, v22  }
0x3bc: {  	v4 =	vadd.f32 v57, v9;
	v59 =	vadd.f32 v58, v11  }
0x3bd: {  	v0 =	vmul.f32 v1, v0;
	v55 =	vsub.f32 v17, v46  }
0x3be: {  	v2 =	vmul.f32 v3, v2;
	v61 =	vsub.f32 v59, v4  }
0x3bf: {  	v0 =	vadd.f32 v0, v31;
	v60 =	vmul.f32 v55, v19  }
0x3c0: {  	[tilespmem:s13+$0x1F0] =	vst v5;
	v2 =	vadd.f32 v2, v6;
	v1 =	vmul.f32 v61, v14  }
0x3c1: {  	s12 =	sor.u32 $0x200, s12;
	[tilespmem:s14+$0x1F0] =	vst v0;
	v62 =	vadd.f32 v60, v46  }
0x3c2: {  	s20 =	sor.u32 s5, s12;
	[tilespmem:s15+$0x1F0] =	vst v2;
	v63 =	vadd.f32 v1, v4  }
0x3c3: {  	s13 =	sshrl.u32 s20, $0x3;
	[tilespmem:s18+$0x200] =	vst v62  }
0x3c4: {  	s25 =	sor.u32 s8, s12;
	s13 =	sadd.s32 s6, s13;
	[tilespmem:s18+$0x1F0] =	vst v63  }
0x3c5: {  	[hbm4b:s13+s3] =	stream.linear.scatter [tilespmem:s0], [sflag:$0x5], $0x200, $0x38;
	[tilespmem:$0x1BD80] =	vst v63  }
.Ltmp4:
0x3c6: {  	s12 =	sor.u32 s9, s12;
	s13 =	sshrl.u32 s25, $0x3;
	(pc) =	sbr.rel @p1 .LBB2_8-.Ltmp4, $4  }
0x3c7: {  	s12 =	sshrl.u32 s12, $0x3;
	s13 =	sadd.s32 s6, s13  }
0x3c8: {  	[hbm4b:s13+s3] =	stream.linear.scatter [tilespmem:s2], [sflag:$0x5], $0x200, $0x38;
	[tilespmem:$0x1BD80] =	vst v63  }
0x3c9: {  	s12 =	sadd.s32 s6, s12  }
0x3ca: {  	[hbm4b:s12+s3] =	stream.linear.scatter [tilespmem:s19], [sflag:$0x5], $0x200, $0x38;
	[tilespmem:$0x1BD80] =	vst v63  }
0x3cb: {  	s11 =	sadd.s32 s11, s17  }
0x3cc: {  	s12 =	sadd.s32 s5, s11  }
0x3cd: {  	s12 =	sshrl.u32 s12, $0x3  }
0x3ce: {  	s25 =	sadd.s32 s8, s11;
	s12 =	sadd.s32 s1, s12  }
0x3cf: {  	[tilespmem:s22], [sflag:$0x3] =	stream.linear.gather [hbm4b:s12+s3], $0x200, $0x38;
	[tilespmem:$0x1BD80] =	vst v63  }
.Ltmp5:
0x3d0: {  	s11 =	sadd.s32 s9, s11;
	s12 =	sshrl.u32 s25, $0x3;
	(pc) =	sbr.rel .LBB2_2-.Ltmp5, $4  }
0x3d1: {  	s11 =	sshrl.u32 s11, $0x3;
	s12 =	sadd.s32 s1, s12  }
0x3d2: {  	[tilespmem:s23], [sflag:$0x3] =	stream.linear.gather [hbm4b:s12+s3], $0x200, $0x38;
	[tilespmem:$0x1BD80] =	vst v63  }
0x3d3: {  	s10 =	sadd.s32 $0x1, s10;
	s11 =	sadd.s32 s1, s11  }
0x3d4: {  	[tilespmem:s24], [sflag:$0x3] =	stream.linear.gather [hbm4b:s11+s3], $0x200, $0x38;
	[tilespmem:$0x1BD80] =	vst v63  }
.LBB2_9:
0x3d5: {  	_ =	sfence.sel $0x180000  }
0x3d6: {  	[bflag:$0x0] =	sbarrier.arrive $0xFFFF  }
0x3d7: {  	_ =	strace $0x90000047  }
0x3d8: {  	s0 =	stileid.u32;
	[bflag:$0x2] =	sbarrier.arrive $0xFFFF  }
0x3d9: {  	p0 =	sne.s32 s0, $0x0;
	s0 =	rddreg [dreg:$0x2]  }
0x3da: {  	s0 =	sadd.s32 @!p0 $0x100000, s0  }
0x3db: {  	[sflag:s0] =	ssyncadd.tile.s32 @!p0 $0x1;
	_ =	shalt  }
.Lfunc_end2:
_tile_overlayer_lowered:
.L_overlay_start_2:
0x3dc: {  	(tag) =	ssettag $0x2  }
0x3dd: {  	s0 =	rddreg [dreg:$0x0];
	s2 =	stileid.u32  }
0x3de: {  	s1 =	rddreg [dreg:$0x1];
	p0 =	sne.s32 s2, $0x0  }
0x3df: {  	s3 =	rddreg [dreg:$0x2];
	[bflag:$0x3] =	sbarrier.arrive $0xFFFF;
	s2 =	simm.s32 @!p0 $0x1C06  }
0x3e0: {  	[timem:s3], [sflag:s2] =	dma.local @!p0 [hbm:s0], s1  }
0x3e1: {  	s0 =	simm.s32 @!p0 $0x6  }
0x3e2: {  	_ =	swait.ge @!p0 [sflag:s0], s1  }
0x3e3: {  	s1 =	ssub.s32 @!p0 $0x0, s1;
	[sflag:s0] =	ssyncset.done @!p0 $0x0  }
0x3e4: {  	[sflag:s0] =	ssyncadd.s32 @!p0 s1  }
0x3e5: {  	[bflag:$0x3] =	sbarrier.arrive $0xFFFF  }
0x3e6: {  	_ =	shalt  }

</sc_bundles>
